<compile_context>
chip_gen: v7x
topology: tpu7x:2x2x1
jax: 0.10.2.dev20260603
libtpu: 0.0.44.dev20260713+nightly
codegen_flags: <defaults>
</compile_context>

<pallas_src>
import functools

import jax
import jax.numpy as jnp
from jax import lax
from jax.experimental import pallas as pl
from jax.experimental.pallas import tpu as pltpu
from jax.experimental.pallas import tpu_sc as plsc

B = 1024
V = 1000
E = 64
NT = 8
SW = 128
NC = 2
NS = 16
L = 16
NW = NC * NS
ROWS = B // NW


def _tc_scores_body(cen_ref, tgt_ref, emb_v_ref, emb_u_ref, av_ref,
                    e_out_ref, av_out_ref, scores_ref):
    rowv = lax.broadcasted_iota(jnp.int32, (V, B), 0)
    oh_c = (cen_ref[...] == rowv).astype(jnp.float32)
    c_t = jnp.dot(emb_v_ref[...], oh_c,
                  preferred_element_type=jnp.float32)
    m_t = lax.dot_general(emb_u_ref[...], c_t, (((0,), (0,)), ((), ())),
                          preferred_element_type=jnp.float32)
    scores_ref[...] = jnp.sum(jnp.where(tgt_ref[...] == rowv, m_t, 0.0),
                              axis=0, keepdims=True)
    e_bt = jnp.transpose(jnp.exp(m_t), (1, 0))
    av_bt = jnp.transpose(av_ref[...], (1, 0))
    for t in range(NT):
        w = min(SW, V - t * SW)
        e_out_ref[t, :, :w] = e_bt[:, t * SW:t * SW + w]
        av_out_ref[t, :, :w] = av_bt[:, t * SW:t * SW + w]
    e_out_ref[NT - 1, :, V - (NT - 1) * SW:] = jnp.zeros(
        (B, NT * SW - V), jnp.float32)
    av_out_ref[NT - 1, :, V - (NT - 1) * SW:] = jnp.full(
        (B, NT * SW - V), V, jnp.int32)


_tc_scores = pl.pallas_call(
    _tc_scores_body,
    out_shape=(
        jax.ShapeDtypeStruct((NT, B, SW), jnp.float32),
        jax.ShapeDtypeStruct((NT, B, SW), jnp.int32),
        jax.ShapeDtypeStruct((1, B), jnp.float32),
    ),
)


_sc_mesh = plsc.VectorSubcoreMesh(core_axis_name="c", subcore_axis_name="s")


@functools.partial(
    pl.kernel,
    out_type=jax.ShapeDtypeStruct((B,), jnp.float32),
    mesh=_sc_mesh,
    compiler_params=pltpu.CompilerParams(
        use_tc_tiling_on_sc=False, needs_layout_passes=False),
    scratch_types=[
        pltpu.VMEM((NT, ROWS, SW), jnp.float32),
        pltpu.VMEM((NT, ROWS, SW), jnp.int32),
        pltpu.VMEM((ROWS, L), jnp.float32),
        pltpu.VMEM((ROWS,), jnp.float32),
        pltpu.SemaphoreType.DMA,
        pltpu.SemaphoreType.DMA,
    ],
)
def _sc_gather_sum(e_hbm, av_hbm, out_hbm, e_v, av_v, accs_v, sum_v,
                   sem_e, sem_i):
    wid = lax.axis_index("s") * NC + lax.axis_index("c")
    base = wid * ROWS
    half = ROWS // 2
    cp1 = [pltpu.async_copy(e_hbm.at[:, pl.ds(base, half)],
                            e_v.at[:, pl.ds(0, half)], sem_e),
           pltpu.async_copy(av_hbm.at[:, pl.ds(base, half)],
                            av_v.at[:, pl.ds(0, half)], sem_i)]
    cp2 = [pltpu.async_copy(e_hbm.at[:, pl.ds(base + half, half)],
                            e_v.at[:, pl.ds(half, half)], sem_e),
           pltpu.async_copy(av_hbm.at[:, pl.ds(base + half, half)],
                            av_v.at[:, pl.ds(half, half)], sem_i)]

    def row_body(r, carry):
        rsplat = jnp.zeros((L,), jnp.int32) + r

        def chunk(k, a, _r=r, _rs=rsplat):
            cols = av_v[k // (SW // L), _r, pl.ds((k % (SW // L)) * L, L)]
            tt = cols >> 7
            cc = cols & 127
            return a + plsc.load_gather(e_v, [tt, _rs, cc])

        acc = lax.fori_loop(0, NT * (SW // L), chunk,
                            jnp.zeros((L,), jnp.float32), unroll=16)
        accs_v[r, :] = acc
        return carry

    for cp in cp1:
        cp.wait()
    lax.fori_loop(0, half, row_body, 0)
    for cp in cp2:
        cp.wait()
    lax.fori_loop(half, ROWS, row_body, 0)
    for g in range(ROWS // L):
        rows = lax.iota(jnp.int32, L) + (g * L)
        s = jnp.zeros((L,), jnp.float32)
        for c in range(L):
            cv = jnp.full((L,), c, jnp.int32)
            s = s + plsc.load_gather(accs_v, [rows, cv])
        sum_v[pl.ds(g * L, L)] = s
    pltpu.sync_copy(sum_v, out_hbm.at[pl.ds(base, ROWS)])


def _tc_nll_body(scores_ref, ns_ref, out_ref):
    nll = jnp.mean(jnp.log(ns_ref[...])) - jnp.mean(scores_ref[...])
    out_ref[...] = jnp.broadcast_to(nll, (1, 1))


_tc_nll = pl.pallas_call(
    _tc_nll_body,
    out_shape=jax.ShapeDtypeStruct((1, 1), jnp.float32),
)


def kernel(center_words, target_words, all_vocabs, emb_v, emb_u):
    cen_t = jnp.swapaxes(center_words, 0, 1)
    tgt_t = jnp.swapaxes(target_words, 0, 1)
    emb_v_t = jnp.swapaxes(emb_v, 0, 1)
    emb_u_t = jnp.swapaxes(emb_u, 0, 1)
    av_t = jnp.swapaxes(all_vocabs, 0, 1)
    e_s, av_s, scores = _tc_scores(cen_t, tgt_t, emb_v_t, emb_u_t, av_t)
    norm_sum = _sc_gather_sum(e_s, av_s)
    return _tc_nll(scores, norm_sum)[0, 0]

# --- scband reference (transcript-rebuilt; emitter-appended) ---
"""Pipeline reference for scband-skipgram-10411000725764 (READ-ONLY COPY).

The authoritative reference and input builder live on the scoring server;
editing this copy changes nothing except your own understanding.
"""

import jax, jax.numpy as jnp
import numpy as np

B = 1024
VOCAB = 1000
EMB = 64


def setup_inputs(seed: int = 0) -> dict:
    key = jax.random.key(seed)
    k1, k2, k3, k4, k5 = jax.random.split(key, 5)
    center_words = jax.random.randint(k1, (B, 1), 0, VOCAB, dtype=jnp.int64 if jax.config.jax_enable_x64 else jnp.int32).astype(jnp.int32)
    target_words = jax.random.randint(k2, (B, 1), 0, VOCAB).astype(jnp.int32)
    all_vocabs = jax.random.randint(k3, (B, VOCAB), 0, VOCAB).astype(jnp.int32)
    emb_v = jax.random.normal(k4, (VOCAB, EMB), dtype=jnp.float32)
    emb_u = jax.random.normal(k5, (VOCAB, EMB), dtype=jnp.float32)
    return {"center_words": center_words, "target_words": target_words, "all_vocabs": all_vocabs, "emb_v": emb_v, "emb_u": emb_u}


def reference(center_words, target_words, all_vocabs, emb_v, emb_u):
    # embedding lookups (gather)
    center_embeds = jnp.take(emb_v, center_words, axis=0)   # [B, 1, E]
    target_embeds = jnp.take(emb_u, target_words, axis=0)   # [B, 1, E]
    all_embeds = jnp.take(emb_u, all_vocabs, axis=0)        # [B, V, E]
    # scores = target_embeds.bmm(center_embeds.transpose(1,2)).squeeze(2)
    scores = jnp.squeeze(jnp.matmul(target_embeds, jnp.swapaxes(center_embeds, 1, 2)), axis=2)      # [B, 1]
    norm_scores = jnp.squeeze(jnp.matmul(all_embeds, jnp.swapaxes(center_embeds, 1, 2)), axis=2)    # [B, V]
    nll = -jnp.mean(jnp.log(jnp.exp(scores) / jnp.sum(jnp.exp(norm_scores), axis=1, keepdims=True)))
    return nll

if __name__ == "__main__":
    import jax
    _d = setup_inputs()
    print(jax.jit(kernel)(*tuple(_d.values())))

</pallas_src>

<mosaic_0001>
#map = affine_map<(d0, d1) -> (0, 0, 0)>
#map1 = affine_map<(d0, d1) -> (0)>
module attributes {stable_mosaic.version = 14 : i64} {
  func.func @_sc_gather_sum(%arg0: i32, %arg1: i32, %arg2: memref<8x1024x128xf32, #tpu.memory_space<hbm>>, %arg3: memref<8x1024x128xi32, #tpu.memory_space<hbm>>, %arg4: memref<1024xf32, #tpu.memory_space<hbm>>, %arg5: memref<8x32x128xf32, #tpu.memory_space<vmem>>, %arg6: memref<8x32x128xi32, #tpu.memory_space<vmem>>, %arg7: memref<32x16xf32, #tpu.memory_space<vmem>>, %arg8: memref<32xf32, #tpu.memory_space<vmem>>, %arg9: memref<!tpu.dma_semaphore, #tpu.memory_space<semaphore_mem>>, %arg10: memref<!tpu.dma_semaphore, #tpu.memory_space<semaphore_mem>>) attributes {dimension_semantics = [#tpu.dimension_semantics<core_parallel>, #tpu.dimension_semantics<subcore_parallel>], iteration_bounds = array<i64: 2, 16>, scalar_prefetch = 0 : i64, scratch_operands = 6 : i64, tpu.core_type = #tpu.core_type<sc_vector_subcore>, window_params = [{transform_indices = #map}, {transform_indices = #map}, {transform_indices = #map1}]} {
    %mul3A = arith.constant 2 : i32
    %mul3A_0 = arith.muli %arg1, %mul3A : i32
    %add3A = arith.addi %mul3A_0, %arg0 : i32
    %mul3A_1 = arith.constant 32 : i32
    %mul3A_2 = arith.muli %add3A, %mul3A_1 : i32
    %dma_start3A = arith.constant 0 : i32
    %dma_start3A_3 = arith.constant 0 : i32
    %dma_start3A_4 = arith.constant 0 : i32
    %dma_start3A_5 = tpu.memref_slice %arg5[%dma_start3A, %dma_start3A_3, %dma_start3A_4] : memref<8x32x128xf32, #tpu.memory_space<vmem>> -> memref<8x16x128xf32, #tpu.memory_space<vmem>>
    %dma_start3A_6 = arith.constant 0 : i32
    %dma_start3A_7 = arith.constant 0 : i32
    %dma_start3A_8 = tpu.memref_slice %arg2[%dma_start3A_6, %mul3A_2, %dma_start3A_7] : memref<8x1024x128xf32, #tpu.memory_space<hbm>> -> memref<8x16x128xf32, #tpu.memory_space<hbm>>
    %dma_start3A_9 = arith.constant 0 : i32
    %dma_start3A_10 = arith.constant 0 : i32
    %dma_start3A_11 = arith.constant 0 : i32
    %dma_start3A_12 = tpu.memref_slice %arg5[%dma_start3A_9, %dma_start3A_10, %dma_start3A_11] : memref<8x32x128xf32, #tpu.memory_space<vmem>> -> memref<8x16x128xf32, #tpu.memory_space<vmem>>
    %dma_start3A_13 = arith.constant 0 : i32
    %dma_start3A_14 = arith.constant 0 : i32
    %dma_start3A_15 = tpu.memref_slice %arg2[%dma_start3A_13, %mul3A_2, %dma_start3A_14] : memref<8x1024x128xf32, #tpu.memory_space<hbm>> -> memref<8x16x128xf32, #tpu.memory_space<hbm>>
    tpu.enqueue_dma source(%dma_start3A_15 : memref<8x16x128xf32, #tpu.memory_space<hbm>>) target(%dma_start3A_12 : memref<8x16x128xf32, #tpu.memory_space<vmem>>) target_semaphore(%arg9 : memref<!tpu.dma_semaphore, #tpu.memory_space<semaphore_mem>>)
    %dma_start3A_16 = arith.constant 0 : i32
    %dma_start3A_17 = arith.constant 0 : i32
    %dma_start3A_18 = arith.constant 0 : i32
    %dma_start3A_19 = tpu.memref_slice %arg6[%dma_start3A_16, %dma_start3A_17, %dma_start3A_18] : memref<8x32x128xi32, #tpu.memory_space<vmem>> -> memref<8x16x128xi32, #tpu.memory_space<vmem>>
    %dma_start3A_20 = arith.constant 0 : i32
    %dma_start3A_21 = arith.constant 0 : i32
    %dma_start3A_22 = tpu.memref_slice %arg3[%dma_start3A_20, %mul3A_2, %dma_start3A_21] : memref<8x1024x128xi32, #tpu.memory_space<hbm>> -> memref<8x16x128xi32, #tpu.memory_space<hbm>>
    %dma_start3A_23 = arith.constant 0 : i32
    %dma_start3A_24 = arith.constant 0 : i32
    %dma_start3A_25 = arith.constant 0 : i32
    %dma_start3A_26 = tpu.memref_slice %arg6[%dma_start3A_23, %dma_start3A_24, %dma_start3A_25] : memref<8x32x128xi32, #tpu.memory_space<vmem>> -> memref<8x16x128xi32, #tpu.memory_space<vmem>>
    %dma_start3A_27 = arith.constant 0 : i32
    %dma_start3A_28 = arith.constant 0 : i32
    %dma_start3A_29 = tpu.memref_slice %arg3[%dma_start3A_27, %mul3A_2, %dma_start3A_28] : memref<8x1024x128xi32, #tpu.memory_space<hbm>> -> memref<8x16x128xi32, #tpu.memory_space<hbm>>
    tpu.enqueue_dma source(%dma_start3A_29 : memref<8x16x128xi32, #tpu.memory_space<hbm>>) target(%dma_start3A_26 : memref<8x16x128xi32, #tpu.memory_space<vmem>>) target_semaphore(%arg10 : memref<!tpu.dma_semaphore, #tpu.memory_space<semaphore_mem>>)
    %add3A_30 = arith.constant 16 : i32
    %add3A_31 = arith.addi %mul3A_2, %add3A_30 : i32
    %dma_start3A_32 = arith.constant 0 : i32
    %dma_start3A_33 = arith.constant 16 : i32
    %dma_start3A_34 = arith.constant 0 : i32
    %dma_start3A_35 = tpu.memref_slice %arg5[%dma_start3A_32, %dma_start3A_33, %dma_start3A_34] : memref<8x32x128xf32, #tpu.memory_space<vmem>> -> memref<8x16x128xf32, #tpu.memory_space<vmem>>
    %dma_start3A_36 = arith.constant 0 : i32
    %dma_start3A_37 = arith.constant 0 : i32
    %dma_start3A_38 = tpu.memref_slice %arg2[%dma_start3A_36, %add3A_31, %dma_start3A_37] : memref<8x1024x128xf32, #tpu.memory_space<hbm>> -> memref<8x16x128xf32, #tpu.memory_space<hbm>>
    %dma_start3A_39 = arith.constant 0 : i32
    %dma_start3A_40 = arith.constant 16 : i32
    %dma_start3A_41 = arith.constant 0 : i32
    %dma_start3A_42 = tpu.memref_slice %arg5[%dma_start3A_39, %dma_start3A_40, %dma_start3A_41] : memref<8x32x128xf32, #tpu.memory_space<vmem>> -> memref<8x16x128xf32, #tpu.memory_space<vmem>>
    %dma_start3A_43 = arith.constant 0 : i32
    %dma_start3A_44 = arith.constant 0 : i32
    %dma_start3A_45 = tpu.memref_slice %arg2[%dma_start3A_43, %add3A_31, %dma_start3A_44] : memref<8x1024x128xf32, #tpu.memory_space<hbm>> -> memref<8x16x128xf32, #tpu.memory_space<hbm>>
    tpu.enqueue_dma source(%dma_start3A_45 : memref<8x16x128xf32, #tpu.memory_space<hbm>>) target(%dma_start3A_42 : memref<8x16x128xf32, #tpu.memory_space<vmem>>) target_semaphore(%arg9 : memref<!tpu.dma_semaphore, #tpu.memory_space<semaphore_mem>>)
    %add3A_46 = arith.constant 16 : i32
    %add3A_47 = arith.addi %mul3A_2, %add3A_46 : i32
    %dma_start3A_48 = arith.constant 0 : i32
    %dma_start3A_49 = arith.constant 16 : i32
    %dma_start3A_50 = arith.constant 0 : i32
    %dma_start3A_51 = tpu.memref_slice %arg6[%dma_start3A_48, %dma_start3A_49, %dma_start3A_50] : memref<8x32x128xi32, #tpu.memory_space<vmem>> -> memref<8x16x128xi32, #tpu.memory_space<vmem>>
    %dma_start3A_52 = arith.constant 0 : i32
    %dma_start3A_53 = arith.constant 0 : i32
    %dma_start3A_54 = tpu.memref_slice %arg3[%dma_start3A_52, %add3A_47, %dma_start3A_53] : memref<8x1024x128xi32, #tpu.memory_space<hbm>> -> memref<8x16x128xi32, #tpu.memory_space<hbm>>
    %dma_start3A_55 = arith.constant 0 : i32
    %dma_start3A_56 = arith.constant 16 : i32
    %dma_start3A_57 = arith.constant 0 : i32
    %dma_start3A_58 = tpu.memref_slice %arg6[%dma_start3A_55, %dma_start3A_56, %dma_start3A_57] : memref<8x32x128xi32, #tpu.memory_space<vmem>> -> memref<8x16x128xi32, #tpu.memory_space<vmem>>
    %dma_start3A_59 = arith.constant 0 : i32
    %dma_start3A_60 = arith.constant 0 : i32
    %dma_start3A_61 = tpu.memref_slice %arg3[%dma_start3A_59, %add3A_47, %dma_start3A_60] : memref<8x1024x128xi32, #tpu.memory_space<hbm>> -> memref<8x16x128xi32, #tpu.memory_space<hbm>>
    tpu.enqueue_dma source(%dma_start3A_61 : memref<8x16x128xi32, #tpu.memory_space<hbm>>) target(%dma_start3A_58 : memref<8x16x128xi32, #tpu.memory_space<vmem>>) target_semaphore(%arg10 : memref<!tpu.dma_semaphore, #tpu.memory_space<semaphore_mem>>)
    %dma_wait3A = arith.constant 0 : i32
    %dma_wait3A_62 = arith.constant 0 : i32
    %dma_wait3A_63 = arith.constant 0 : i32
    %dma_wait3A_64 = tpu.memref_slice %arg5[%dma_wait3A, %dma_wait3A_62, %dma_wait3A_63] : memref<8x32x128xf32, #tpu.memory_space<vmem>> -> memref<8x16x128xf32, #tpu.memory_space<vmem>>
    %dma_wait3A_65 = arith.constant 0 : i32
    %dma_wait3A_66 = arith.constant 0 : i32
    %dma_wait3A_67 = tpu.memref_slice %arg2[%dma_wait3A_65, %mul3A_2, %dma_wait3A_66] : memref<8x1024x128xf32, #tpu.memory_space<hbm>> -> memref<8x16x128xf32, #tpu.memory_space<hbm>>
    %dma_wait3A_68 = arith.constant 0 : i32
    %dma_wait3A_69 = arith.constant 0 : i32
    %dma_wait3A_70 = arith.constant 0 : i32
    %dma_wait3A_71 = tpu.memref_slice %arg5[%dma_wait3A_68, %dma_wait3A_69, %dma_wait3A_70] : memref<8x32x128xf32, #tpu.memory_space<vmem>> -> memref<8x16x128xf32, #tpu.memory_space<vmem>>
    %dma_wait3A_72 = arith.constant 0 : i32
    %dma_wait3A_73 = arith.constant 0 : i32
    %dma_wait3A_74 = tpu.memref_slice %arg2[%dma_wait3A_72, %mul3A_2, %dma_wait3A_73] : memref<8x1024x128xf32, #tpu.memory_space<hbm>> -> memref<8x16x128xf32, #tpu.memory_space<hbm>>
    tpu.wait_dma2 semaphore(%arg9 : memref<!tpu.dma_semaphore, #tpu.memory_space<semaphore_mem>>) src(%dma_wait3A_74 : memref<8x16x128xf32, #tpu.memory_space<hbm>>) dst(%dma_wait3A_71 : memref<8x16x128xf32, #tpu.memory_space<vmem>>)
    %dma_wait3A_75 = arith.constant 0 : i32
    %dma_wait3A_76 = arith.constant 0 : i32
    %dma_wait3A_77 = arith.constant 0 : i32
    %dma_wait3A_78 = tpu.memref_slice %arg6[%dma_wait3A_75, %dma_wait3A_76, %dma_wait3A_77] : memref<8x32x128xi32, #tpu.memory_space<vmem>> -> memref<8x16x128xi32, #tpu.memory_space<vmem>>
    %dma_wait3A_79 = arith.constant 0 : i32
    %dma_wait3A_80 = arith.constant 0 : i32
    %dma_wait3A_81 = tpu.memref_slice %arg3[%dma_wait3A_79, %mul3A_2, %dma_wait3A_80] : memref<8x1024x128xi32, #tpu.memory_space<hbm>> -> memref<8x16x128xi32, #tpu.memory_space<hbm>>
    %dma_wait3A_82 = arith.constant 0 : i32
    %dma_wait3A_83 = arith.constant 0 : i32
    %dma_wait3A_84 = arith.constant 0 : i32
    %dma_wait3A_85 = tpu.memref_slice %arg6[%dma_wait3A_82, %dma_wait3A_83, %dma_wait3A_84] : memref<8x32x128xi32, #tpu.memory_space<vmem>> -> memref<8x16x128xi32, #tpu.memory_space<vmem>>
    %dma_wait3A_86 = arith.constant 0 : i32
    %dma_wait3A_87 = arith.constant 0 : i32
    %dma_wait3A_88 = tpu.memref_slice %arg3[%dma_wait3A_86, %mul3A_2, %dma_wait3A_87] : memref<8x1024x128xi32, #tpu.memory_space<hbm>> -> memref<8x16x128xi32, #tpu.memory_space<hbm>>
    tpu.wait_dma2 semaphore(%arg10 : memref<!tpu.dma_semaphore, #tpu.memory_space<semaphore_mem>>) src(%dma_wait3A_88 : memref<8x16x128xi32, #tpu.memory_space<hbm>>) dst(%dma_wait3A_85 : memref<8x16x128xi32, #tpu.memory_space<vmem>>)
    %scan3A = arith.constant 0 : i32
    %scan3A_89 = arith.constant 0 : i32
    %scan3A_90 = arith.constant 16 : i32
    %scan3A_91 = arith.addi %scan3A_89, %scan3A_90 : i32
    %scan3A_92 = arith.constant 1 : i32
    scf.for %scan3A_268 = %scan3A_89 to %scan3A_91 step %scan3A_92  : i32 {
      %broadcast_in_dim3A_269 = arith.constant 0 : i32
      %broadcast_in_dim3A_270 = vector.broadcast %broadcast_in_dim3A_269 : i32 to vector<16xi32>
      %add3A_271 = vector.broadcast %scan3A_268 : i32 to vector<16xi32>
      %add3A_272 = arith.addi %broadcast_in_dim3A_270, %add3A_271 : vector<16xi32>
      %broadcast_in_dim3A_273 = arith.constant 0.000000e+00 : f32
      %broadcast_in_dim3A_274 = vector.broadcast %broadcast_in_dim3A_273 : f32 to vector<16xf32>
      %scan3A_275 = arith.constant 0 : i32
      %scan3A_276 = arith.constant 64 : i32
      %scan3A_277 = arith.addi %scan3A_275, %scan3A_276 : i32
      %scan3A_278 = arith.constant 16 : i32
      %scan3A_279 = scf.for %scan3A_284 = %scan3A_275 to %scan3A_277 step %scan3A_278 iter_args(%scan3A_285 = %broadcast_in_dim3A_274) -> (vector<16xf32>)  : i32 {
        %jit3A = arith.constant 8 : i32
        %div3A = arith.divsi %scan3A_284, %jit3A : i32
        %sign3A = arith.constant 0 : i32
        %sign3A_286 = arith.cmpi sgt, %scan3A_284, %sign3A : i32
        %sign3A_287 = arith.extui %sign3A_286 : i1 to i32
        %sign3A_288 = arith.constant 0 : i32
        %sign3A_289 = arith.cmpi slt, %scan3A_284, %sign3A_288 : i32
        %sign3A_290 = arith.extui %sign3A_289 : i1 to i32
        %sign3A_291 = arith.subi %sign3A_287, %sign3A_290 : i32
        %sign3A_292 = arith.constant 0 : i32
        %sign3A_293 = arith.cmpi sgt, %jit3A, %sign3A_292 : i32
        %sign3A_294 = arith.extui %sign3A_293 : i1 to i32
        %sign3A_295 = arith.constant 0 : i32
        %sign3A_296 = arith.cmpi slt, %jit3A, %sign3A_295 : i32
        %sign3A_297 = arith.extui %sign3A_296 : i1 to i32
        %sign3A_298 = arith.subi %sign3A_294, %sign3A_297 : i32
        %ne3A = arith.cmpi ne, %sign3A_291, %sign3A_298 : i32
        %rem3A = arith.remsi %scan3A_284, %jit3A : i32
        %ne3A_299 = arith.constant 0 : i32
        %ne3A_300 = arith.cmpi ne, %rem3A, %ne3A_299 : i32
        %and3A = arith.andi %ne3A, %ne3A_300 : i1
        %sub3A = arith.constant 1 : i32
        %sub3A_301 = arith.subi %div3A, %sub3A : i32
        %select_n3A = arith.select %and3A, %sub3A_301, %div3A : i32
        %jit3A_302 = arith.constant 8 : i32
        %eq3A = arith.constant 0 : i32
        %eq3A_303 = arith.cmpi eq, %jit3A_302, %eq3A : i32
        %jit3A_304 = arith.constant 1 : i32
        %select_n3A_305 = arith.select %eq3A_303, %jit3A_304, %jit3A_302 : i32
        %rem3A_306 = arith.remsi %scan3A_284, %select_n3A_305 : i32
        %ne3A_307 = arith.constant 0 : i32
        %ne3A_308 = arith.cmpi ne, %rem3A_306, %ne3A_307 : i32
        %lt3A = arith.constant 0 : i32
        %lt3A_309 = arith.cmpi slt, %rem3A_306, %lt3A : i32
        %lt3A_310 = arith.constant 0 : i32
        %lt3A_311 = arith.cmpi slt, %select_n3A_305, %lt3A_310 : i32
        %ne3A_312 = arith.xori %lt3A_309, %lt3A_311 : i1
        %and3A_313 = arith.andi %ne3A_312, %ne3A_308 : i1
        %add3A_314 = arith.addi %rem3A_306, %select_n3A_305 : i32
        %select_n3A_315 = arith.select %and3A_313, %add3A_314, %rem3A_306 : i32
        %mul3A_316 = arith.constant 16 : i32
        %mul3A_317 = arith.muli %select_n3A_315, %mul3A_316 : i32
        %get3A = arith.index_cast %select_n3A : i32 to index
        %get3A_318 = arith.index_cast %scan3A_268 : i32 to index
        %get3A_319 = arith.index_cast %mul3A_317 : i32 to index
        %get3A_320 = tpu.vector_load %arg6[%get3A, %get3A_318, %get3A_319] {strides = array<i32>} : memref<8x32x128xi32, #tpu.memory_space<vmem>>, vector<16xi32>,
        %shift_right_arithmetic3A = arith.constant 7 : i32
        %shift_right_arithmetic3A_321 = vector.broadcast %shift_right_arithmetic3A : i32 to vector<16xi32>
        %shift_right_arithmetic3A_322 = arith.shrsi %get3A_320, %shift_right_arithmetic3A_321 : vector<16xi32>
        %and3A_323 = arith.constant 127 : i32
        %and3A_324 = vector.broadcast %and3A_323 : i32 to vector<16xi32>
        %and3A_325 = arith.andi %get3A_320, %and3A_324 : vector<16xi32>
        %gather3A_326 = tpu.vector_load_idx %arg5[%shift_right_arithmetic3A_322, %add3A_272, %and3A_325] : memref<8x32x128xf32, #tpu.memory_space<vmem>>[vector<16xi32>, vector<16xi32>, vector<16xi32>], vector<16xf32>,
        %add3A_327 = arith.addf %scan3A_285, %gather3A_326 : vector<16xf32>
        %scan3A_328 = arith.constant 1 : i32
        %scan3A_329 = arith.addi %scan3A_284, %scan3A_328 : i32
        %jit3A_330 = arith.constant 8 : i32
        %div3A_331 = arith.divsi %scan3A_329, %jit3A_330 : i32
        %sign3A_332 = arith.constant 0 : i32
        %sign3A_333 = arith.cmpi sgt, %scan3A_329, %sign3A_332 : i32
        %sign3A_334 = arith.extui %sign3A_333 : i1 to i32
        %sign3A_335 = arith.constant 0 : i32
        %sign3A_336 = arith.cmpi slt, %scan3A_329, %sign3A_335 : i32
        %sign3A_337 = arith.extui %sign3A_336 : i1 to i32
        %sign3A_338 = arith.subi %sign3A_334, %sign3A_337 : i32
        %sign3A_339 = arith.constant 0 : i32
        %sign3A_340 = arith.cmpi sgt, %jit3A_330, %sign3A_339 : i32
        %sign3A_341 = arith.extui %sign3A_340 : i1 to i32
        %sign3A_342 = arith.constant 0 : i32
        %sign3A_343 = arith.cmpi slt, %jit3A_330, %sign3A_342 : i32
        %sign3A_344 = arith.extui %sign3A_343 : i1 to i32
        %sign3A_345 = arith.subi %sign3A_341, %sign3A_344 : i32
        %ne3A_346 = arith.cmpi ne, %sign3A_338, %sign3A_345 : i32
        %rem3A_347 = arith.remsi %scan3A_329, %jit3A_330 : i32
        %ne3A_348 = arith.constant 0 : i32
        %ne3A_349 = arith.cmpi ne, %rem3A_347, %ne3A_348 : i32
        %and3A_350 = arith.andi %ne3A_346, %ne3A_349 : i1
        %sub3A_351 = arith.constant 1 : i32
        %sub3A_352 = arith.subi %div3A_331, %sub3A_351 : i32
        %select_n3A_353 = arith.select %and3A_350, %sub3A_352, %div3A_331 : i32
        %jit3A_354 = arith.constant 8 : i32
        %eq3A_355 = arith.constant 0 : i32
        %eq3A_356 = arith.cmpi eq, %jit3A_354, %eq3A_355 : i32
        %jit3A_357 = arith.constant 1 : i32
        %select_n3A_358 = arith.select %eq3A_356, %jit3A_357, %jit3A_354 : i32
        %rem3A_359 = arith.remsi %scan3A_329, %select_n3A_358 : i32
        %ne3A_360 = arith.constant 0 : i32
        %ne3A_361 = arith.cmpi ne, %rem3A_359, %ne3A_360 : i32
        %lt3A_362 = arith.constant 0 : i32
        %lt3A_363 = arith.cmpi slt, %rem3A_359, %lt3A_362 : i32
        %lt3A_364 = arith.constant 0 : i32
        %lt3A_365 = arith.cmpi slt, %select_n3A_358, %lt3A_364 : i32
        %ne3A_366 = arith.xori %lt3A_363, %lt3A_365 : i1
        %and3A_367 = arith.andi %ne3A_366, %ne3A_361 : i1
        %add3A_368 = arith.addi %rem3A_359, %select_n3A_358 : i32
        %select_n3A_369 = arith.select %and3A_367, %add3A_368, %rem3A_359 : i32
        %mul3A_370 = arith.constant 16 : i32
        %mul3A_371 = arith.muli %select_n3A_369, %mul3A_370 : i32
        %get3A_372 = arith.index_cast %select_n3A_353 : i32 to index
        %get3A_373 = arith.index_cast %scan3A_268 : i32 to index
        %get3A_374 = arith.index_cast %mul3A_371 : i32 to index
        %get3A_375 = tpu.vector_load %arg6[%get3A_372, %get3A_373, %get3A_374] {strides = array<i32>} : memref<8x32x128xi32, #tpu.memory_space<vmem>>, vector<16xi32>,
        %shift_right_arithmetic3A_376 = arith.constant 7 : i32
        %shift_right_arithmetic3A_377 = vector.broadcast %shift_right_arithmetic3A_376 : i32 to vector<16xi32>
        %shift_right_arithmetic3A_378 = arith.shrsi %get3A_375, %shift_right_arithmetic3A_377 : vector<16xi32>
        %and3A_379 = arith.constant 127 : i32
        %and3A_380 = vector.broadcast %and3A_379 : i32 to vector<16xi32>
        %and3A_381 = arith.andi %get3A_375, %and3A_380 : vector<16xi32>
        %gather3A_382 = tpu.vector_load_idx %arg5[%shift_right_arithmetic3A_378, %add3A_272, %and3A_381] : memref<8x32x128xf32, #tpu.memory_space<vmem>>[vector<16xi32>, vector<16xi32>, vector<16xi32>], vector<16xf32>,
        %add3A_383 = arith.addf %add3A_327, %gather3A_382 : vector<16xf32>
        %scan3A_384 = arith.constant 2 : i32
        %scan3A_385 = arith.addi %scan3A_284, %scan3A_384 : i32
        %jit3A_386 = arith.constant 8 : i32
        %div3A_387 = arith.divsi %scan3A_385, %jit3A_386 : i32
        %sign3A_388 = arith.constant 0 : i32
        %sign3A_389 = arith.cmpi sgt, %scan3A_385, %sign3A_388 : i32
        %sign3A_390 = arith.extui %sign3A_389 : i1 to i32
        %sign3A_391 = arith.constant 0 : i32
        %sign3A_392 = arith.cmpi slt, %scan3A_385, %sign3A_391 : i32
        %sign3A_393 = arith.extui %sign3A_392 : i1 to i32
        %sign3A_394 = arith.subi %sign3A_390, %sign3A_393 : i32
        %sign3A_395 = arith.constant 0 : i32
        %sign3A_396 = arith.cmpi sgt, %jit3A_386, %sign3A_395 : i32
        %sign3A_397 = arith.extui %sign3A_396 : i1 to i32
        %sign3A_398 = arith.constant 0 : i32
        %sign3A_399 = arith.cmpi slt, %jit3A_386, %sign3A_398 : i32
        %sign3A_400 = arith.extui %sign3A_399 : i1 to i32
        %sign3A_401 = arith.subi %sign3A_397, %sign3A_400 : i32
        %ne3A_402 = arith.cmpi ne, %sign3A_394, %sign3A_401 : i32
        %rem3A_403 = arith.remsi %scan3A_385, %jit3A_386 : i32
        %ne3A_404 = arith.constant 0 : i32
        %ne3A_405 = arith.cmpi ne, %rem3A_403, %ne3A_404 : i32
        %and3A_406 = arith.andi %ne3A_402, %ne3A_405 : i1
        %sub3A_407 = arith.constant 1 : i32
        %sub3A_408 = arith.subi %div3A_387, %sub3A_407 : i32
        %select_n3A_409 = arith.select %and3A_406, %sub3A_408, %div3A_387 : i32
        %jit3A_410 = arith.constant 8 : i32
        %eq3A_411 = arith.constant 0 : i32
        %eq3A_412 = arith.cmpi eq, %jit3A_410, %eq3A_411 : i32
        %jit3A_413 = arith.constant 1 : i32
        %select_n3A_414 = arith.select %eq3A_412, %jit3A_413, %jit3A_410 : i32
        %rem3A_415 = arith.remsi %scan3A_385, %select_n3A_414 : i32
        %ne3A_416 = arith.constant 0 : i32
        %ne3A_417 = arith.cmpi ne, %rem3A_415, %ne3A_416 : i32
        %lt3A_418 = arith.constant 0 : i32
        %lt3A_419 = arith.cmpi slt, %rem3A_415, %lt3A_418 : i32
        %lt3A_420 = arith.constant 0 : i32
        %lt3A_421 = arith.cmpi slt, %select_n3A_414, %lt3A_420 : i32
        %ne3A_422 = arith.xori %lt3A_419, %lt3A_421 : i1
        %and3A_423 = arith.andi %ne3A_422, %ne3A_417 : i1
        %add3A_424 = arith.addi %rem3A_415, %select_n3A_414 : i32
        %select_n3A_425 = arith.select %and3A_423, %add3A_424, %rem3A_415 : i32
        %mul3A_426 = arith.constant 16 : i32
        %mul3A_427 = arith.muli %select_n3A_425, %mul3A_426 : i32
        %get3A_428 = arith.index_cast %select_n3A_409 : i32 to index
        %get3A_429 = arith.index_cast %scan3A_268 : i32 to index
        %get3A_430 = arith.index_cast %mul3A_427 : i32 to index
        %get3A_431 = tpu.vector_load %arg6[%get3A_428, %get3A_429, %get3A_430] {strides = array<i32>} : memref<8x32x128xi32, #tpu.memory_space<vmem>>, vector<16xi32>,
        %shift_right_arithmetic3A_432 = arith.constant 7 : i32
        %shift_right_arithmetic3A_433 = vector.broadcast %shift_right_arithmetic3A_432 : i32 to vector<16xi32>
        %shift_right_arithmetic3A_434 = arith.shrsi %get3A_431, %shift_right_arithmetic3A_433 : vector<16xi32>
        %and3A_435 = arith.constant 127 : i32
        %and3A_436 = vector.broadcast %and3A_435 : i32 to vector<16xi32>
        %and3A_437 = arith.andi %get3A_431, %and3A_436 : vector<16xi32>
        %gather3A_438 = tpu.vector_load_idx %arg5[%shift_right_arithmetic3A_434, %add3A_272, %and3A_437] : memref<8x32x128xf32, #tpu.memory_space<vmem>>[vector<16xi32>, vector<16xi32>, vector<16xi32>], vector<16xf32>,
        %add3A_439 = arith.addf %add3A_383, %gather3A_438 : vector<16xf32>
        %scan3A_440 = arith.constant 3 : i32
        %scan3A_441 = arith.addi %scan3A_284, %scan3A_440 : i32
        %jit3A_442 = arith.constant 8 : i32
        %div3A_443 = arith.divsi %scan3A_441, %jit3A_442 : i32
        %sign3A_444 = arith.constant 0 : i32
        %sign3A_445 = arith.cmpi sgt, %scan3A_441, %sign3A_444 : i32
        %sign3A_446 = arith.extui %sign3A_445 : i1 to i32
        %sign3A_447 = arith.constant 0 : i32
        %sign3A_448 = arith.cmpi slt, %scan3A_441, %sign3A_447 : i32
        %sign3A_449 = arith.extui %sign3A_448 : i1 to i32
        %sign3A_450 = arith.subi %sign3A_446, %sign3A_449 : i32
        %sign3A_451 = arith.constant 0 : i32
        %sign3A_452 = arith.cmpi sgt, %jit3A_442, %sign3A_451 : i32
        %sign3A_453 = arith.extui %sign3A_452 : i1 to i32
        %sign3A_454 = arith.constant 0 : i32
        %sign3A_455 = arith.cmpi slt, %jit3A_442, %sign3A_454 : i32
        %sign3A_456 = arith.extui %sign3A_455 : i1 to i32
        %sign3A_457 = arith.subi %sign3A_453, %sign3A_456 : i32
        %ne3A_458 = arith.cmpi ne, %sign3A_450, %sign3A_457 : i32
        %rem3A_459 = arith.remsi %scan3A_441, %jit3A_442 : i32
        %ne3A_460 = arith.constant 0 : i32
        %ne3A_461 = arith.cmpi ne, %rem3A_459, %ne3A_460 : i32
        %and3A_462 = arith.andi %ne3A_458, %ne3A_461 : i1
        %sub3A_463 = arith.constant 1 : i32
        %sub3A_464 = arith.subi %div3A_443, %sub3A_463 : i32
        %select_n3A_465 = arith.select %and3A_462, %sub3A_464, %div3A_443 : i32
        %jit3A_466 = arith.constant 8 : i32
        %eq3A_467 = arith.constant 0 : i32
        %eq3A_468 = arith.cmpi eq, %jit3A_466, %eq3A_467 : i32
        %jit3A_469 = arith.constant 1 : i32
        %select_n3A_470 = arith.select %eq3A_468, %jit3A_469, %jit3A_466 : i32
        %rem3A_471 = arith.remsi %scan3A_441, %select_n3A_470 : i32
        %ne3A_472 = arith.constant 0 : i32
        %ne3A_473 = arith.cmpi ne, %rem3A_471, %ne3A_472 : i32
        %lt3A_474 = arith.constant 0 : i32
        %lt3A_475 = arith.cmpi slt, %rem3A_471, %lt3A_474 : i32
        %lt3A_476 = arith.constant 0 : i32
        %lt3A_477 = arith.cmpi slt, %select_n3A_470, %lt3A_476 : i32
        %ne3A_478 = arith.xori %lt3A_475, %lt3A_477 : i1
        %and3A_479 = arith.andi %ne3A_478, %ne3A_473 : i1
        %add3A_480 = arith.addi %rem3A_471, %select_n3A_470 : i32
        %select_n3A_481 = arith.select %and3A_479, %add3A_480, %rem3A_471 : i32
        %mul3A_482 = arith.constant 16 : i32
        %mul3A_483 = arith.muli %select_n3A_481, %mul3A_482 : i32
        %get3A_484 = arith.index_cast %select_n3A_465 : i32 to index
        %get3A_485 = arith.index_cast %scan3A_268 : i32 to index
        %get3A_486 = arith.index_cast %mul3A_483 : i32 to index
        %get3A_487 = tpu.vector_load %arg6[%get3A_484, %get3A_485, %get3A_486] {strides = array<i32>} : memref<8x32x128xi32, #tpu.memory_space<vmem>>, vector<16xi32>,
        %shift_right_arithmetic3A_488 = arith.constant 7 : i32
        %shift_right_arithmetic3A_489 = vector.broadcast %shift_right_arithmetic3A_488 : i32 to vector<16xi32>
        %shift_right_arithmetic3A_490 = arith.shrsi %get3A_487, %shift_right_arithmetic3A_489 : vector<16xi32>
        %and3A_491 = arith.constant 127 : i32
        %and3A_492 = vector.broadcast %and3A_491 : i32 to vector<16xi32>
        %and3A_493 = arith.andi %get3A_487, %and3A_492 : vector<16xi32>
        %gather3A_494 = tpu.vector_load_idx %arg5[%shift_right_arithmetic3A_490, %add3A_272, %and3A_493] : memref<8x32x128xf32, #tpu.memory_space<vmem>>[vector<16xi32>, vector<16xi32>, vector<16xi32>], vector<16xf32>,
        %add3A_495 = arith.addf %add3A_439, %gather3A_494 : vector<16xf32>
        %scan3A_496 = arith.constant 4 : i32
        %scan3A_497 = arith.addi %scan3A_284, %scan3A_496 : i32
        %jit3A_498 = arith.constant 8 : i32
        %div3A_499 = arith.divsi %scan3A_497, %jit3A_498 : i32
        %sign3A_500 = arith.constant 0 : i32
        %sign3A_501 = arith.cmpi sgt, %scan3A_497, %sign3A_500 : i32
        %sign3A_502 = arith.extui %sign3A_501 : i1 to i32
        %sign3A_503 = arith.constant 0 : i32
        %sign3A_504 = arith.cmpi slt, %scan3A_497, %sign3A_503 : i32
        %sign3A_505 = arith.extui %sign3A_504 : i1 to i32
        %sign3A_506 = arith.subi %sign3A_502, %sign3A_505 : i32
        %sign3A_507 = arith.constant 0 : i32
        %sign3A_508 = arith.cmpi sgt, %jit3A_498, %sign3A_507 : i32
        %sign3A_509 = arith.extui %sign3A_508 : i1 to i32
        %sign3A_510 = arith.constant 0 : i32
        %sign3A_511 = arith.cmpi slt, %jit3A_498, %sign3A_510 : i32
        %sign3A_512 = arith.extui %sign3A_511 : i1 to i32
        %sign3A_513 = arith.subi %sign3A_509, %sign3A_512 : i32
        %ne3A_514 = arith.cmpi ne, %sign3A_506, %sign3A_513 : i32
        %rem3A_515 = arith.remsi %scan3A_497, %jit3A_498 : i32
        %ne3A_516 = arith.constant 0 : i32
        %ne3A_517 = arith.cmpi ne, %rem3A_515, %ne3A_516 : i32
        %and3A_518 = arith.andi %ne3A_514, %ne3A_517 : i1
        %sub3A_519 = arith.constant 1 : i32
        %sub3A_520 = arith.subi %div3A_499, %sub3A_519 : i32
        %select_n3A_521 = arith.select %and3A_518, %sub3A_520, %div3A_499 : i32
        %jit3A_522 = arith.constant 8 : i32
        %eq3A_523 = arith.constant 0 : i32
        %eq3A_524 = arith.cmpi eq, %jit3A_522, %eq3A_523 : i32
        %jit3A_525 = arith.constant 1 : i32
        %select_n3A_526 = arith.select %eq3A_524, %jit3A_525, %jit3A_522 : i32
        %rem3A_527 = arith.remsi %scan3A_497, %select_n3A_526 : i32
        %ne3A_528 = arith.constant 0 : i32
        %ne3A_529 = arith.cmpi ne, %rem3A_527, %ne3A_528 : i32
        %lt3A_530 = arith.constant 0 : i32
        %lt3A_531 = arith.cmpi slt, %rem3A_527, %lt3A_530 : i32
        %lt3A_532 = arith.constant 0 : i32
        %lt3A_533 = arith.cmpi slt, %select_n3A_526, %lt3A_532 : i32
        %ne3A_534 = arith.xori %lt3A_531, %lt3A_533 : i1
        %and3A_535 = arith.andi %ne3A_534, %ne3A_529 : i1
        %add3A_536 = arith.addi %rem3A_527, %select_n3A_526 : i32
        %select_n3A_537 = arith.select %and3A_535, %add3A_536, %rem3A_527 : i32
        %mul3A_538 = arith.constant 16 : i32
        %mul3A_539 = arith.muli %select_n3A_537, %mul3A_538 : i32
        %get3A_540 = arith.index_cast %select_n3A_521 : i32 to index
        %get3A_541 = arith.index_cast %scan3A_268 : i32 to index
        %get3A_542 = arith.index_cast %mul3A_539 : i32 to index
        %get3A_543 = tpu.vector_load %arg6[%get3A_540, %get3A_541, %get3A_542] {strides = array<i32>} : memref<8x32x128xi32, #tpu.memory_space<vmem>>, vector<16xi32>,
        %shift_right_arithmetic3A_544 = arith.constant 7 : i32
        %shift_right_arithmetic3A_545 = vector.broadcast %shift_right_arithmetic3A_544 : i32 to vector<16xi32>
        %shift_right_arithmetic3A_546 = arith.shrsi %get3A_543, %shift_right_arithmetic3A_545 : vector<16xi32>
        %and3A_547 = arith.constant 127 : i32
        %and3A_548 = vector.broadcast %and3A_547 : i32 to vector<16xi32>
        %and3A_549 = arith.andi %get3A_543, %and3A_548 : vector<16xi32>
        %gather3A_550 = tpu.vector_load_idx %arg5[%shift_right_arithmetic3A_546, %add3A_272, %and3A_549] : memref<8x32x128xf32, #tpu.memory_space<vmem>>[vector<16xi32>, vector<16xi32>, vector<16xi32>], vector<16xf32>,
        %add3A_551 = arith.addf %add3A_495, %gather3A_550 : vector<16xf32>
        %scan3A_552 = arith.constant 5 : i32
        %scan3A_553 = arith.addi %scan3A_284, %scan3A_552 : i32
        %jit3A_554 = arith.constant 8 : i32
        %div3A_555 = arith.divsi %scan3A_553, %jit3A_554 : i32
        %sign3A_556 = arith.constant 0 : i32
        %sign3A_557 = arith.cmpi sgt, %scan3A_553, %sign3A_556 : i32
        %sign3A_558 = arith.extui %sign3A_557 : i1 to i32
        %sign3A_559 = arith.constant 0 : i32
        %sign3A_560 = arith.cmpi slt, %scan3A_553, %sign3A_559 : i32
        %sign3A_561 = arith.extui %sign3A_560 : i1 to i32
        %sign3A_562 = arith.subi %sign3A_558, %sign3A_561 : i32
        %sign3A_563 = arith.constant 0 : i32
        %sign3A_564 = arith.cmpi sgt, %jit3A_554, %sign3A_563 : i32
        %sign3A_565 = arith.extui %sign3A_564 : i1 to i32
        %sign3A_566 = arith.constant 0 : i32
        %sign3A_567 = arith.cmpi slt, %jit3A_554, %sign3A_566 : i32
        %sign3A_568 = arith.extui %sign3A_567 : i1 to i32
        %sign3A_569 = arith.subi %sign3A_565, %sign3A_568 : i32
        %ne3A_570 = arith.cmpi ne, %sign3A_562, %sign3A_569 : i32
        %rem3A_571 = arith.remsi %scan3A_553, %jit3A_554 : i32
        %ne3A_572 = arith.constant 0 : i32
        %ne3A_573 = arith.cmpi ne, %rem3A_571, %ne3A_572 : i32
        %and3A_574 = arith.andi %ne3A_570, %ne3A_573 : i1
        %sub3A_575 = arith.constant 1 : i32
        %sub3A_576 = arith.subi %div3A_555, %sub3A_575 : i32
        %select_n3A_577 = arith.select %and3A_574, %sub3A_576, %div3A_555 : i32
        %jit3A_578 = arith.constant 8 : i32
        %eq3A_579 = arith.constant 0 : i32
        %eq3A_580 = arith.cmpi eq, %jit3A_578, %eq3A_579 : i32
        %jit3A_581 = arith.constant 1 : i32
        %select_n3A_582 = arith.select %eq3A_580, %jit3A_581, %jit3A_578 : i32
        %rem3A_583 = arith.remsi %scan3A_553, %select_n3A_582 : i32
        %ne3A_584 = arith.constant 0 : i32
        %ne3A_585 = arith.cmpi ne, %rem3A_583, %ne3A_584 : i32
        %lt3A_586 = arith.constant 0 : i32
        %lt3A_587 = arith.cmpi slt, %rem3A_583, %lt3A_586 : i32
        %lt3A_588 = arith.constant 0 : i32
        %lt3A_589 = arith.cmpi slt, %select_n3A_582, %lt3A_588 : i32
        %ne3A_590 = arith.xori %lt3A_587, %lt3A_589 : i1
        %and3A_591 = arith.andi %ne3A_590, %ne3A_585 : i1
        %add3A_592 = arith.addi %rem3A_583, %select_n3A_582 : i32
        %select_n3A_593 = arith.select %and3A_591, %add3A_592, %rem3A_583 : i32
        %mul3A_594 = arith.constant 16 : i32
        %mul3A_595 = arith.muli %select_n3A_593, %mul3A_594 : i32
        %get3A_596 = arith.index_cast %select_n3A_577 : i32 to index
        %get3A_597 = arith.index_cast %scan3A_268 : i32 to index
        %get3A_598 = arith.index_cast %mul3A_595 : i32 to index
        %get3A_599 = tpu.vector_load %arg6[%get3A_596, %get3A_597, %get3A_598] {strides = array<i32>} : memref<8x32x128xi32, #tpu.memory_space<vmem>>, vector<16xi32>,
        %shift_right_arithmetic3A_600 = arith.constant 7 : i32
        %shift_right_arithmetic3A_601 = vector.broadcast %shift_right_arithmetic3A_600 : i32 to vector<16xi32>
        %shift_right_arithmetic3A_602 = arith.shrsi %get3A_599, %shift_right_arithmetic3A_601 : vector<16xi32>
        %and3A_603 = arith.constant 127 : i32
        %and3A_604 = vector.broadcast %and3A_603 : i32 to vector<16xi32>
        %and3A_605 = arith.andi %get3A_599, %and3A_604 : vector<16xi32>
        %gather3A_606 = tpu.vector_load_idx %arg5[%shift_right_arithmetic3A_602, %add3A_272, %and3A_605] : memref<8x32x128xf32, #tpu.memory_space<vmem>>[vector<16xi32>, vector<16xi32>, vector<16xi32>], vector<16xf32>,
        %add3A_607 = arith.addf %add3A_551, %gather3A_606 : vector<16xf32>
        %scan3A_608 = arith.constant 6 : i32
        %scan3A_609 = arith.addi %scan3A_284, %scan3A_608 : i32
        %jit3A_610 = arith.constant 8 : i32
        %div3A_611 = arith.divsi %scan3A_609, %jit3A_610 : i32
        %sign3A_612 = arith.constant 0 : i32
        %sign3A_613 = arith.cmpi sgt, %scan3A_609, %sign3A_612 : i32
        %sign3A_614 = arith.extui %sign3A_613 : i1 to i32
        %sign3A_615 = arith.constant 0 : i32
        %sign3A_616 = arith.cmpi slt, %scan3A_609, %sign3A_615 : i32
        %sign3A_617 = arith.extui %sign3A_616 : i1 to i32
        %sign3A_618 = arith.subi %sign3A_614, %sign3A_617 : i32
        %sign3A_619 = arith.constant 0 : i32
        %sign3A_620 = arith.cmpi sgt, %jit3A_610, %sign3A_619 : i32
        %sign3A_621 = arith.extui %sign3A_620 : i1 to i32
        %sign3A_622 = arith.constant 0 : i32
        %sign3A_623 = arith.cmpi slt, %jit3A_610, %sign3A_622 : i32
        %sign3A_624 = arith.extui %sign3A_623 : i1 to i32
        %sign3A_625 = arith.subi %sign3A_621, %sign3A_624 : i32
        %ne3A_626 = arith.cmpi ne, %sign3A_618, %sign3A_625 : i32
        %rem3A_627 = arith.remsi %scan3A_609, %jit3A_610 : i32
        %ne3A_628 = arith.constant 0 : i32
        %ne3A_629 = arith.cmpi ne, %rem3A_627, %ne3A_628 : i32
        %and3A_630 = arith.andi %ne3A_626, %ne3A_629 : i1
        %sub3A_631 = arith.constant 1 : i32
        %sub3A_632 = arith.subi %div3A_611, %sub3A_631 : i32
        %select_n3A_633 = arith.select %and3A_630, %sub3A_632, %div3A_611 : i32
        %jit3A_634 = arith.constant 8 : i32
        %eq3A_635 = arith.constant 0 : i32
        %eq3A_636 = arith.cmpi eq, %jit3A_634, %eq3A_635 : i32
        %jit3A_637 = arith.constant 1 : i32
        %select_n3A_638 = arith.select %eq3A_636, %jit3A_637, %jit3A_634 : i32
        %rem3A_639 = arith.remsi %scan3A_609, %select_n3A_638 : i32
        %ne3A_640 = arith.constant 0 : i32
        %ne3A_641 = arith.cmpi ne, %rem3A_639, %ne3A_640 : i32
        %lt3A_642 = arith.constant 0 : i32
        %lt3A_643 = arith.cmpi slt, %rem3A_639, %lt3A_642 : i32
        %lt3A_644 = arith.constant 0 : i32
        %lt3A_645 = arith.cmpi slt, %select_n3A_638, %lt3A_644 : i32
        %ne3A_646 = arith.xori %lt3A_643, %lt3A_645 : i1
        %and3A_647 = arith.andi %ne3A_646, %ne3A_641 : i1
        %add3A_648 = arith.addi %rem3A_639, %select_n3A_638 : i32
        %select_n3A_649 = arith.select %and3A_647, %add3A_648, %rem3A_639 : i32
        %mul3A_650 = arith.constant 16 : i32
        %mul3A_651 = arith.muli %select_n3A_649, %mul3A_650 : i32
        %get3A_652 = arith.index_cast %select_n3A_633 : i32 to index
        %get3A_653 = arith.index_cast %scan3A_268 : i32 to index
        %get3A_654 = arith.index_cast %mul3A_651 : i32 to index
        %get3A_655 = tpu.vector_load %arg6[%get3A_652, %get3A_653, %get3A_654] {strides = array<i32>} : memref<8x32x128xi32, #tpu.memory_space<vmem>>, vector<16xi32>,
        %shift_right_arithmetic3A_656 = arith.constant 7 : i32
        %shift_right_arithmetic3A_657 = vector.broadcast %shift_right_arithmetic3A_656 : i32 to vector<16xi32>
        %shift_right_arithmetic3A_658 = arith.shrsi %get3A_655, %shift_right_arithmetic3A_657 : vector<16xi32>
        %and3A_659 = arith.constant 127 : i32
        %and3A_660 = vector.broadcast %and3A_659 : i32 to vector<16xi32>
        %and3A_661 = arith.andi %get3A_655, %and3A_660 : vector<16xi32>
        %gather3A_662 = tpu.vector_load_idx %arg5[%shift_right_arithmetic3A_658, %add3A_272, %and3A_661] : memref<8x32x128xf32, #tpu.memory_space<vmem>>[vector<16xi32>, vector<16xi32>, vector<16xi32>], vector<16xf32>,
        %add3A_663 = arith.addf %add3A_607, %gather3A_662 : vector<16xf32>
        %scan3A_664 = arith.constant 7 : i32
        %scan3A_665 = arith.addi %scan3A_284, %scan3A_664 : i32
        %jit3A_666 = arith.constant 8 : i32
        %div3A_667 = arith.divsi %scan3A_665, %jit3A_666 : i32
        %sign3A_668 = arith.constant 0 : i32
        %sign3A_669 = arith.cmpi sgt, %scan3A_665, %sign3A_668 : i32
        %sign3A_670 = arith.extui %sign3A_669 : i1 to i32
        %sign3A_671 = arith.constant 0 : i32
        %sign3A_672 = arith.cmpi slt, %scan3A_665, %sign3A_671 : i32
        %sign3A_673 = arith.extui %sign3A_672 : i1 to i32
        %sign3A_674 = arith.subi %sign3A_670, %sign3A_673 : i32
        %sign3A_675 = arith.constant 0 : i32
        %sign3A_676 = arith.cmpi sgt, %jit3A_666, %sign3A_675 : i32
        %sign3A_677 = arith.extui %sign3A_676 : i1 to i32
        %sign3A_678 = arith.constant 0 : i32
        %sign3A_679 = arith.cmpi slt, %jit3A_666, %sign3A_678 : i32
        %sign3A_680 = arith.extui %sign3A_679 : i1 to i32
        %sign3A_681 = arith.subi %sign3A_677, %sign3A_680 : i32
        %ne3A_682 = arith.cmpi ne, %sign3A_674, %sign3A_681 : i32
        %rem3A_683 = arith.remsi %scan3A_665, %jit3A_666 : i32
        %ne3A_684 = arith.constant 0 : i32
        %ne3A_685 = arith.cmpi ne, %rem3A_683, %ne3A_684 : i32
        %and3A_686 = arith.andi %ne3A_682, %ne3A_685 : i1
        %sub3A_687 = arith.constant 1 : i32
        %sub3A_688 = arith.subi %div3A_667, %sub3A_687 : i32
        %select_n3A_689 = arith.select %and3A_686, %sub3A_688, %div3A_667 : i32
        %jit3A_690 = arith.constant 8 : i32
        %eq3A_691 = arith.constant 0 : i32
        %eq3A_692 = arith.cmpi eq, %jit3A_690, %eq3A_691 : i32
        %jit3A_693 = arith.constant 1 : i32
        %select_n3A_694 = arith.select %eq3A_692, %jit3A_693, %jit3A_690 : i32
        %rem3A_695 = arith.remsi %scan3A_665, %select_n3A_694 : i32
        %ne3A_696 = arith.constant 0 : i32
        %ne3A_697 = arith.cmpi ne, %rem3A_695, %ne3A_696 : i32
        %lt3A_698 = arith.constant 0 : i32
        %lt3A_699 = arith.cmpi slt, %rem3A_695, %lt3A_698 : i32
        %lt3A_700 = arith.constant 0 : i32
        %lt3A_701 = arith.cmpi slt, %select_n3A_694, %lt3A_700 : i32
        %ne3A_702 = arith.xori %lt3A_699, %lt3A_701 : i1
        %and3A_703 = arith.andi %ne3A_702, %ne3A_697 : i1
        %add3A_704 = arith.addi %rem3A_695, %select_n3A_694 : i32
        %select_n3A_705 = arith.select %and3A_703, %add3A_704, %rem3A_695 : i32
        %mul3A_706 = arith.constant 16 : i32
        %mul3A_707 = arith.muli %select_n3A_705, %mul3A_706 : i32
        %get3A_708 = arith.index_cast %select_n3A_689 : i32 to index
        %get3A_709 = arith.index_cast %scan3A_268 : i32 to index
        %get3A_710 = arith.index_cast %mul3A_707 : i32 to index
        %get3A_711 = tpu.vector_load %arg6[%get3A_708, %get3A_709, %get3A_710] {strides = array<i32>} : memref<8x32x128xi32, #tpu.memory_space<vmem>>, vector<16xi32>,
        %shift_right_arithmetic3A_712 = arith.constant 7 : i32
        %shift_right_arithmetic3A_713 = vector.broadcast %shift_right_arithmetic3A_712 : i32 to vector<16xi32>
        %shift_right_arithmetic3A_714 = arith.shrsi %get3A_711, %shift_right_arithmetic3A_713 : vector<16xi32>
        %and3A_715 = arith.constant 127 : i32
        %and3A_716 = vector.broadcast %and3A_715 : i32 to vector<16xi32>
        %and3A_717 = arith.andi %get3A_711, %and3A_716 : vector<16xi32>
        %gather3A_718 = tpu.vector_load_idx %arg5[%shift_right_arithmetic3A_714, %add3A_272, %and3A_717] : memref<8x32x128xf32, #tpu.memory_space<vmem>>[vector<16xi32>, vector<16xi32>, vector<16xi32>], vector<16xf32>,
        %add3A_719 = arith.addf %add3A_663, %gather3A_718 : vector<16xf32>
        %scan3A_720 = arith.constant 8 : i32
        %scan3A_721 = arith.addi %scan3A_284, %scan3A_720 : i32
        %jit3A_722 = arith.constant 8 : i32
        %div3A_723 = arith.divsi %scan3A_721, %jit3A_722 : i32
        %sign3A_724 = arith.constant 0 : i32
        %sign3A_725 = arith.cmpi sgt, %scan3A_721, %sign3A_724 : i32
        %sign3A_726 = arith.extui %sign3A_725 : i1 to i32
        %sign3A_727 = arith.constant 0 : i32
        %sign3A_728 = arith.cmpi slt, %scan3A_721, %sign3A_727 : i32
        %sign3A_729 = arith.extui %sign3A_728 : i1 to i32
        %sign3A_730 = arith.subi %sign3A_726, %sign3A_729 : i32
        %sign3A_731 = arith.constant 0 : i32
        %sign3A_732 = arith.cmpi sgt, %jit3A_722, %sign3A_731 : i32
        %sign3A_733 = arith.extui %sign3A_732 : i1 to i32
        %sign3A_734 = arith.constant 0 : i32
        %sign3A_735 = arith.cmpi slt, %jit3A_722, %sign3A_734 : i32
        %sign3A_736 = arith.extui %sign3A_735 : i1 to i32
        %sign3A_737 = arith.subi %sign3A_733, %sign3A_736 : i32
        %ne3A_738 = arith.cmpi ne, %sign3A_730, %sign3A_737 : i32
        %rem3A_739 = arith.remsi %scan3A_721, %jit3A_722 : i32
        %ne3A_740 = arith.constant 0 : i32
        %ne3A_741 = arith.cmpi ne, %rem3A_739, %ne3A_740 : i32
        %and3A_742 = arith.andi %ne3A_738, %ne3A_741 : i1
        %sub3A_743 = arith.constant 1 : i32
        %sub3A_744 = arith.subi %div3A_723, %sub3A_743 : i32
        %select_n3A_745 = arith.select %and3A_742, %sub3A_744, %div3A_723 : i32
        %jit3A_746 = arith.constant 8 : i32
        %eq3A_747 = arith.constant 0 : i32
        %eq3A_748 = arith.cmpi eq, %jit3A_746, %eq3A_747 : i32
        %jit3A_749 = arith.constant 1 : i32
        %select_n3A_750 = arith.select %eq3A_748, %jit3A_749, %jit3A_746 : i32
        %rem3A_751 = arith.remsi %scan3A_721, %select_n3A_750 : i32
        %ne3A_752 = arith.constant 0 : i32
        %ne3A_753 = arith.cmpi ne, %rem3A_751, %ne3A_752 : i32
        %lt3A_754 = arith.constant 0 : i32
        %lt3A_755 = arith.cmpi slt, %rem3A_751, %lt3A_754 : i32
        %lt3A_756 = arith.constant 0 : i32
        %lt3A_757 = arith.cmpi slt, %select_n3A_750, %lt3A_756 : i32
        %ne3A_758 = arith.xori %lt3A_755, %lt3A_757 : i1
        %and3A_759 = arith.andi %ne3A_758, %ne3A_753 : i1
        %add3A_760 = arith.addi %rem3A_751, %select_n3A_750 : i32
        %select_n3A_761 = arith.select %and3A_759, %add3A_760, %rem3A_751 : i32
        %mul3A_762 = arith.constant 16 : i32
        %mul3A_763 = arith.muli %select_n3A_761, %mul3A_762 : i32
        %get3A_764 = arith.index_cast %select_n3A_745 : i32 to index
        %get3A_765 = arith.index_cast %scan3A_268 : i32 to index
        %get3A_766 = arith.index_cast %mul3A_763 : i32 to index
        %get3A_767 = tpu.vector_load %arg6[%get3A_764, %get3A_765, %get3A_766] {strides = array<i32>} : memref<8x32x128xi32, #tpu.memory_space<vmem>>, vector<16xi32>,
        %shift_right_arithmetic3A_768 = arith.constant 7 : i32
        %shift_right_arithmetic3A_769 = vector.broadcast %shift_right_arithmetic3A_768 : i32 to vector<16xi32>
        %shift_right_arithmetic3A_770 = arith.shrsi %get3A_767, %shift_right_arithmetic3A_769 : vector<16xi32>
        %and3A_771 = arith.constant 127 : i32
        %and3A_772 = vector.broadcast %and3A_771 : i32 to vector<16xi32>
        %and3A_773 = arith.andi %get3A_767, %and3A_772 : vector<16xi32>
        %gather3A_774 = tpu.vector_load_idx %arg5[%shift_right_arithmetic3A_770, %add3A_272, %and3A_773] : memref<8x32x128xf32, #tpu.memory_space<vmem>>[vector<16xi32>, vector<16xi32>, vector<16xi32>], vector<16xf32>,
        %add3A_775 = arith.addf %add3A_719, %gather3A_774 : vector<16xf32>
        %scan3A_776 = arith.constant 9 : i32
        %scan3A_777 = arith.addi %scan3A_284, %scan3A_776 : i32
        %jit3A_778 = arith.constant 8 : i32
        %div3A_779 = arith.divsi %scan3A_777, %jit3A_778 : i32
        %sign3A_780 = arith.constant 0 : i32
        %sign3A_781 = arith.cmpi sgt, %scan3A_777, %sign3A_780 : i32
        %sign3A_782 = arith.extui %sign3A_781 : i1 to i32
        %sign3A_783 = arith.constant 0 : i32
        %sign3A_784 = arith.cmpi slt, %scan3A_777, %sign3A_783 : i32
        %sign3A_785 = arith.extui %sign3A_784 : i1 to i32
        %sign3A_786 = arith.subi %sign3A_782, %sign3A_785 : i32
        %sign3A_787 = arith.constant 0 : i32
        %sign3A_788 = arith.cmpi sgt, %jit3A_778, %sign3A_787 : i32
        %sign3A_789 = arith.extui %sign3A_788 : i1 to i32
        %sign3A_790 = arith.constant 0 : i32
        %sign3A_791 = arith.cmpi slt, %jit3A_778, %sign3A_790 : i32
        %sign3A_792 = arith.extui %sign3A_791 : i1 to i32
        %sign3A_793 = arith.subi %sign3A_789, %sign3A_792 : i32
        %ne3A_794 = arith.cmpi ne, %sign3A_786, %sign3A_793 : i32
        %rem3A_795 = arith.remsi %scan3A_777, %jit3A_778 : i32
        %ne3A_796 = arith.constant 0 : i32
        %ne3A_797 = arith.cmpi ne, %rem3A_795, %ne3A_796 : i32
        %and3A_798 = arith.andi %ne3A_794, %ne3A_797 : i1
        %sub3A_799 = arith.constant 1 : i32
        %sub3A_800 = arith.subi %div3A_779, %sub3A_799 : i32
        %select_n3A_801 = arith.select %and3A_798, %sub3A_800, %div3A_779 : i32
        %jit3A_802 = arith.constant 8 : i32
        %eq3A_803 = arith.constant 0 : i32
        %eq3A_804 = arith.cmpi eq, %jit3A_802, %eq3A_803 : i32
        %jit3A_805 = arith.constant 1 : i32
        %select_n3A_806 = arith.select %eq3A_804, %jit3A_805, %jit3A_802 : i32
        %rem3A_807 = arith.remsi %scan3A_777, %select_n3A_806 : i32
        %ne3A_808 = arith.constant 0 : i32
        %ne3A_809 = arith.cmpi ne, %rem3A_807, %ne3A_808 : i32
        %lt3A_810 = arith.constant 0 : i32
        %lt3A_811 = arith.cmpi slt, %rem3A_807, %lt3A_810 : i32
        %lt3A_812 = arith.constant 0 : i32
        %lt3A_813 = arith.cmpi slt, %select_n3A_806, %lt3A_812 : i32
        %ne3A_814 = arith.xori %lt3A_811, %lt3A_813 : i1
        %and3A_815 = arith.andi %ne3A_814, %ne3A_809 : i1
        %add3A_816 = arith.addi %rem3A_807, %select_n3A_806 : i32
        %select_n3A_817 = arith.select %and3A_815, %add3A_816, %rem3A_807 : i32
        %mul3A_818 = arith.constant 16 : i32
        %mul3A_819 = arith.muli %select_n3A_817, %mul3A_818 : i32
        %get3A_820 = arith.index_cast %select_n3A_801 : i32 to index
        %get3A_821 = arith.index_cast %scan3A_268 : i32 to index
        %get3A_822 = arith.index_cast %mul3A_819 : i32 to index
        %get3A_823 = tpu.vector_load %arg6[%get3A_820, %get3A_821, %get3A_822] {strides = array<i32>} : memref<8x32x128xi32, #tpu.memory_space<vmem>>, vector<16xi32>,
        %shift_right_arithmetic3A_824 = arith.constant 7 : i32
        %shift_right_arithmetic3A_825 = vector.broadcast %shift_right_arithmetic3A_824 : i32 to vector<16xi32>
        %shift_right_arithmetic3A_826 = arith.shrsi %get3A_823, %shift_right_arithmetic3A_825 : vector<16xi32>
        %and3A_827 = arith.constant 127 : i32
        %and3A_828 = vector.broadcast %and3A_827 : i32 to vector<16xi32>
        %and3A_829 = arith.andi %get3A_823, %and3A_828 : vector<16xi32>
        %gather3A_830 = tpu.vector_load_idx %arg5[%shift_right_arithmetic3A_826, %add3A_272, %and3A_829] : memref<8x32x128xf32, #tpu.memory_space<vmem>>[vector<16xi32>, vector<16xi32>, vector<16xi32>], vector<16xf32>,
        %add3A_831 = arith.addf %add3A_775, %gather3A_830 : vector<16xf32>
        %scan3A_832 = arith.constant 10 : i32
        %scan3A_833 = arith.addi %scan3A_284, %scan3A_832 : i32
        %jit3A_834 = arith.constant 8 : i32
        %div3A_835 = arith.divsi %scan3A_833, %jit3A_834 : i32
        %sign3A_836 = arith.constant 0 : i32
        %sign3A_837 = arith.cmpi sgt, %scan3A_833, %sign3A_836 : i32
        %sign3A_838 = arith.extui %sign3A_837 : i1 to i32
        %sign3A_839 = arith.constant 0 : i32
        %sign3A_840 = arith.cmpi slt, %scan3A_833, %sign3A_839 : i32
        %sign3A_841 = arith.extui %sign3A_840 : i1 to i32
        %sign3A_842 = arith.subi %sign3A_838, %sign3A_841 : i32
        %sign3A_843 = arith.constant 0 : i32
        %sign3A_844 = arith.cmpi sgt, %jit3A_834, %sign3A_843 : i32
        %sign3A_845 = arith.extui %sign3A_844 : i1 to i32
        %sign3A_846 = arith.constant 0 : i32
        %sign3A_847 = arith.cmpi slt, %jit3A_834, %sign3A_846 : i32
        %sign3A_848 = arith.extui %sign3A_847 : i1 to i32
        %sign3A_849 = arith.subi %sign3A_845, %sign3A_848 : i32
        %ne3A_850 = arith.cmpi ne, %sign3A_842, %sign3A_849 : i32
        %rem3A_851 = arith.remsi %scan3A_833, %jit3A_834 : i32
        %ne3A_852 = arith.constant 0 : i32
        %ne3A_853 = arith.cmpi ne, %rem3A_851, %ne3A_852 : i32
        %and3A_854 = arith.andi %ne3A_850, %ne3A_853 : i1
        %sub3A_855 = arith.constant 1 : i32
        %sub3A_856 = arith.subi %div3A_835, %sub3A_855 : i32
        %select_n3A_857 = arith.select %and3A_854, %sub3A_856, %div3A_835 : i32
        %jit3A_858 = arith.constant 8 : i32
        %eq3A_859 = arith.constant 0 : i32
        %eq3A_860 = arith.cmpi eq, %jit3A_858, %eq3A_859 : i32
        %jit3A_861 = arith.constant 1 : i32
        %select_n3A_862 = arith.select %eq3A_860, %jit3A_861, %jit3A_858 : i32
        %rem3A_863 = arith.remsi %scan3A_833, %select_n3A_862 : i32
        %ne3A_864 = arith.constant 0 : i32
        %ne3A_865 = arith.cmpi ne, %rem3A_863, %ne3A_864 : i32
        %lt3A_866 = arith.constant 0 : i32
        %lt3A_867 = arith.cmpi slt, %rem3A_863, %lt3A_866 : i32
        %lt3A_868 = arith.constant 0 : i32
        %lt3A_869 = arith.cmpi slt, %select_n3A_862, %lt3A_868 : i32
        %ne3A_870 = arith.xori %lt3A_867, %lt3A_869 : i1
        %and3A_871 = arith.andi %ne3A_870, %ne3A_865 : i1
        %add3A_872 = arith.addi %rem3A_863, %select_n3A_862 : i32
        %select_n3A_873 = arith.select %and3A_871, %add3A_872, %rem3A_863 : i32
        %mul3A_874 = arith.constant 16 : i32
        %mul3A_875 = arith.muli %select_n3A_873, %mul3A_874 : i32
        %get3A_876 = arith.index_cast %select_n3A_857 : i32 to index
        %get3A_877 = arith.index_cast %scan3A_268 : i32 to index
        %get3A_878 = arith.index_cast %mul3A_875 : i32 to index
        %get3A_879 = tpu.vector_load %arg6[%get3A_876, %get3A_877, %get3A_878] {strides = array<i32>} : memref<8x32x128xi32, #tpu.memory_space<vmem>>, vector<16xi32>,
        %shift_right_arithmetic3A_880 = arith.constant 7 : i32
        %shift_right_arithmetic3A_881 = vector.broadcast %shift_right_arithmetic3A_880 : i32 to vector<16xi32>
        %shift_right_arithmetic3A_882 = arith.shrsi %get3A_879, %shift_right_arithmetic3A_881 : vector<16xi32>
        %and3A_883 = arith.constant 127 : i32
        %and3A_884 = vector.broadcast %and3A_883 : i32 to vector<16xi32>
        %and3A_885 = arith.andi %get3A_879, %and3A_884 : vector<16xi32>
        %gather3A_886 = tpu.vector_load_idx %arg5[%shift_right_arithmetic3A_882, %add3A_272, %and3A_885] : memref<8x32x128xf32, #tpu.memory_space<vmem>>[vector<16xi32>, vector<16xi32>, vector<16xi32>], vector<16xf32>,
        %add3A_887 = arith.addf %add3A_831, %gather3A_886 : vector<16xf32>
        %scan3A_888 = arith.constant 11 : i32
        %scan3A_889 = arith.addi %scan3A_284, %scan3A_888 : i32
        %jit3A_890 = arith.constant 8 : i32
        %div3A_891 = arith.divsi %scan3A_889, %jit3A_890 : i32
        %sign3A_892 = arith.constant 0 : i32
        %sign3A_893 = arith.cmpi sgt, %scan3A_889, %sign3A_892 : i32
        %sign3A_894 = arith.extui %sign3A_893 : i1 to i32
        %sign3A_895 = arith.constant 0 : i32
        %sign3A_896 = arith.cmpi slt, %scan3A_889, %sign3A_895 : i32
        %sign3A_897 = arith.extui %sign3A_896 : i1 to i32
        %sign3A_898 = arith.subi %sign3A_894, %sign3A_897 : i32
        %sign3A_899 = arith.constant 0 : i32
        %sign3A_900 = arith.cmpi sgt, %jit3A_890, %sign3A_899 : i32
        %sign3A_901 = arith.extui %sign3A_900 : i1 to i32
        %sign3A_902 = arith.constant 0 : i32
        %sign3A_903 = arith.cmpi slt, %jit3A_890, %sign3A_902 : i32
        %sign3A_904 = arith.extui %sign3A_903 : i1 to i32
        %sign3A_905 = arith.subi %sign3A_901, %sign3A_904 : i32
        %ne3A_906 = arith.cmpi ne, %sign3A_898, %sign3A_905 : i32
        %rem3A_907 = arith.remsi %scan3A_889, %jit3A_890 : i32
        %ne3A_908 = arith.constant 0 : i32
        %ne3A_909 = arith.cmpi ne, %rem3A_907, %ne3A_908 : i32
        %and3A_910 = arith.andi %ne3A_906, %ne3A_909 : i1
        %sub3A_911 = arith.constant 1 : i32
        %sub3A_912 = arith.subi %div3A_891, %sub3A_911 : i32
        %select_n3A_913 = arith.select %and3A_910, %sub3A_912, %div3A_891 : i32
        %jit3A_914 = arith.constant 8 : i32
        %eq3A_915 = arith.constant 0 : i32
        %eq3A_916 = arith.cmpi eq, %jit3A_914, %eq3A_915 : i32
        %jit3A_917 = arith.constant 1 : i32
        %select_n3A_918 = arith.select %eq3A_916, %jit3A_917, %jit3A_914 : i32
        %rem3A_919 = arith.remsi %scan3A_889, %select_n3A_918 : i32
        %ne3A_920 = arith.constant 0 : i32
        %ne3A_921 = arith.cmpi ne, %rem3A_919, %ne3A_920 : i32
        %lt3A_922 = arith.constant 0 : i32
        %lt3A_923 = arith.cmpi slt, %rem3A_919, %lt3A_922 : i32
        %lt3A_924 = arith.constant 0 : i32
        %lt3A_925 = arith.cmpi slt, %select_n3A_918, %lt3A_924 : i32
        %ne3A_926 = arith.xori %lt3A_923, %lt3A_925 : i1
        %and3A_927 = arith.andi %ne3A_926, %ne3A_921 : i1
        %add3A_928 = arith.addi %rem3A_919, %select_n3A_918 : i32
        %select_n3A_929 = arith.select %and3A_927, %add3A_928, %rem3A_919 : i32
        %mul3A_930 = arith.constant 16 : i32
        %mul3A_931 = arith.muli %select_n3A_929, %mul3A_930 : i32
        %get3A_932 = arith.index_cast %select_n3A_913 : i32 to index
        %get3A_933 = arith.index_cast %scan3A_268 : i32 to index
        %get3A_934 = arith.index_cast %mul3A_931 : i32 to index
        %get3A_935 = tpu.vector_load %arg6[%get3A_932, %get3A_933, %get3A_934] {strides = array<i32>} : memref<8x32x128xi32, #tpu.memory_space<vmem>>, vector<16xi32>,
        %shift_right_arithmetic3A_936 = arith.constant 7 : i32
        %shift_right_arithmetic3A_937 = vector.broadcast %shift_right_arithmetic3A_936 : i32 to vector<16xi32>
        %shift_right_arithmetic3A_938 = arith.shrsi %get3A_935, %shift_right_arithmetic3A_937 : vector<16xi32>
        %and3A_939 = arith.constant 127 : i32
        %and3A_940 = vector.broadcast %and3A_939 : i32 to vector<16xi32>
        %and3A_941 = arith.andi %get3A_935, %and3A_940 : vector<16xi32>
        %gather3A_942 = tpu.vector_load_idx %arg5[%shift_right_arithmetic3A_938, %add3A_272, %and3A_941] : memref<8x32x128xf32, #tpu.memory_space<vmem>>[vector<16xi32>, vector<16xi32>, vector<16xi32>], vector<16xf32>,
        %add3A_943 = arith.addf %add3A_887, %gather3A_942 : vector<16xf32>
        %scan3A_944 = arith.constant 12 : i32
        %scan3A_945 = arith.addi %scan3A_284, %scan3A_944 : i32
        %jit3A_946 = arith.constant 8 : i32
        %div3A_947 = arith.divsi %scan3A_945, %jit3A_946 : i32
        %sign3A_948 = arith.constant 0 : i32
        %sign3A_949 = arith.cmpi sgt, %scan3A_945, %sign3A_948 : i32
        %sign3A_950 = arith.extui %sign3A_949 : i1 to i32
        %sign3A_951 = arith.constant 0 : i32
        %sign3A_952 = arith.cmpi slt, %scan3A_945, %sign3A_951 : i32
        %sign3A_953 = arith.extui %sign3A_952 : i1 to i32
        %sign3A_954 = arith.subi %sign3A_950, %sign3A_953 : i32
        %sign3A_955 = arith.constant 0 : i32
        %sign3A_956 = arith.cmpi sgt, %jit3A_946, %sign3A_955 : i32
        %sign3A_957 = arith.extui %sign3A_956 : i1 to i32
        %sign3A_958 = arith.constant 0 : i32
        %sign3A_959 = arith.cmpi slt, %jit3A_946, %sign3A_958 : i32
        %sign3A_960 = arith.extui %sign3A_959 : i1 to i32
        %sign3A_961 = arith.subi %sign3A_957, %sign3A_960 : i32
        %ne3A_962 = arith.cmpi ne, %sign3A_954, %sign3A_961 : i32
        %rem3A_963 = arith.remsi %scan3A_945, %jit3A_946 : i32
        %ne3A_964 = arith.constant 0 : i32
        %ne3A_965 = arith.cmpi ne, %rem3A_963, %ne3A_964 : i32
        %and3A_966 = arith.andi %ne3A_962, %ne3A_965 : i1
        %sub3A_967 = arith.constant 1 : i32
        %sub3A_968 = arith.subi %div3A_947, %sub3A_967 : i32
        %select_n3A_969 = arith.select %and3A_966, %sub3A_968, %div3A_947 : i32
        %jit3A_970 = arith.constant 8 : i32
        %eq3A_971 = arith.constant 0 : i32
        %eq3A_972 = arith.cmpi eq, %jit3A_970, %eq3A_971 : i32
        %jit3A_973 = arith.constant 1 : i32
        %select_n3A_974 = arith.select %eq3A_972, %jit3A_973, %jit3A_970 : i32
        %rem3A_975 = arith.remsi %scan3A_945, %select_n3A_974 : i32
        %ne3A_976 = arith.constant 0 : i32
        %ne3A_977 = arith.cmpi ne, %rem3A_975, %ne3A_976 : i32
        %lt3A_978 = arith.constant 0 : i32
        %lt3A_979 = arith.cmpi slt, %rem3A_975, %lt3A_978 : i32
        %lt3A_980 = arith.constant 0 : i32
        %lt3A_981 = arith.cmpi slt, %select_n3A_974, %lt3A_980 : i32
        %ne3A_982 = arith.xori %lt3A_979, %lt3A_981 : i1
        %and3A_983 = arith.andi %ne3A_982, %ne3A_977 : i1
        %add3A_984 = arith.addi %rem3A_975, %select_n3A_974 : i32
        %select_n3A_985 = arith.select %and3A_983, %add3A_984, %rem3A_975 : i32
        %mul3A_986 = arith.constant 16 : i32
        %mul3A_987 = arith.muli %select_n3A_985, %mul3A_986 : i32
        %get3A_988 = arith.index_cast %select_n3A_969 : i32 to index
        %get3A_989 = arith.index_cast %scan3A_268 : i32 to index
        %get3A_990 = arith.index_cast %mul3A_987 : i32 to index
        %get3A_991 = tpu.vector_load %arg6[%get3A_988, %get3A_989, %get3A_990] {strides = array<i32>} : memref<8x32x128xi32, #tpu.memory_space<vmem>>, vector<16xi32>,
        %shift_right_arithmetic3A_992 = arith.constant 7 : i32
        %shift_right_arithmetic3A_993 = vector.broadcast %shift_right_arithmetic3A_992 : i32 to vector<16xi32>
        %shift_right_arithmetic3A_994 = arith.shrsi %get3A_991, %shift_right_arithmetic3A_993 : vector<16xi32>
        %and3A_995 = arith.constant 127 : i32
        %and3A_996 = vector.broadcast %and3A_995 : i32 to vector<16xi32>
        %and3A_997 = arith.andi %get3A_991, %and3A_996 : vector<16xi32>
        %gather3A_998 = tpu.vector_load_idx %arg5[%shift_right_arithmetic3A_994, %add3A_272, %and3A_997] : memref<8x32x128xf32, #tpu.memory_space<vmem>>[vector<16xi32>, vector<16xi32>, vector<16xi32>], vector<16xf32>,
        %add3A_999 = arith.addf %add3A_943, %gather3A_998 : vector<16xf32>
        %scan3A_1000 = arith.constant 13 : i32
        %scan3A_1001 = arith.addi %scan3A_284, %scan3A_1000 : i32
        %jit3A_1002 = arith.constant 8 : i32
        %div3A_1003 = arith.divsi %scan3A_1001, %jit3A_1002 : i32
        %sign3A_1004 = arith.constant 0 : i32
        %sign3A_1005 = arith.cmpi sgt, %scan3A_1001, %sign3A_1004 : i32
        %sign3A_1006 = arith.extui %sign3A_1005 : i1 to i32
        %sign3A_1007 = arith.constant 0 : i32
        %sign3A_1008 = arith.cmpi slt, %scan3A_1001, %sign3A_1007 : i32
        %sign3A_1009 = arith.extui %sign3A_1008 : i1 to i32
        %sign3A_1010 = arith.subi %sign3A_1006, %sign3A_1009 : i32
        %sign3A_1011 = arith.constant 0 : i32
        %sign3A_1012 = arith.cmpi sgt, %jit3A_1002, %sign3A_1011 : i32
        %sign3A_1013 = arith.extui %sign3A_1012 : i1 to i32
        %sign3A_1014 = arith.constant 0 : i32
        %sign3A_1015 = arith.cmpi slt, %jit3A_1002, %sign3A_1014 : i32
        %sign3A_1016 = arith.extui %sign3A_1015 : i1 to i32
        %sign3A_1017 = arith.subi %sign3A_1013, %sign3A_1016 : i32
        %ne3A_1018 = arith.cmpi ne, %sign3A_1010, %sign3A_1017 : i32
        %rem3A_1019 = arith.remsi %scan3A_1001, %jit3A_1002 : i32
        %ne3A_1020 = arith.constant 0 : i32
        %ne3A_1021 = arith.cmpi ne, %rem3A_1019, %ne3A_1020 : i32
        %and3A_1022 = arith.andi %ne3A_1018, %ne3A_1021 : i1
        %sub3A_1023 = arith.constant 1 : i32
        %sub3A_1024 = arith.subi %div3A_1003, %sub3A_1023 : i32
        %select_n3A_1025 = arith.select %and3A_1022, %sub3A_1024, %div3A_1003 : i32
        %jit3A_1026 = arith.constant 8 : i32
        %eq3A_1027 = arith.constant 0 : i32
        %eq3A_1028 = arith.cmpi eq, %jit3A_1026, %eq3A_1027 : i32
        %jit3A_1029 = arith.constant 1 : i32
        %select_n3A_1030 = arith.select %eq3A_1028, %jit3A_1029, %jit3A_1026 : i32
        %rem3A_1031 = arith.remsi %scan3A_1001, %select_n3A_1030 : i32
        %ne3A_1032 = arith.constant 0 : i32
        %ne3A_1033 = arith.cmpi ne, %rem3A_1031, %ne3A_1032 : i32
        %lt3A_1034 = arith.constant 0 : i32
        %lt3A_1035 = arith.cmpi slt, %rem3A_1031, %lt3A_1034 : i32
        %lt3A_1036 = arith.constant 0 : i32
        %lt3A_1037 = arith.cmpi slt, %select_n3A_1030, %lt3A_1036 : i32
        %ne3A_1038 = arith.xori %lt3A_1035, %lt3A_1037 : i1
        %and3A_1039 = arith.andi %ne3A_1038, %ne3A_1033 : i1
        %add3A_1040 = arith.addi %rem3A_1031, %select_n3A_1030 : i32
        %select_n3A_1041 = arith.select %and3A_1039, %add3A_1040, %rem3A_1031 : i32
        %mul3A_1042 = arith.constant 16 : i32
        %mul3A_1043 = arith.muli %select_n3A_1041, %mul3A_1042 : i32
        %get3A_1044 = arith.index_cast %select_n3A_1025 : i32 to index
        %get3A_1045 = arith.index_cast %scan3A_268 : i32 to index
        %get3A_1046 = arith.index_cast %mul3A_1043 : i32 to index
        %get3A_1047 = tpu.vector_load %arg6[%get3A_1044, %get3A_1045, %get3A_1046] {strides = array<i32>} : memref<8x32x128xi32, #tpu.memory_space<vmem>>, vector<16xi32>,
        %shift_right_arithmetic3A_1048 = arith.constant 7 : i32
        %shift_right_arithmetic3A_1049 = vector.broadcast %shift_right_arithmetic3A_1048 : i32 to vector<16xi32>
        %shift_right_arithmetic3A_1050 = arith.shrsi %get3A_1047, %shift_right_arithmetic3A_1049 : vector<16xi32>
        %and3A_1051 = arith.constant 127 : i32
        %and3A_1052 = vector.broadcast %and3A_1051 : i32 to vector<16xi32>
        %and3A_1053 = arith.andi %get3A_1047, %and3A_1052 : vector<16xi32>
        %gather3A_1054 = tpu.vector_load_idx %arg5[%shift_right_arithmetic3A_1050, %add3A_272, %and3A_1053] : memref<8x32x128xf32, #tpu.memory_space<vmem>>[vector<16xi32>, vector<16xi32>, vector<16xi32>], vector<16xf32>,
        %add3A_1055 = arith.addf %add3A_999, %gather3A_1054 : vector<16xf32>
        %scan3A_1056 = arith.constant 14 : i32
        %scan3A_1057 = arith.addi %scan3A_284, %scan3A_1056 : i32
        %jit3A_1058 = arith.constant 8 : i32
        %div3A_1059 = arith.divsi %scan3A_1057, %jit3A_1058 : i32
        %sign3A_1060 = arith.constant 0 : i32
        %sign3A_1061 = arith.cmpi sgt, %scan3A_1057, %sign3A_1060 : i32
        %sign3A_1062 = arith.extui %sign3A_1061 : i1 to i32
        %sign3A_1063 = arith.constant 0 : i32
        %sign3A_1064 = arith.cmpi slt, %scan3A_1057, %sign3A_1063 : i32
        %sign3A_1065 = arith.extui %sign3A_1064 : i1 to i32
        %sign3A_1066 = arith.subi %sign3A_1062, %sign3A_1065 : i32
        %sign3A_1067 = arith.constant 0 : i32
        %sign3A_1068 = arith.cmpi sgt, %jit3A_1058, %sign3A_1067 : i32
        %sign3A_1069 = arith.extui %sign3A_1068 : i1 to i32
        %sign3A_1070 = arith.constant 0 : i32
        %sign3A_1071 = arith.cmpi slt, %jit3A_1058, %sign3A_1070 : i32
        %sign3A_1072 = arith.extui %sign3A_1071 : i1 to i32
        %sign3A_1073 = arith.subi %sign3A_1069, %sign3A_1072 : i32
        %ne3A_1074 = arith.cmpi ne, %sign3A_1066, %sign3A_1073 : i32
        %rem3A_1075 = arith.remsi %scan3A_1057, %jit3A_1058 : i32
        %ne3A_1076 = arith.constant 0 : i32
        %ne3A_1077 = arith.cmpi ne, %rem3A_1075, %ne3A_1076 : i32
        %and3A_1078 = arith.andi %ne3A_1074, %ne3A_1077 : i1
        %sub3A_1079 = arith.constant 1 : i32
        %sub3A_1080 = arith.subi %div3A_1059, %sub3A_1079 : i32
        %select_n3A_1081 = arith.select %and3A_1078, %sub3A_1080, %div3A_1059 : i32
        %jit3A_1082 = arith.constant 8 : i32
        %eq3A_1083 = arith.constant 0 : i32
        %eq3A_1084 = arith.cmpi eq, %jit3A_1082, %eq3A_1083 : i32
        %jit3A_1085 = arith.constant 1 : i32
        %select_n3A_1086 = arith.select %eq3A_1084, %jit3A_1085, %jit3A_1082 : i32
        %rem3A_1087 = arith.remsi %scan3A_1057, %select_n3A_1086 : i32
        %ne3A_1088 = arith.constant 0 : i32
        %ne3A_1089 = arith.cmpi ne, %rem3A_1087, %ne3A_1088 : i32
        %lt3A_1090 = arith.constant 0 : i32
        %lt3A_1091 = arith.cmpi slt, %rem3A_1087, %lt3A_1090 : i32
        %lt3A_1092 = arith.constant 0 : i32
        %lt3A_1093 = arith.cmpi slt, %select_n3A_1086, %lt3A_1092 : i32
        %ne3A_1094 = arith.xori %lt3A_1091, %lt3A_1093 : i1
        %and3A_1095 = arith.andi %ne3A_1094, %ne3A_1089 : i1
        %add3A_1096 = arith.addi %rem3A_1087, %select_n3A_1086 : i32
        %select_n3A_1097 = arith.select %and3A_1095, %add3A_1096, %rem3A_1087 : i32
        %mul3A_1098 = arith.constant 16 : i32
        %mul3A_1099 = arith.muli %select_n3A_1097, %mul3A_1098 : i32
        %get3A_1100 = arith.index_cast %select_n3A_1081 : i32 to index
        %get3A_1101 = arith.index_cast %scan3A_268 : i32 to index
        %get3A_1102 = arith.index_cast %mul3A_1099 : i32 to index
        %get3A_1103 = tpu.vector_load %arg6[%get3A_1100, %get3A_1101, %get3A_1102] {strides = array<i32>} : memref<8x32x128xi32, #tpu.memory_space<vmem>>, vector<16xi32>,
        %shift_right_arithmetic3A_1104 = arith.constant 7 : i32
        %shift_right_arithmetic3A_1105 = vector.broadcast %shift_right_arithmetic3A_1104 : i32 to vector<16xi32>
        %shift_right_arithmetic3A_1106 = arith.shrsi %get3A_1103, %shift_right_arithmetic3A_1105 : vector<16xi32>
        %and3A_1107 = arith.constant 127 : i32
        %and3A_1108 = vector.broadcast %and3A_1107 : i32 to vector<16xi32>
        %and3A_1109 = arith.andi %get3A_1103, %and3A_1108 : vector<16xi32>
        %gather3A_1110 = tpu.vector_load_idx %arg5[%shift_right_arithmetic3A_1106, %add3A_272, %and3A_1109] : memref<8x32x128xf32, #tpu.memory_space<vmem>>[vector<16xi32>, vector<16xi32>, vector<16xi32>], vector<16xf32>,
        %add3A_1111 = arith.addf %add3A_1055, %gather3A_1110 : vector<16xf32>
        %scan3A_1112 = arith.constant 15 : i32
        %scan3A_1113 = arith.addi %scan3A_284, %scan3A_1112 : i32
        %jit3A_1114 = arith.constant 8 : i32
        %div3A_1115 = arith.divsi %scan3A_1113, %jit3A_1114 : i32
        %sign3A_1116 = arith.constant 0 : i32
        %sign3A_1117 = arith.cmpi sgt, %scan3A_1113, %sign3A_1116 : i32
        %sign3A_1118 = arith.extui %sign3A_1117 : i1 to i32
        %sign3A_1119 = arith.constant 0 : i32
        %sign3A_1120 = arith.cmpi slt, %scan3A_1113, %sign3A_1119 : i32
        %sign3A_1121 = arith.extui %sign3A_1120 : i1 to i32
        %sign3A_1122 = arith.subi %sign3A_1118, %sign3A_1121 : i32
        %sign3A_1123 = arith.constant 0 : i32
        %sign3A_1124 = arith.cmpi sgt, %jit3A_1114, %sign3A_1123 : i32
        %sign3A_1125 = arith.extui %sign3A_1124 : i1 to i32
        %sign3A_1126 = arith.constant 0 : i32
        %sign3A_1127 = arith.cmpi slt, %jit3A_1114, %sign3A_1126 : i32
        %sign3A_1128 = arith.extui %sign3A_1127 : i1 to i32
        %sign3A_1129 = arith.subi %sign3A_1125, %sign3A_1128 : i32
        %ne3A_1130 = arith.cmpi ne, %sign3A_1122, %sign3A_1129 : i32
        %rem3A_1131 = arith.remsi %scan3A_1113, %jit3A_1114 : i32
        %ne3A_1132 = arith.constant 0 : i32
        %ne3A_1133 = arith.cmpi ne, %rem3A_1131, %ne3A_1132 : i32
        %and3A_1134 = arith.andi %ne3A_1130, %ne3A_1133 : i1
        %sub3A_1135 = arith.constant 1 : i32
        %sub3A_1136 = arith.subi %div3A_1115, %sub3A_1135 : i32
        %select_n3A_1137 = arith.select %and3A_1134, %sub3A_1136, %div3A_1115 : i32
        %jit3A_1138 = arith.constant 8 : i32
        %eq3A_1139 = arith.constant 0 : i32
        %eq3A_1140 = arith.cmpi eq, %jit3A_1138, %eq3A_1139 : i32
        %jit3A_1141 = arith.constant 1 : i32
        %select_n3A_1142 = arith.select %eq3A_1140, %jit3A_1141, %jit3A_1138 : i32
        %rem3A_1143 = arith.remsi %scan3A_1113, %select_n3A_1142 : i32
        %ne3A_1144 = arith.constant 0 : i32
        %ne3A_1145 = arith.cmpi ne, %rem3A_1143, %ne3A_1144 : i32
        %lt3A_1146 = arith.constant 0 : i32
        %lt3A_1147 = arith.cmpi slt, %rem3A_1143, %lt3A_1146 : i32
        %lt3A_1148 = arith.constant 0 : i32
        %lt3A_1149 = arith.cmpi slt, %select_n3A_1142, %lt3A_1148 : i32
        %ne3A_1150 = arith.xori %lt3A_1147, %lt3A_1149 : i1
        %and3A_1151 = arith.andi %ne3A_1150, %ne3A_1145 : i1
        %add3A_1152 = arith.addi %rem3A_1143, %select_n3A_1142 : i32
        %select_n3A_1153 = arith.select %and3A_1151, %add3A_1152, %rem3A_1143 : i32
        %mul3A_1154 = arith.constant 16 : i32
        %mul3A_1155 = arith.muli %select_n3A_1153, %mul3A_1154 : i32
        %get3A_1156 = arith.index_cast %select_n3A_1137 : i32 to index
        %get3A_1157 = arith.index_cast %scan3A_268 : i32 to index
        %get3A_1158 = arith.index_cast %mul3A_1155 : i32 to index
        %get3A_1159 = tpu.vector_load %arg6[%get3A_1156, %get3A_1157, %get3A_1158] {strides = array<i32>} : memref<8x32x128xi32, #tpu.memory_space<vmem>>, vector<16xi32>,
        %shift_right_arithmetic3A_1160 = arith.constant 7 : i32
        %shift_right_arithmetic3A_1161 = vector.broadcast %shift_right_arithmetic3A_1160 : i32 to vector<16xi32>
        %shift_right_arithmetic3A_1162 = arith.shrsi %get3A_1159, %shift_right_arithmetic3A_1161 : vector<16xi32>
        %and3A_1163 = arith.constant 127 : i32
        %and3A_1164 = vector.broadcast %and3A_1163 : i32 to vector<16xi32>
        %and3A_1165 = arith.andi %get3A_1159, %and3A_1164 : vector<16xi32>
        %gather3A_1166 = tpu.vector_load_idx %arg5[%shift_right_arithmetic3A_1162, %add3A_272, %and3A_1165] : memref<8x32x128xf32, #tpu.memory_space<vmem>>[vector<16xi32>, vector<16xi32>, vector<16xi32>], vector<16xf32>,
        %add3A_1167 = arith.addf %add3A_1111, %gather3A_1166 : vector<16xf32>
        scf.yield %add3A_1167 : vector<16xf32>
      }
      %scan3A_280 = arith.constant 64 : i32
      %swap3A_281 = arith.index_cast %scan3A_268 : i32 to index
      %swap3A_282 = arith.constant 0 : index
      %swap3A_283 = tpu.vector_load %arg7[%swap3A_281, %swap3A_282] {strides = array<i32>} : memref<32x16xf32, #tpu.memory_space<vmem>>, vector<16xf32>,
      tpu.vector_store %arg7[%swap3A_281, %swap3A_282], %scan3A_279 {strides = array<i32>} : memref<32x16xf32, #tpu.memory_space<vmem>>, vector<16xf32>,
    }
    %scan3A_93 = arith.constant 16 : i32
    %dma_wait3A_94 = arith.constant 0 : i32
    %dma_wait3A_95 = arith.constant 16 : i32
    %dma_wait3A_96 = arith.constant 0 : i32
    %dma_wait3A_97 = tpu.memref_slice %arg5[%dma_wait3A_94, %dma_wait3A_95, %dma_wait3A_96] : memref<8x32x128xf32, #tpu.memory_space<vmem>> -> memref<8x16x128xf32, #tpu.memory_space<vmem>>
    %dma_wait3A_98 = arith.constant 0 : i32
    %dma_wait3A_99 = arith.constant 0 : i32
    %dma_wait3A_100 = tpu.memref_slice %arg2[%dma_wait3A_98, %add3A_31, %dma_wait3A_99] : memref<8x1024x128xf32, #tpu.memory_space<hbm>> -> memref<8x16x128xf32, #tpu.memory_space<hbm>>
    %dma_wait3A_101 = arith.constant 0 : i32
    %dma_wait3A_102 = arith.constant 16 : i32
    %dma_wait3A_103 = arith.constant 0 : i32
    %dma_wait3A_104 = tpu.memref_slice %arg5[%dma_wait3A_101, %dma_wait3A_102, %dma_wait3A_103] : memref<8x32x128xf32, #tpu.memory_space<vmem>> -> memref<8x16x128xf32, #tpu.memory_space<vmem>>
    %dma_wait3A_105 = arith.constant 0 : i32
    %dma_wait3A_106 = arith.constant 0 : i32
    %dma_wait3A_107 = tpu.memref_slice %arg2[%dma_wait3A_105, %add3A_31, %dma_wait3A_106] : memref<8x1024x128xf32, #tpu.memory_space<hbm>> -> memref<8x16x128xf32, #tpu.memory_space<hbm>>
    tpu.wait_dma2 semaphore(%arg9 : memref<!tpu.dma_semaphore, #tpu.memory_space<semaphore_mem>>) src(%dma_wait3A_107 : memref<8x16x128xf32, #tpu.memory_space<hbm>>) dst(%dma_wait3A_104 : memref<8x16x128xf32, #tpu.memory_space<vmem>>)
    %dma_wait3A_108 = arith.constant 0 : i32
    %dma_wait3A_109 = arith.constant 16 : i32
    %dma_wait3A_110 = arith.constant 0 : i32
    %dma_wait3A_111 = tpu.memref_slice %arg6[%dma_wait3A_108, %dma_wait3A_109, %dma_wait3A_110] : memref<8x32x128xi32, #tpu.memory_space<vmem>> -> memref<8x16x128xi32, #tpu.memory_space<vmem>>
    %dma_wait3A_112 = arith.constant 0 : i32
    %dma_wait3A_113 = arith.constant 0 : i32
    %dma_wait3A_114 = tpu.memref_slice %arg3[%dma_wait3A_112, %add3A_47, %dma_wait3A_113] : memref<8x1024x128xi32, #tpu.memory_space<hbm>> -> memref<8x16x128xi32, #tpu.memory_space<hbm>>
    %dma_wait3A_115 = arith.constant 0 : i32
    %dma_wait3A_116 = arith.constant 16 : i32
    %dma_wait3A_117 = arith.constant 0 : i32
    %dma_wait3A_118 = tpu.memref_slice %arg6[%dma_wait3A_115, %dma_wait3A_116, %dma_wait3A_117] : memref<8x32x128xi32, #tpu.memory_space<vmem>> -> memref<8x16x128xi32, #tpu.memory_space<vmem>>
    %dma_wait3A_119 = arith.constant 0 : i32
    %dma_wait3A_120 = arith.constant 0 : i32
    %dma_wait3A_121 = tpu.memref_slice %arg3[%dma_wait3A_119, %add3A_47, %dma_wait3A_120] : memref<8x1024x128xi32, #tpu.memory_space<hbm>> -> memref<8x16x128xi32, #tpu.memory_space<hbm>>
    tpu.wait_dma2 semaphore(%arg10 : memref<!tpu.dma_semaphore, #tpu.memory_space<semaphore_mem>>) src(%dma_wait3A_121 : memref<8x16x128xi32, #tpu.memory_space<hbm>>) dst(%dma_wait3A_118 : memref<8x16x128xi32, #tpu.memory_space<vmem>>)
    %scan3A_122 = arith.constant 0 : i32
    %scan3A_123 = arith.constant 16 : i32
    %scan3A_124 = arith.constant 16 : i32
    %scan3A_125 = arith.addi %scan3A_123, %scan3A_124 : i32
    %scan3A_126 = arith.constant 1 : i32
    scf.for %scan3A_268 = %scan3A_123 to %scan3A_125 step %scan3A_126  : i32 {
      %broadcast_in_dim3A_269 = arith.constant 0 : i32
      %broadcast_in_dim3A_270 = vector.broadcast %broadcast_in_dim3A_269 : i32 to vector<16xi32>
      %add3A_271 = vector.broadcast %scan3A_268 : i32 to vector<16xi32>
      %add3A_272 = arith.addi %broadcast_in_dim3A_270, %add3A_271 : vector<16xi32>
      %broadcast_in_dim3A_273 = arith.constant 0.000000e+00 : f32
      %broadcast_in_dim3A_274 = vector.broadcast %broadcast_in_dim3A_273 : f32 to vector<16xf32>
      %scan3A_275 = arith.constant 0 : i32
      %scan3A_276 = arith.constant 64 : i32
      %scan3A_277 = arith.addi %scan3A_275, %scan3A_276 : i32
      %scan3A_278 = arith.constant 16 : i32
      %scan3A_279 = scf.for %scan3A_284 = %scan3A_275 to %scan3A_277 step %scan3A_278 iter_args(%scan3A_285 = %broadcast_in_dim3A_274) -> (vector<16xf32>)  : i32 {
        %jit3A = arith.constant 8 : i32
        %div3A = arith.divsi %scan3A_284, %jit3A : i32
        %sign3A = arith.constant 0 : i32
        %sign3A_286 = arith.cmpi sgt, %scan3A_284, %sign3A : i32
        %sign3A_287 = arith.extui %sign3A_286 : i1 to i32
        %sign3A_288 = arith.constant 0 : i32
        %sign3A_289 = arith.cmpi slt, %scan3A_284, %sign3A_288 : i32
        %sign3A_290 = arith.extui %sign3A_289 : i1 to i32
        %sign3A_291 = arith.subi %sign3A_287, %sign3A_290 : i32
        %sign3A_292 = arith.constant 0 : i32
        %sign3A_293 = arith.cmpi sgt, %jit3A, %sign3A_292 : i32
        %sign3A_294 = arith.extui %sign3A_293 : i1 to i32
        %sign3A_295 = arith.constant 0 : i32
        %sign3A_296 = arith.cmpi slt, %jit3A, %sign3A_295 : i32
        %sign3A_297 = arith.extui %sign3A_296 : i1 to i32
        %sign3A_298 = arith.subi %sign3A_294, %sign3A_297 : i32
        %ne3A = arith.cmpi ne, %sign3A_291, %sign3A_298 : i32
        %rem3A = arith.remsi %scan3A_284, %jit3A : i32
        %ne3A_299 = arith.constant 0 : i32
        %ne3A_300 = arith.cmpi ne, %rem3A, %ne3A_299 : i32
        %and3A = arith.andi %ne3A, %ne3A_300 : i1
        %sub3A = arith.constant 1 : i32
        %sub3A_301 = arith.subi %div3A, %sub3A : i32
        %select_n3A = arith.select %and3A, %sub3A_301, %div3A : i32
        %jit3A_302 = arith.constant 8 : i32
        %eq3A = arith.constant 0 : i32
        %eq3A_303 = arith.cmpi eq, %jit3A_302, %eq3A : i32
        %jit3A_304 = arith.constant 1 : i32
        %select_n3A_305 = arith.select %eq3A_303, %jit3A_304, %jit3A_302 : i32
        %rem3A_306 = arith.remsi %scan3A_284, %select_n3A_305 : i32
        %ne3A_307 = arith.constant 0 : i32
        %ne3A_308 = arith.cmpi ne, %rem3A_306, %ne3A_307 : i32
        %lt3A = arith.constant 0 : i32
        %lt3A_309 = arith.cmpi slt, %rem3A_306, %lt3A : i32
        %lt3A_310 = arith.constant 0 : i32
        %lt3A_311 = arith.cmpi slt, %select_n3A_305, %lt3A_310 : i32
        %ne3A_312 = arith.xori %lt3A_309, %lt3A_311 : i1
        %and3A_313 = arith.andi %ne3A_312, %ne3A_308 : i1
        %add3A_314 = arith.addi %rem3A_306, %select_n3A_305 : i32
        %select_n3A_315 = arith.select %and3A_313, %add3A_314, %rem3A_306 : i32
        %mul3A_316 = arith.constant 16 : i32
        %mul3A_317 = arith.muli %select_n3A_315, %mul3A_316 : i32
        %get3A = arith.index_cast %select_n3A : i32 to index
        %get3A_318 = arith.index_cast %scan3A_268 : i32 to index
        %get3A_319 = arith.index_cast %mul3A_317 : i32 to index
        %get3A_320 = tpu.vector_load %arg6[%get3A, %get3A_318, %get3A_319] {strides = array<i32>} : memref<8x32x128xi32, #tpu.memory_space<vmem>>, vector<16xi32>,
        %shift_right_arithmetic3A = arith.constant 7 : i32
        %shift_right_arithmetic3A_321 = vector.broadcast %shift_right_arithmetic3A : i32 to vector<16xi32>
        %shift_right_arithmetic3A_322 = arith.shrsi %get3A_320, %shift_right_arithmetic3A_321 : vector<16xi32>
        %and3A_323 = arith.constant 127 : i32
        %and3A_324 = vector.broadcast %and3A_323 : i32 to vector<16xi32>
        %and3A_325 = arith.andi %get3A_320, %and3A_324 : vector<16xi32>
        %gather3A_326 = tpu.vector_load_idx %arg5[%shift_right_arithmetic3A_322, %add3A_272, %and3A_325] : memref<8x32x128xf32, #tpu.memory_space<vmem>>[vector<16xi32>, vector<16xi32>, vector<16xi32>], vector<16xf32>,
        %add3A_327 = arith.addf %scan3A_285, %gather3A_326 : vector<16xf32>
        %scan3A_328 = arith.constant 1 : i32
        %scan3A_329 = arith.addi %scan3A_284, %scan3A_328 : i32
        %jit3A_330 = arith.constant 8 : i32
        %div3A_331 = arith.divsi %scan3A_329, %jit3A_330 : i32
        %sign3A_332 = arith.constant 0 : i32
        %sign3A_333 = arith.cmpi sgt, %scan3A_329, %sign3A_332 : i32
        %sign3A_334 = arith.extui %sign3A_333 : i1 to i32
        %sign3A_335 = arith.constant 0 : i32
        %sign3A_336 = arith.cmpi slt, %scan3A_329, %sign3A_335 : i32
        %sign3A_337 = arith.extui %sign3A_336 : i1 to i32
        %sign3A_338 = arith.subi %sign3A_334, %sign3A_337 : i32
        %sign3A_339 = arith.constant 0 : i32
        %sign3A_340 = arith.cmpi sgt, %jit3A_330, %sign3A_339 : i32
        %sign3A_341 = arith.extui %sign3A_340 : i1 to i32
        %sign3A_342 = arith.constant 0 : i32
        %sign3A_343 = arith.cmpi slt, %jit3A_330, %sign3A_342 : i32
        %sign3A_344 = arith.extui %sign3A_343 : i1 to i32
        %sign3A_345 = arith.subi %sign3A_341, %sign3A_344 : i32
        %ne3A_346 = arith.cmpi ne, %sign3A_338, %sign3A_345 : i32
        %rem3A_347 = arith.remsi %scan3A_329, %jit3A_330 : i32
        %ne3A_348 = arith.constant 0 : i32
        %ne3A_349 = arith.cmpi ne, %rem3A_347, %ne3A_348 : i32
        %and3A_350 = arith.andi %ne3A_346, %ne3A_349 : i1
        %sub3A_351 = arith.constant 1 : i32
        %sub3A_352 = arith.subi %div3A_331, %sub3A_351 : i32
        %select_n3A_353 = arith.select %and3A_350, %sub3A_352, %div3A_331 : i32
        %jit3A_354 = arith.constant 8 : i32
        %eq3A_355 = arith.constant 0 : i32
        %eq3A_356 = arith.cmpi eq, %jit3A_354, %eq3A_355 : i32
        %jit3A_357 = arith.constant 1 : i32
        %select_n3A_358 = arith.select %eq3A_356, %jit3A_357, %jit3A_354 : i32
        %rem3A_359 = arith.remsi %scan3A_329, %select_n3A_358 : i32
        %ne3A_360 = arith.constant 0 : i32
        %ne3A_361 = arith.cmpi ne, %rem3A_359, %ne3A_360 : i32
        %lt3A_362 = arith.constant 0 : i32
        %lt3A_363 = arith.cmpi slt, %rem3A_359, %lt3A_362 : i32
        %lt3A_364 = arith.constant 0 : i32
        %lt3A_365 = arith.cmpi slt, %select_n3A_358, %lt3A_364 : i32
        %ne3A_366 = arith.xori %lt3A_363, %lt3A_365 : i1
        %and3A_367 = arith.andi %ne3A_366, %ne3A_361 : i1
        %add3A_368 = arith.addi %rem3A_359, %select_n3A_358 : i32
        %select_n3A_369 = arith.select %and3A_367, %add3A_368, %rem3A_359 : i32
        %mul3A_370 = arith.constant 16 : i32
        %mul3A_371 = arith.muli %select_n3A_369, %mul3A_370 : i32
        %get3A_372 = arith.index_cast %select_n3A_353 : i32 to index
        %get3A_373 = arith.index_cast %scan3A_268 : i32 to index
        %get3A_374 = arith.index_cast %mul3A_371 : i32 to index
        %get3A_375 = tpu.vector_load %arg6[%get3A_372, %get3A_373, %get3A_374] {strides = array<i32>} : memref<8x32x128xi32, #tpu.memory_space<vmem>>, vector<16xi32>,
        %shift_right_arithmetic3A_376 = arith.constant 7 : i32
        %shift_right_arithmetic3A_377 = vector.broadcast %shift_right_arithmetic3A_376 : i32 to vector<16xi32>
        %shift_right_arithmetic3A_378 = arith.shrsi %get3A_375, %shift_right_arithmetic3A_377 : vector<16xi32>
        %and3A_379 = arith.constant 127 : i32
        %and3A_380 = vector.broadcast %and3A_379 : i32 to vector<16xi32>
        %and3A_381 = arith.andi %get3A_375, %and3A_380 : vector<16xi32>
        %gather3A_382 = tpu.vector_load_idx %arg5[%shift_right_arithmetic3A_378, %add3A_272, %and3A_381] : memref<8x32x128xf32, #tpu.memory_space<vmem>>[vector<16xi32>, vector<16xi32>, vector<16xi32>], vector<16xf32>,
        %add3A_383 = arith.addf %add3A_327, %gather3A_382 : vector<16xf32>
        %scan3A_384 = arith.constant 2 : i32
        %scan3A_385 = arith.addi %scan3A_284, %scan3A_384 : i32
        %jit3A_386 = arith.constant 8 : i32
        %div3A_387 = arith.divsi %scan3A_385, %jit3A_386 : i32
        %sign3A_388 = arith.constant 0 : i32
        %sign3A_389 = arith.cmpi sgt, %scan3A_385, %sign3A_388 : i32
        %sign3A_390 = arith.extui %sign3A_389 : i1 to i32
        %sign3A_391 = arith.constant 0 : i32
        %sign3A_392 = arith.cmpi slt, %scan3A_385, %sign3A_391 : i32
        %sign3A_393 = arith.extui %sign3A_392 : i1 to i32
        %sign3A_394 = arith.subi %sign3A_390, %sign3A_393 : i32
        %sign3A_395 = arith.constant 0 : i32
        %sign3A_396 = arith.cmpi sgt, %jit3A_386, %sign3A_395 : i32
        %sign3A_397 = arith.extui %sign3A_396 : i1 to i32
        %sign3A_398 = arith.constant 0 : i32
        %sign3A_399 = arith.cmpi slt, %jit3A_386, %sign3A_398 : i32
        %sign3A_400 = arith.extui %sign3A_399 : i1 to i32
        %sign3A_401 = arith.subi %sign3A_397, %sign3A_400 : i32
        %ne3A_402 = arith.cmpi ne, %sign3A_394, %sign3A_401 : i32
        %rem3A_403 = arith.remsi %scan3A_385, %jit3A_386 : i32
        %ne3A_404 = arith.constant 0 : i32
        %ne3A_405 = arith.cmpi ne, %rem3A_403, %ne3A_404 : i32
        %and3A_406 = arith.andi %ne3A_402, %ne3A_405 : i1
        %sub3A_407 = arith.constant 1 : i32
        %sub3A_408 = arith.subi %div3A_387, %sub3A_407 : i32
        %select_n3A_409 = arith.select %and3A_406, %sub3A_408, %div3A_387 : i32
        %jit3A_410 = arith.constant 8 : i32
        %eq3A_411 = arith.constant 0 : i32
        %eq3A_412 = arith.cmpi eq, %jit3A_410, %eq3A_411 : i32
        %jit3A_413 = arith.constant 1 : i32
        %select_n3A_414 = arith.select %eq3A_412, %jit3A_413, %jit3A_410 : i32
        %rem3A_415 = arith.remsi %scan3A_385, %select_n3A_414 : i32
        %ne3A_416 = arith.constant 0 : i32
        %ne3A_417 = arith.cmpi ne, %rem3A_415, %ne3A_416 : i32
        %lt3A_418 = arith.constant 0 : i32
        %lt3A_419 = arith.cmpi slt, %rem3A_415, %lt3A_418 : i32
        %lt3A_420 = arith.constant 0 : i32
        %lt3A_421 = arith.cmpi slt, %select_n3A_414, %lt3A_420 : i32
        %ne3A_422 = arith.xori %lt3A_419, %lt3A_421 : i1
        %and3A_423 = arith.andi %ne3A_422, %ne3A_417 : i1
        %add3A_424 = arith.addi %rem3A_415, %select_n3A_414 : i32
        %select_n3A_425 = arith.select %and3A_423, %add3A_424, %rem3A_415 : i32
        %mul3A_426 = arith.constant 16 : i32
        %mul3A_427 = arith.muli %select_n3A_425, %mul3A_426 : i32
        %get3A_428 = arith.index_cast %select_n3A_409 : i32 to index
        %get3A_429 = arith.index_cast %scan3A_268 : i32 to index
        %get3A_430 = arith.index_cast %mul3A_427 : i32 to index
        %get3A_431 = tpu.vector_load %arg6[%get3A_428, %get3A_429, %get3A_430] {strides = array<i32>} : memref<8x32x128xi32, #tpu.memory_space<vmem>>, vector<16xi32>,
        %shift_right_arithmetic3A_432 = arith.constant 7 : i32
        %shift_right_arithmetic3A_433 = vector.broadcast %shift_right_arithmetic3A_432 : i32 to vector<16xi32>
        %shift_right_arithmetic3A_434 = arith.shrsi %get3A_431, %shift_right_arithmetic3A_433 : vector<16xi32>
        %and3A_435 = arith.constant 127 : i32
        %and3A_436 = vector.broadcast %and3A_435 : i32 to vector<16xi32>
        %and3A_437 = arith.andi %get3A_431, %and3A_436 : vector<16xi32>
        %gather3A_438 = tpu.vector_load_idx %arg5[%shift_right_arithmetic3A_434, %add3A_272, %and3A_437] : memref<8x32x128xf32, #tpu.memory_space<vmem>>[vector<16xi32>, vector<16xi32>, vector<16xi32>], vector<16xf32>,
        %add3A_439 = arith.addf %add3A_383, %gather3A_438 : vector<16xf32>
        %scan3A_440 = arith.constant 3 : i32
        %scan3A_441 = arith.addi %scan3A_284, %scan3A_440 : i32
        %jit3A_442 = arith.constant 8 : i32
        %div3A_443 = arith.divsi %scan3A_441, %jit3A_442 : i32
        %sign3A_444 = arith.constant 0 : i32
        %sign3A_445 = arith.cmpi sgt, %scan3A_441, %sign3A_444 : i32
        %sign3A_446 = arith.extui %sign3A_445 : i1 to i32
        %sign3A_447 = arith.constant 0 : i32
        %sign3A_448 = arith.cmpi slt, %scan3A_441, %sign3A_447 : i32
        %sign3A_449 = arith.extui %sign3A_448 : i1 to i32
        %sign3A_450 = arith.subi %sign3A_446, %sign3A_449 : i32
        %sign3A_451 = arith.constant 0 : i32
        %sign3A_452 = arith.cmpi sgt, %jit3A_442, %sign3A_451 : i32
        %sign3A_453 = arith.extui %sign3A_452 : i1 to i32
        %sign3A_454 = arith.constant 0 : i32
        %sign3A_455 = arith.cmpi slt, %jit3A_442, %sign3A_454 : i32
        %sign3A_456 = arith.extui %sign3A_455 : i1 to i32
        %sign3A_457 = arith.subi %sign3A_453, %sign3A_456 : i32
        %ne3A_458 = arith.cmpi ne, %sign3A_450, %sign3A_457 : i32
        %rem3A_459 = arith.remsi %scan3A_441, %jit3A_442 : i32
        %ne3A_460 = arith.constant 0 : i32
        %ne3A_461 = arith.cmpi ne, %rem3A_459, %ne3A_460 : i32
        %and3A_462 = arith.andi %ne3A_458, %ne3A_461 : i1
        %sub3A_463 = arith.constant 1 : i32
        %sub3A_464 = arith.subi %div3A_443, %sub3A_463 : i32
        %select_n3A_465 = arith.select %and3A_462, %sub3A_464, %div3A_443 : i32
        %jit3A_466 = arith.constant 8 : i32
        %eq3A_467 = arith.constant 0 : i32
        %eq3A_468 = arith.cmpi eq, %jit3A_466, %eq3A_467 : i32
        %jit3A_469 = arith.constant 1 : i32
        %select_n3A_470 = arith.select %eq3A_468, %jit3A_469, %jit3A_466 : i32
        %rem3A_471 = arith.remsi %scan3A_441, %select_n3A_470 : i32
        %ne3A_472 = arith.constant 0 : i32
        %ne3A_473 = arith.cmpi ne, %rem3A_471, %ne3A_472 : i32
        %lt3A_474 = arith.constant 0 : i32
        %lt3A_475 = arith.cmpi slt, %rem3A_471, %lt3A_474 : i32
        %lt3A_476 = arith.constant 0 : i32
        %lt3A_477 = arith.cmpi slt, %select_n3A_470, %lt3A_476 : i32
        %ne3A_478 = arith.xori %lt3A_475, %lt3A_477 : i1
        %and3A_479 = arith.andi %ne3A_478, %ne3A_473 : i1
        %add3A_480 = arith.addi %rem3A_471, %select_n3A_470 : i32
        %select_n3A_481 = arith.select %and3A_479, %add3A_480, %rem3A_471 : i32
        %mul3A_482 = arith.constant 16 : i32
        %mul3A_483 = arith.muli %select_n3A_481, %mul3A_482 : i32
        %get3A_484 = arith.index_cast %select_n3A_465 : i32 to index
        %get3A_485 = arith.index_cast %scan3A_268 : i32 to index
        %get3A_486 = arith.index_cast %mul3A_483 : i32 to index
        %get3A_487 = tpu.vector_load %arg6[%get3A_484, %get3A_485, %get3A_486] {strides = array<i32>} : memref<8x32x128xi32, #tpu.memory_space<vmem>>, vector<16xi32>,
        %shift_right_arithmetic3A_488 = arith.constant 7 : i32
        %shift_right_arithmetic3A_489 = vector.broadcast %shift_right_arithmetic3A_488 : i32 to vector<16xi32>
        %shift_right_arithmetic3A_490 = arith.shrsi %get3A_487, %shift_right_arithmetic3A_489 : vector<16xi32>
        %and3A_491 = arith.constant 127 : i32
        %and3A_492 = vector.broadcast %and3A_491 : i32 to vector<16xi32>
        %and3A_493 = arith.andi %get3A_487, %and3A_492 : vector<16xi32>
        %gather3A_494 = tpu.vector_load_idx %arg5[%shift_right_arithmetic3A_490, %add3A_272, %and3A_493] : memref<8x32x128xf32, #tpu.memory_space<vmem>>[vector<16xi32>, vector<16xi32>, vector<16xi32>], vector<16xf32>,
        %add3A_495 = arith.addf %add3A_439, %gather3A_494 : vector<16xf32>
        %scan3A_496 = arith.constant 4 : i32
        %scan3A_497 = arith.addi %scan3A_284, %scan3A_496 : i32
        %jit3A_498 = arith.constant 8 : i32
        %div3A_499 = arith.divsi %scan3A_497, %jit3A_498 : i32
        %sign3A_500 = arith.constant 0 : i32
        %sign3A_501 = arith.cmpi sgt, %scan3A_497, %sign3A_500 : i32
        %sign3A_502 = arith.extui %sign3A_501 : i1 to i32
        %sign3A_503 = arith.constant 0 : i32
        %sign3A_504 = arith.cmpi slt, %scan3A_497, %sign3A_503 : i32
        %sign3A_505 = arith.extui %sign3A_504 : i1 to i32
        %sign3A_506 = arith.subi %sign3A_502, %sign3A_505 : i32
        %sign3A_507 = arith.constant 0 : i32
        %sign3A_508 = arith.cmpi sgt, %jit3A_498, %sign3A_507 : i32
        %sign3A_509 = arith.extui %sign3A_508 : i1 to i32
        %sign3A_510 = arith.constant 0 : i32
        %sign3A_511 = arith.cmpi slt, %jit3A_498, %sign3A_510 : i32
        %sign3A_512 = arith.extui %sign3A_511 : i1 to i32
        %sign3A_513 = arith.subi %sign3A_509, %sign3A_512 : i32
        %ne3A_514 = arith.cmpi ne, %sign3A_506, %sign3A_513 : i32
        %rem3A_515 = arith.remsi %scan3A_497, %jit3A_498 : i32
        %ne3A_516 = arith.constant 0 : i32
        %ne3A_517 = arith.cmpi ne, %rem3A_515, %ne3A_516 : i32
        %and3A_518 = arith.andi %ne3A_514, %ne3A_517 : i1
        %sub3A_519 = arith.constant 1 : i32
        %sub3A_520 = arith.subi %div3A_499, %sub3A_519 : i32
        %select_n3A_521 = arith.select %and3A_518, %sub3A_520, %div3A_499 : i32
        %jit3A_522 = arith.constant 8 : i32
        %eq3A_523 = arith.constant 0 : i32
        %eq3A_524 = arith.cmpi eq, %jit3A_522, %eq3A_523 : i32
        %jit3A_525 = arith.constant 1 : i32
        %select_n3A_526 = arith.select %eq3A_524, %jit3A_525, %jit3A_522 : i32
        %rem3A_527 = arith.remsi %scan3A_497, %select_n3A_526 : i32
        %ne3A_528 = arith.constant 0 : i32
        %ne3A_529 = arith.cmpi ne, %rem3A_527, %ne3A_528 : i32
        %lt3A_530 = arith.constant 0 : i32
        %lt3A_531 = arith.cmpi slt, %rem3A_527, %lt3A_530 : i32
        %lt3A_532 = arith.constant 0 : i32
        %lt3A_533 = arith.cmpi slt, %select_n3A_526, %lt3A_532 : i32
        %ne3A_534 = arith.xori %lt3A_531, %lt3A_533 : i1
        %and3A_535 = arith.andi %ne3A_534, %ne3A_529 : i1
        %add3A_536 = arith.addi %rem3A_527, %select_n3A_526 : i32
        %select_n3A_537 = arith.select %and3A_535, %add3A_536, %rem3A_527 : i32
        %mul3A_538 = arith.constant 16 : i32
        %mul3A_539 = arith.muli %select_n3A_537, %mul3A_538 : i32
        %get3A_540 = arith.index_cast %select_n3A_521 : i32 to index
        %get3A_541 = arith.index_cast %scan3A_268 : i32 to index
        %get3A_542 = arith.index_cast %mul3A_539 : i32 to index
        %get3A_543 = tpu.vector_load %arg6[%get3A_540, %get3A_541, %get3A_542] {strides = array<i32>} : memref<8x32x128xi32, #tpu.memory_space<vmem>>, vector<16xi32>,
        %shift_right_arithmetic3A_544 = arith.constant 7 : i32
        %shift_right_arithmetic3A_545 = vector.broadcast %shift_right_arithmetic3A_544 : i32 to vector<16xi32>
        %shift_right_arithmetic3A_546 = arith.shrsi %get3A_543, %shift_right_arithmetic3A_545 : vector<16xi32>
        %and3A_547 = arith.constant 127 : i32
        %and3A_548 = vector.broadcast %and3A_547 : i32 to vector<16xi32>
        %and3A_549 = arith.andi %get3A_543, %and3A_548 : vector<16xi32>
        %gather3A_550 = tpu.vector_load_idx %arg5[%shift_right_arithmetic3A_546, %add3A_272, %and3A_549] : memref<8x32x128xf32, #tpu.memory_space<vmem>>[vector<16xi32>, vector<16xi32>, vector<16xi32>], vector<16xf32>,
        %add3A_551 = arith.addf %add3A_495, %gather3A_550 : vector<16xf32>
        %scan3A_552 = arith.constant 5 : i32
        %scan3A_553 = arith.addi %scan3A_284, %scan3A_552 : i32
        %jit3A_554 = arith.constant 8 : i32
        %div3A_555 = arith.divsi %scan3A_553, %jit3A_554 : i32
        %sign3A_556 = arith.constant 0 : i32
        %sign3A_557 = arith.cmpi sgt, %scan3A_553, %sign3A_556 : i32
        %sign3A_558 = arith.extui %sign3A_557 : i1 to i32
        %sign3A_559 = arith.constant 0 : i32
        %sign3A_560 = arith.cmpi slt, %scan3A_553, %sign3A_559 : i32
        %sign3A_561 = arith.extui %sign3A_560 : i1 to i32
        %sign3A_562 = arith.subi %sign3A_558, %sign3A_561 : i32
        %sign3A_563 = arith.constant 0 : i32
        %sign3A_564 = arith.cmpi sgt, %jit3A_554, %sign3A_563 : i32
        %sign3A_565 = arith.extui %sign3A_564 : i1 to i32
        %sign3A_566 = arith.constant 0 : i32
        %sign3A_567 = arith.cmpi slt, %jit3A_554, %sign3A_566 : i32
        %sign3A_568 = arith.extui %sign3A_567 : i1 to i32
        %sign3A_569 = arith.subi %sign3A_565, %sign3A_568 : i32
        %ne3A_570 = arith.cmpi ne, %sign3A_562, %sign3A_569 : i32
        %rem3A_571 = arith.remsi %scan3A_553, %jit3A_554 : i32
        %ne3A_572 = arith.constant 0 : i32
        %ne3A_573 = arith.cmpi ne, %rem3A_571, %ne3A_572 : i32
        %and3A_574 = arith.andi %ne3A_570, %ne3A_573 : i1
        %sub3A_575 = arith.constant 1 : i32
        %sub3A_576 = arith.subi %div3A_555, %sub3A_575 : i32
        %select_n3A_577 = arith.select %and3A_574, %sub3A_576, %div3A_555 : i32
        %jit3A_578 = arith.constant 8 : i32
        %eq3A_579 = arith.constant 0 : i32
        %eq3A_580 = arith.cmpi eq, %jit3A_578, %eq3A_579 : i32
        %jit3A_581 = arith.constant 1 : i32
        %select_n3A_582 = arith.select %eq3A_580, %jit3A_581, %jit3A_578 : i32
        %rem3A_583 = arith.remsi %scan3A_553, %select_n3A_582 : i32
        %ne3A_584 = arith.constant 0 : i32
        %ne3A_585 = arith.cmpi ne, %rem3A_583, %ne3A_584 : i32
        %lt3A_586 = arith.constant 0 : i32
        %lt3A_587 = arith.cmpi slt, %rem3A_583, %lt3A_586 : i32
        %lt3A_588 = arith.constant 0 : i32
        %lt3A_589 = arith.cmpi slt, %select_n3A_582, %lt3A_588 : i32
        %ne3A_590 = arith.xori %lt3A_587, %lt3A_589 : i1
        %and3A_591 = arith.andi %ne3A_590, %ne3A_585 : i1
        %add3A_592 = arith.addi %rem3A_583, %select_n3A_582 : i32
        %select_n3A_593 = arith.select %and3A_591, %add3A_592, %rem3A_583 : i32
        %mul3A_594 = arith.constant 16 : i32
        %mul3A_595 = arith.muli %select_n3A_593, %mul3A_594 : i32
        %get3A_596 = arith.index_cast %select_n3A_577 : i32 to index
        %get3A_597 = arith.index_cast %scan3A_268 : i32 to index
        %get3A_598 = arith.index_cast %mul3A_595 : i32 to index
        %get3A_599 = tpu.vector_load %arg6[%get3A_596, %get3A_597, %get3A_598] {strides = array<i32>} : memref<8x32x128xi32, #tpu.memory_space<vmem>>, vector<16xi32>,
        %shift_right_arithmetic3A_600 = arith.constant 7 : i32
        %shift_right_arithmetic3A_601 = vector.broadcast %shift_right_arithmetic3A_600 : i32 to vector<16xi32>
        %shift_right_arithmetic3A_602 = arith.shrsi %get3A_599, %shift_right_arithmetic3A_601 : vector<16xi32>
        %and3A_603 = arith.constant 127 : i32
        %and3A_604 = vector.broadcast %and3A_603 : i32 to vector<16xi32>
        %and3A_605 = arith.andi %get3A_599, %and3A_604 : vector<16xi32>
        %gather3A_606 = tpu.vector_load_idx %arg5[%shift_right_arithmetic3A_602, %add3A_272, %and3A_605] : memref<8x32x128xf32, #tpu.memory_space<vmem>>[vector<16xi32>, vector<16xi32>, vector<16xi32>], vector<16xf32>,
        %add3A_607 = arith.addf %add3A_551, %gather3A_606 : vector<16xf32>
        %scan3A_608 = arith.constant 6 : i32
        %scan3A_609 = arith.addi %scan3A_284, %scan3A_608 : i32
        %jit3A_610 = arith.constant 8 : i32
        %div3A_611 = arith.divsi %scan3A_609, %jit3A_610 : i32
        %sign3A_612 = arith.constant 0 : i32
        %sign3A_613 = arith.cmpi sgt, %scan3A_609, %sign3A_612 : i32
        %sign3A_614 = arith.extui %sign3A_613 : i1 to i32
        %sign3A_615 = arith.constant 0 : i32
        %sign3A_616 = arith.cmpi slt, %scan3A_609, %sign3A_615 : i32
        %sign3A_617 = arith.extui %sign3A_616 : i1 to i32
        %sign3A_618 = arith.subi %sign3A_614, %sign3A_617 : i32
        %sign3A_619 = arith.constant 0 : i32
        %sign3A_620 = arith.cmpi sgt, %jit3A_610, %sign3A_619 : i32
        %sign3A_621 = arith.extui %sign3A_620 : i1 to i32
        %sign3A_622 = arith.constant 0 : i32
        %sign3A_623 = arith.cmpi slt, %jit3A_610, %sign3A_622 : i32
        %sign3A_624 = arith.extui %sign3A_623 : i1 to i32
        %sign3A_625 = arith.subi %sign3A_621, %sign3A_624 : i32
        %ne3A_626 = arith.cmpi ne, %sign3A_618, %sign3A_625 : i32
        %rem3A_627 = arith.remsi %scan3A_609, %jit3A_610 : i32
        %ne3A_628 = arith.constant 0 : i32
        %ne3A_629 = arith.cmpi ne, %rem3A_627, %ne3A_628 : i32
        %and3A_630 = arith.andi %ne3A_626, %ne3A_629 : i1
        %sub3A_631 = arith.constant 1 : i32
        %sub3A_632 = arith.subi %div3A_611, %sub3A_631 : i32
        %select_n3A_633 = arith.select %and3A_630, %sub3A_632, %div3A_611 : i32
        %jit3A_634 = arith.constant 8 : i32
        %eq3A_635 = arith.constant 0 : i32
        %eq3A_636 = arith.cmpi eq, %jit3A_634, %eq3A_635 : i32
        %jit3A_637 = arith.constant 1 : i32
        %select_n3A_638 = arith.select %eq3A_636, %jit3A_637, %jit3A_634 : i32
        %rem3A_639 = arith.remsi %scan3A_609, %select_n3A_638 : i32
        %ne3A_640 = arith.constant 0 : i32
        %ne3A_641 = arith.cmpi ne, %rem3A_639, %ne3A_640 : i32
        %lt3A_642 = arith.constant 0 : i32
        %lt3A_643 = arith.cmpi slt, %rem3A_639, %lt3A_642 : i32
        %lt3A_644 = arith.constant 0 : i32
        %lt3A_645 = arith.cmpi slt, %select_n3A_638, %lt3A_644 : i32
        %ne3A_646 = arith.xori %lt3A_643, %lt3A_645 : i1
        %and3A_647 = arith.andi %ne3A_646, %ne3A_641 : i1
        %add3A_648 = arith.addi %rem3A_639, %select_n3A_638 : i32
        %select_n3A_649 = arith.select %and3A_647, %add3A_648, %rem3A_639 : i32
        %mul3A_650 = arith.constant 16 : i32
        %mul3A_651 = arith.muli %select_n3A_649, %mul3A_650 : i32
        %get3A_652 = arith.index_cast %select_n3A_633 : i32 to index
        %get3A_653 = arith.index_cast %scan3A_268 : i32 to index
        %get3A_654 = arith.index_cast %mul3A_651 : i32 to index
        %get3A_655 = tpu.vector_load %arg6[%get3A_652, %get3A_653, %get3A_654] {strides = array<i32>} : memref<8x32x128xi32, #tpu.memory_space<vmem>>, vector<16xi32>,
        %shift_right_arithmetic3A_656 = arith.constant 7 : i32
        %shift_right_arithmetic3A_657 = vector.broadcast %shift_right_arithmetic3A_656 : i32 to vector<16xi32>
        %shift_right_arithmetic3A_658 = arith.shrsi %get3A_655, %shift_right_arithmetic3A_657 : vector<16xi32>
        %and3A_659 = arith.constant 127 : i32
        %and3A_660 = vector.broadcast %and3A_659 : i32 to vector<16xi32>
        %and3A_661 = arith.andi %get3A_655, %and3A_660 : vector<16xi32>
        %gather3A_662 = tpu.vector_load_idx %arg5[%shift_right_arithmetic3A_658, %add3A_272, %and3A_661] : memref<8x32x128xf32, #tpu.memory_space<vmem>>[vector<16xi32>, vector<16xi32>, vector<16xi32>], vector<16xf32>,
        %add3A_663 = arith.addf %add3A_607, %gather3A_662 : vector<16xf32>
        %scan3A_664 = arith.constant 7 : i32
        %scan3A_665 = arith.addi %scan3A_284, %scan3A_664 : i32
        %jit3A_666 = arith.constant 8 : i32
        %div3A_667 = arith.divsi %scan3A_665, %jit3A_666 : i32
        %sign3A_668 = arith.constant 0 : i32
        %sign3A_669 = arith.cmpi sgt, %scan3A_665, %sign3A_668 : i32
        %sign3A_670 = arith.extui %sign3A_669 : i1 to i32
        %sign3A_671 = arith.constant 0 : i32
        %sign3A_672 = arith.cmpi slt, %scan3A_665, %sign3A_671 : i32
        %sign3A_673 = arith.extui %sign3A_672 : i1 to i32
        %sign3A_674 = arith.subi %sign3A_670, %sign3A_673 : i32
        %sign3A_675 = arith.constant 0 : i32
        %sign3A_676 = arith.cmpi sgt, %jit3A_666, %sign3A_675 : i32
        %sign3A_677 = arith.extui %sign3A_676 : i1 to i32
        %sign3A_678 = arith.constant 0 : i32
        %sign3A_679 = arith.cmpi slt, %jit3A_666, %sign3A_678 : i32
        %sign3A_680 = arith.extui %sign3A_679 : i1 to i32
        %sign3A_681 = arith.subi %sign3A_677, %sign3A_680 : i32
        %ne3A_682 = arith.cmpi ne, %sign3A_674, %sign3A_681 : i32
        %rem3A_683 = arith.remsi %scan3A_665, %jit3A_666 : i32
        %ne3A_684 = arith.constant 0 : i32
        %ne3A_685 = arith.cmpi ne, %rem3A_683, %ne3A_684 : i32
        %and3A_686 = arith.andi %ne3A_682, %ne3A_685 : i1
        %sub3A_687 = arith.constant 1 : i32
        %sub3A_688 = arith.subi %div3A_667, %sub3A_687 : i32
        %select_n3A_689 = arith.select %and3A_686, %sub3A_688, %div3A_667 : i32
        %jit3A_690 = arith.constant 8 : i32
        %eq3A_691 = arith.constant 0 : i32
        %eq3A_692 = arith.cmpi eq, %jit3A_690, %eq3A_691 : i32
        %jit3A_693 = arith.constant 1 : i32
        %select_n3A_694 = arith.select %eq3A_692, %jit3A_693, %jit3A_690 : i32
        %rem3A_695 = arith.remsi %scan3A_665, %select_n3A_694 : i32
        %ne3A_696 = arith.constant 0 : i32
        %ne3A_697 = arith.cmpi ne, %rem3A_695, %ne3A_696 : i32
        %lt3A_698 = arith.constant 0 : i32
        %lt3A_699 = arith.cmpi slt, %rem3A_695, %lt3A_698 : i32
        %lt3A_700 = arith.constant 0 : i32
        %lt3A_701 = arith.cmpi slt, %select_n3A_694, %lt3A_700 : i32
        %ne3A_702 = arith.xori %lt3A_699, %lt3A_701 : i1
        %and3A_703 = arith.andi %ne3A_702, %ne3A_697 : i1
        %add3A_704 = arith.addi %rem3A_695, %select_n3A_694 : i32
        %select_n3A_705 = arith.select %and3A_703, %add3A_704, %rem3A_695 : i32
        %mul3A_706 = arith.constant 16 : i32
        %mul3A_707 = arith.muli %select_n3A_705, %mul3A_706 : i32
        %get3A_708 = arith.index_cast %select_n3A_689 : i32 to index
        %get3A_709 = arith.index_cast %scan3A_268 : i32 to index
        %get3A_710 = arith.index_cast %mul3A_707 : i32 to index
        %get3A_711 = tpu.vector_load %arg6[%get3A_708, %get3A_709, %get3A_710] {strides = array<i32>} : memref<8x32x128xi32, #tpu.memory_space<vmem>>, vector<16xi32>,
        %shift_right_arithmetic3A_712 = arith.constant 7 : i32
        %shift_right_arithmetic3A_713 = vector.broadcast %shift_right_arithmetic3A_712 : i32 to vector<16xi32>
        %shift_right_arithmetic3A_714 = arith.shrsi %get3A_711, %shift_right_arithmetic3A_713 : vector<16xi32>
        %and3A_715 = arith.constant 127 : i32
        %and3A_716 = vector.broadcast %and3A_715 : i32 to vector<16xi32>
        %and3A_717 = arith.andi %get3A_711, %and3A_716 : vector<16xi32>
        %gather3A_718 = tpu.vector_load_idx %arg5[%shift_right_arithmetic3A_714, %add3A_272, %and3A_717] : memref<8x32x128xf32, #tpu.memory_space<vmem>>[vector<16xi32>, vector<16xi32>, vector<16xi32>], vector<16xf32>,
        %add3A_719 = arith.addf %add3A_663, %gather3A_718 : vector<16xf32>
        %scan3A_720 = arith.constant 8 : i32
        %scan3A_721 = arith.addi %scan3A_284, %scan3A_720 : i32
        %jit3A_722 = arith.constant 8 : i32
        %div3A_723 = arith.divsi %scan3A_721, %jit3A_722 : i32
        %sign3A_724 = arith.constant 0 : i32
        %sign3A_725 = arith.cmpi sgt, %scan3A_721, %sign3A_724 : i32
        %sign3A_726 = arith.extui %sign3A_725 : i1 to i32
        %sign3A_727 = arith.constant 0 : i32
        %sign3A_728 = arith.cmpi slt, %scan3A_721, %sign3A_727 : i32
        %sign3A_729 = arith.extui %sign3A_728 : i1 to i32
        %sign3A_730 = arith.subi %sign3A_726, %sign3A_729 : i32
        %sign3A_731 = arith.constant 0 : i32
        %sign3A_732 = arith.cmpi sgt, %jit3A_722, %sign3A_731 : i32
        %sign3A_733 = arith.extui %sign3A_732 : i1 to i32
        %sign3A_734 = arith.constant 0 : i32
        %sign3A_735 = arith.cmpi slt, %jit3A_722, %sign3A_734 : i32
        %sign3A_736 = arith.extui %sign3A_735 : i1 to i32
        %sign3A_737 = arith.subi %sign3A_733, %sign3A_736 : i32
        %ne3A_738 = arith.cmpi ne, %sign3A_730, %sign3A_737 : i32
        %rem3A_739 = arith.remsi %scan3A_721, %jit3A_722 : i32
        %ne3A_740 = arith.constant 0 : i32
        %ne3A_741 = arith.cmpi ne, %rem3A_739, %ne3A_740 : i32
        %and3A_742 = arith.andi %ne3A_738, %ne3A_741 : i1
        %sub3A_743 = arith.constant 1 : i32
        %sub3A_744 = arith.subi %div3A_723, %sub3A_743 : i32
        %select_n3A_745 = arith.select %and3A_742, %sub3A_744, %div3A_723 : i32
        %jit3A_746 = arith.constant 8 : i32
        %eq3A_747 = arith.constant 0 : i32
        %eq3A_748 = arith.cmpi eq, %jit3A_746, %eq3A_747 : i32
        %jit3A_749 = arith.constant 1 : i32
        %select_n3A_750 = arith.select %eq3A_748, %jit3A_749, %jit3A_746 : i32
        %rem3A_751 = arith.remsi %scan3A_721, %select_n3A_750 : i32
        %ne3A_752 = arith.constant 0 : i32
        %ne3A_753 = arith.cmpi ne, %rem3A_751, %ne3A_752 : i32
        %lt3A_754 = arith.constant 0 : i32
        %lt3A_755 = arith.cmpi slt, %rem3A_751, %lt3A_754 : i32
        %lt3A_756 = arith.constant 0 : i32
        %lt3A_757 = arith.cmpi slt, %select_n3A_750, %lt3A_756 : i32
        %ne3A_758 = arith.xori %lt3A_755, %lt3A_757 : i1
        %and3A_759 = arith.andi %ne3A_758, %ne3A_753 : i1
        %add3A_760 = arith.addi %rem3A_751, %select_n3A_750 : i32
        %select_n3A_761 = arith.select %and3A_759, %add3A_760, %rem3A_751 : i32
        %mul3A_762 = arith.constant 16 : i32
        %mul3A_763 = arith.muli %select_n3A_761, %mul3A_762 : i32
        %get3A_764 = arith.index_cast %select_n3A_745 : i32 to index
        %get3A_765 = arith.index_cast %scan3A_268 : i32 to index
        %get3A_766 = arith.index_cast %mul3A_763 : i32 to index
        %get3A_767 = tpu.vector_load %arg6[%get3A_764, %get3A_765, %get3A_766] {strides = array<i32>} : memref<8x32x128xi32, #tpu.memory_space<vmem>>, vector<16xi32>,
        %shift_right_arithmetic3A_768 = arith.constant 7 : i32
        %shift_right_arithmetic3A_769 = vector.broadcast %shift_right_arithmetic3A_768 : i32 to vector<16xi32>
        %shift_right_arithmetic3A_770 = arith.shrsi %get3A_767, %shift_right_arithmetic3A_769 : vector<16xi32>
        %and3A_771 = arith.constant 127 : i32
        %and3A_772 = vector.broadcast %and3A_771 : i32 to vector<16xi32>
        %and3A_773 = arith.andi %get3A_767, %and3A_772 : vector<16xi32>
        %gather3A_774 = tpu.vector_load_idx %arg5[%shift_right_arithmetic3A_770, %add3A_272, %and3A_773] : memref<8x32x128xf32, #tpu.memory_space<vmem>>[vector<16xi32>, vector<16xi32>, vector<16xi32>], vector<16xf32>,
        %add3A_775 = arith.addf %add3A_719, %gather3A_774 : vector<16xf32>
        %scan3A_776 = arith.constant 9 : i32
        %scan3A_777 = arith.addi %scan3A_284, %scan3A_776 : i32
        %jit3A_778 = arith.constant 8 : i32
        %div3A_779 = arith.divsi %scan3A_777, %jit3A_778 : i32
        %sign3A_780 = arith.constant 0 : i32
        %sign3A_781 = arith.cmpi sgt, %scan3A_777, %sign3A_780 : i32
        %sign3A_782 = arith.extui %sign3A_781 : i1 to i32
        %sign3A_783 = arith.constant 0 : i32
        %sign3A_784 = arith.cmpi slt, %scan3A_777, %sign3A_783 : i32
        %sign3A_785 = arith.extui %sign3A_784 : i1 to i32
        %sign3A_786 = arith.subi %sign3A_782, %sign3A_785 : i32
        %sign3A_787 = arith.constant 0 : i32
        %sign3A_788 = arith.cmpi sgt, %jit3A_778, %sign3A_787 : i32
        %sign3A_789 = arith.extui %sign3A_788 : i1 to i32
        %sign3A_790 = arith.constant 0 : i32
        %sign3A_791 = arith.cmpi slt, %jit3A_778, %sign3A_790 : i32
        %sign3A_792 = arith.extui %sign3A_791 : i1 to i32
        %sign3A_793 = arith.subi %sign3A_789, %sign3A_792 : i32
        %ne3A_794 = arith.cmpi ne, %sign3A_786, %sign3A_793 : i32
        %rem3A_795 = arith.remsi %scan3A_777, %jit3A_778 : i32
        %ne3A_796 = arith.constant 0 : i32
        %ne3A_797 = arith.cmpi ne, %rem3A_795, %ne3A_796 : i32
        %and3A_798 = arith.andi %ne3A_794, %ne3A_797 : i1
        %sub3A_799 = arith.constant 1 : i32
        %sub3A_800 = arith.subi %div3A_779, %sub3A_799 : i32
        %select_n3A_801 = arith.select %and3A_798, %sub3A_800, %div3A_779 : i32
        %jit3A_802 = arith.constant 8 : i32
        %eq3A_803 = arith.constant 0 : i32
        %eq3A_804 = arith.cmpi eq, %jit3A_802, %eq3A_803 : i32
        %jit3A_805 = arith.constant 1 : i32
        %select_n3A_806 = arith.select %eq3A_804, %jit3A_805, %jit3A_802 : i32
        %rem3A_807 = arith.remsi %scan3A_777, %select_n3A_806 : i32
        %ne3A_808 = arith.constant 0 : i32
        %ne3A_809 = arith.cmpi ne, %rem3A_807, %ne3A_808 : i32
        %lt3A_810 = arith.constant 0 : i32
        %lt3A_811 = arith.cmpi slt, %rem3A_807, %lt3A_810 : i32
        %lt3A_812 = arith.constant 0 : i32
        %lt3A_813 = arith.cmpi slt, %select_n3A_806, %lt3A_812 : i32
        %ne3A_814 = arith.xori %lt3A_811, %lt3A_813 : i1
        %and3A_815 = arith.andi %ne3A_814, %ne3A_809 : i1
        %add3A_816 = arith.addi %rem3A_807, %select_n3A_806 : i32
        %select_n3A_817 = arith.select %and3A_815, %add3A_816, %rem3A_807 : i32
        %mul3A_818 = arith.constant 16 : i32
        %mul3A_819 = arith.muli %select_n3A_817, %mul3A_818 : i32
        %get3A_820 = arith.index_cast %select_n3A_801 : i32 to index
        %get3A_821 = arith.index_cast %scan3A_268 : i32 to index
        %get3A_822 = arith.index_cast %mul3A_819 : i32 to index
        %get3A_823 = tpu.vector_load %arg6[%get3A_820, %get3A_821, %get3A_822] {strides = array<i32>} : memref<8x32x128xi32, #tpu.memory_space<vmem>>, vector<16xi32>,
        %shift_right_arithmetic3A_824 = arith.constant 7 : i32
        %shift_right_arithmetic3A_825 = vector.broadcast %shift_right_arithmetic3A_824 : i32 to vector<16xi32>
        %shift_right_arithmetic3A_826 = arith.shrsi %get3A_823, %shift_right_arithmetic3A_825 : vector<16xi32>
        %and3A_827 = arith.constant 127 : i32
        %and3A_828 = vector.broadcast %and3A_827 : i32 to vector<16xi32>
        %and3A_829 = arith.andi %get3A_823, %and3A_828 : vector<16xi32>
        %gather3A_830 = tpu.vector_load_idx %arg5[%shift_right_arithmetic3A_826, %add3A_272, %and3A_829] : memref<8x32x128xf32, #tpu.memory_space<vmem>>[vector<16xi32>, vector<16xi32>, vector<16xi32>], vector<16xf32>,
        %add3A_831 = arith.addf %add3A_775, %gather3A_830 : vector<16xf32>
        %scan3A_832 = arith.constant 10 : i32
        %scan3A_833 = arith.addi %scan3A_284, %scan3A_832 : i32
        %jit3A_834 = arith.constant 8 : i32
        %div3A_835 = arith.divsi %scan3A_833, %jit3A_834 : i32
        %sign3A_836 = arith.constant 0 : i32
        %sign3A_837 = arith.cmpi sgt, %scan3A_833, %sign3A_836 : i32
        %sign3A_838 = arith.extui %sign3A_837 : i1 to i32
        %sign3A_839 = arith.constant 0 : i32
        %sign3A_840 = arith.cmpi slt, %scan3A_833, %sign3A_839 : i32
        %sign3A_841 = arith.extui %sign3A_840 : i1 to i32
        %sign3A_842 = arith.subi %sign3A_838, %sign3A_841 : i32
        %sign3A_843 = arith.constant 0 : i32
        %sign3A_844 = arith.cmpi sgt, %jit3A_834, %sign3A_843 : i32
        %sign3A_845 = arith.extui %sign3A_844 : i1 to i32
        %sign3A_846 = arith.constant 0 : i32
        %sign3A_847 = arith.cmpi slt, %jit3A_834, %sign3A_846 : i32
        %sign3A_848 = arith.extui %sign3A_847 : i1 to i32
        %sign3A_849 = arith.subi %sign3A_845, %sign3A_848 : i32
        %ne3A_850 = arith.cmpi ne, %sign3A_842, %sign3A_849 : i32
        %rem3A_851 = arith.remsi %scan3A_833, %jit3A_834 : i32
        %ne3A_852 = arith.constant 0 : i32
        %ne3A_853 = arith.cmpi ne, %rem3A_851, %ne3A_852 : i32
        %and3A_854 = arith.andi %ne3A_850, %ne3A_853 : i1
        %sub3A_855 = arith.constant 1 : i32
        %sub3A_856 = arith.subi %div3A_835, %sub3A_855 : i32
        %select_n3A_857 = arith.select %and3A_854, %sub3A_856, %div3A_835 : i32
        %jit3A_858 = arith.constant 8 : i32
        %eq3A_859 = arith.constant 0 : i32
        %eq3A_860 = arith.cmpi eq, %jit3A_858, %eq3A_859 : i32
        %jit3A_861 = arith.constant 1 : i32
        %select_n3A_862 = arith.select %eq3A_860, %jit3A_861, %jit3A_858 : i32
        %rem3A_863 = arith.remsi %scan3A_833, %select_n3A_862 : i32
        %ne3A_864 = arith.constant 0 : i32
        %ne3A_865 = arith.cmpi ne, %rem3A_863, %ne3A_864 : i32
        %lt3A_866 = arith.constant 0 : i32
        %lt3A_867 = arith.cmpi slt, %rem3A_863, %lt3A_866 : i32
        %lt3A_868 = arith.constant 0 : i32
        %lt3A_869 = arith.cmpi slt, %select_n3A_862, %lt3A_868 : i32
        %ne3A_870 = arith.xori %lt3A_867, %lt3A_869 : i1
        %and3A_871 = arith.andi %ne3A_870, %ne3A_865 : i1
        %add3A_872 = arith.addi %rem3A_863, %select_n3A_862 : i32
        %select_n3A_873 = arith.select %and3A_871, %add3A_872, %rem3A_863 : i32
        %mul3A_874 = arith.constant 16 : i32
        %mul3A_875 = arith.muli %select_n3A_873, %mul3A_874 : i32
        %get3A_876 = arith.index_cast %select_n3A_857 : i32 to index
        %get3A_877 = arith.index_cast %scan3A_268 : i32 to index
        %get3A_878 = arith.index_cast %mul3A_875 : i32 to index
        %get3A_879 = tpu.vector_load %arg6[%get3A_876, %get3A_877, %get3A_878] {strides = array<i32>} : memref<8x32x128xi32, #tpu.memory_space<vmem>>, vector<16xi32>,
        %shift_right_arithmetic3A_880 = arith.constant 7 : i32
        %shift_right_arithmetic3A_881 = vector.broadcast %shift_right_arithmetic3A_880 : i32 to vector<16xi32>
        %shift_right_arithmetic3A_882 = arith.shrsi %get3A_879, %shift_right_arithmetic3A_881 : vector<16xi32>
        %and3A_883 = arith.constant 127 : i32
        %and3A_884 = vector.broadcast %and3A_883 : i32 to vector<16xi32>
        %and3A_885 = arith.andi %get3A_879, %and3A_884 : vector<16xi32>
        %gather3A_886 = tpu.vector_load_idx %arg5[%shift_right_arithmetic3A_882, %add3A_272, %and3A_885] : memref<8x32x128xf32, #tpu.memory_space<vmem>>[vector<16xi32>, vector<16xi32>, vector<16xi32>], vector<16xf32>,
        %add3A_887 = arith.addf %add3A_831, %gather3A_886 : vector<16xf32>
        %scan3A_888 = arith.constant 11 : i32
        %scan3A_889 = arith.addi %scan3A_284, %scan3A_888 : i32
        %jit3A_890 = arith.constant 8 : i32
        %div3A_891 = arith.divsi %scan3A_889, %jit3A_890 : i32
        %sign3A_892 = arith.constant 0 : i32
        %sign3A_893 = arith.cmpi sgt, %scan3A_889, %sign3A_892 : i32
        %sign3A_894 = arith.extui %sign3A_893 : i1 to i32
        %sign3A_895 = arith.constant 0 : i32
        %sign3A_896 = arith.cmpi slt, %scan3A_889, %sign3A_895 : i32
        %sign3A_897 = arith.extui %sign3A_896 : i1 to i32
        %sign3A_898 = arith.subi %sign3A_894, %sign3A_897 : i32
        %sign3A_899 = arith.constant 0 : i32
        %sign3A_900 = arith.cmpi sgt, %jit3A_890, %sign3A_899 : i32
        %sign3A_901 = arith.extui %sign3A_900 : i1 to i32
        %sign3A_902 = arith.constant 0 : i32
        %sign3A_903 = arith.cmpi slt, %jit3A_890, %sign3A_902 : i32
        %sign3A_904 = arith.extui %sign3A_903 : i1 to i32
        %sign3A_905 = arith.subi %sign3A_901, %sign3A_904 : i32
        %ne3A_906 = arith.cmpi ne, %sign3A_898, %sign3A_905 : i32
        %rem3A_907 = arith.remsi %scan3A_889, %jit3A_890 : i32
        %ne3A_908 = arith.constant 0 : i32
        %ne3A_909 = arith.cmpi ne, %rem3A_907, %ne3A_908 : i32
        %and3A_910 = arith.andi %ne3A_906, %ne3A_909 : i1
        %sub3A_911 = arith.constant 1 : i32
        %sub3A_912 = arith.subi %div3A_891, %sub3A_911 : i32
        %select_n3A_913 = arith.select %and3A_910, %sub3A_912, %div3A_891 : i32
        %jit3A_914 = arith.constant 8 : i32
        %eq3A_915 = arith.constant 0 : i32
        %eq3A_916 = arith.cmpi eq, %jit3A_914, %eq3A_915 : i32
        %jit3A_917 = arith.constant 1 : i32
        %select_n3A_918 = arith.select %eq3A_916, %jit3A_917, %jit3A_914 : i32
        %rem3A_919 = arith.remsi %scan3A_889, %select_n3A_918 : i32
        %ne3A_920 = arith.constant 0 : i32
        %ne3A_921 = arith.cmpi ne, %rem3A_919, %ne3A_920 : i32
        %lt3A_922 = arith.constant 0 : i32
        %lt3A_923 = arith.cmpi slt, %rem3A_919, %lt3A_922 : i32
        %lt3A_924 = arith.constant 0 : i32
        %lt3A_925 = arith.cmpi slt, %select_n3A_918, %lt3A_924 : i32
        %ne3A_926 = arith.xori %lt3A_923, %lt3A_925 : i1
        %and3A_927 = arith.andi %ne3A_926, %ne3A_921 : i1
        %add3A_928 = arith.addi %rem3A_919, %select_n3A_918 : i32
        %select_n3A_929 = arith.select %and3A_927, %add3A_928, %rem3A_919 : i32
        %mul3A_930 = arith.constant 16 : i32
        %mul3A_931 = arith.muli %select_n3A_929, %mul3A_930 : i32
        %get3A_932 = arith.index_cast %select_n3A_913 : i32 to index
        %get3A_933 = arith.index_cast %scan3A_268 : i32 to index
        %get3A_934 = arith.index_cast %mul3A_931 : i32 to index
        %get3A_935 = tpu.vector_load %arg6[%get3A_932, %get3A_933, %get3A_934] {strides = array<i32>} : memref<8x32x128xi32, #tpu.memory_space<vmem>>, vector<16xi32>,
        %shift_right_arithmetic3A_936 = arith.constant 7 : i32
        %shift_right_arithmetic3A_937 = vector.broadcast %shift_right_arithmetic3A_936 : i32 to vector<16xi32>
        %shift_right_arithmetic3A_938 = arith.shrsi %get3A_935, %shift_right_arithmetic3A_937 : vector<16xi32>
        %and3A_939 = arith.constant 127 : i32
        %and3A_940 = vector.broadcast %and3A_939 : i32 to vector<16xi32>
        %and3A_941 = arith.andi %get3A_935, %and3A_940 : vector<16xi32>
        %gather3A_942 = tpu.vector_load_idx %arg5[%shift_right_arithmetic3A_938, %add3A_272, %and3A_941] : memref<8x32x128xf32, #tpu.memory_space<vmem>>[vector<16xi32>, vector<16xi32>, vector<16xi32>], vector<16xf32>,
        %add3A_943 = arith.addf %add3A_887, %gather3A_942 : vector<16xf32>
        %scan3A_944 = arith.constant 12 : i32
        %scan3A_945 = arith.addi %scan3A_284, %scan3A_944 : i32
        %jit3A_946 = arith.constant 8 : i32
        %div3A_947 = arith.divsi %scan3A_945, %jit3A_946 : i32
        %sign3A_948 = arith.constant 0 : i32
        %sign3A_949 = arith.cmpi sgt, %scan3A_945, %sign3A_948 : i32
        %sign3A_950 = arith.extui %sign3A_949 : i1 to i32
        %sign3A_951 = arith.constant 0 : i32
        %sign3A_952 = arith.cmpi slt, %scan3A_945, %sign3A_951 : i32
        %sign3A_953 = arith.extui %sign3A_952 : i1 to i32
        %sign3A_954 = arith.subi %sign3A_950, %sign3A_953 : i32
        %sign3A_955 = arith.constant 0 : i32
        %sign3A_956 = arith.cmpi sgt, %jit3A_946, %sign3A_955 : i32
        %sign3A_957 = arith.extui %sign3A_956 : i1 to i32
        %sign3A_958 = arith.constant 0 : i32
        %sign3A_959 = arith.cmpi slt, %jit3A_946, %sign3A_958 : i32
        %sign3A_960 = arith.extui %sign3A_959 : i1 to i32
        %sign3A_961 = arith.subi %sign3A_957, %sign3A_960 : i32
        %ne3A_962 = arith.cmpi ne, %sign3A_954, %sign3A_961 : i32
        %rem3A_963 = arith.remsi %scan3A_945, %jit3A_946 : i32
        %ne3A_964 = arith.constant 0 : i32
        %ne3A_965 = arith.cmpi ne, %rem3A_963, %ne3A_964 : i32
        %and3A_966 = arith.andi %ne3A_962, %ne3A_965 : i1
        %sub3A_967 = arith.constant 1 : i32
        %sub3A_968 = arith.subi %div3A_947, %sub3A_967 : i32
        %select_n3A_969 = arith.select %and3A_966, %sub3A_968, %div3A_947 : i32
        %jit3A_970 = arith.constant 8 : i32
        %eq3A_971 = arith.constant 0 : i32
        %eq3A_972 = arith.cmpi eq, %jit3A_970, %eq3A_971 : i32
        %jit3A_973 = arith.constant 1 : i32
        %select_n3A_974 = arith.select %eq3A_972, %jit3A_973, %jit3A_970 : i32
        %rem3A_975 = arith.remsi %scan3A_945, %select_n3A_974 : i32
        %ne3A_976 = arith.constant 0 : i32
        %ne3A_977 = arith.cmpi ne, %rem3A_975, %ne3A_976 : i32
        %lt3A_978 = arith.constant 0 : i32
        %lt3A_979 = arith.cmpi slt, %rem3A_975, %lt3A_978 : i32
        %lt3A_980 = arith.constant 0 : i32
        %lt3A_981 = arith.cmpi slt, %select_n3A_974, %lt3A_980 : i32
        %ne3A_982 = arith.xori %lt3A_979, %lt3A_981 : i1
        %and3A_983 = arith.andi %ne3A_982, %ne3A_977 : i1
        %add3A_984 = arith.addi %rem3A_975, %select_n3A_974 : i32
        %select_n3A_985 = arith.select %and3A_983, %add3A_984, %rem3A_975 : i32
        %mul3A_986 = arith.constant 16 : i32
        %mul3A_987 = arith.muli %select_n3A_985, %mul3A_986 : i32
        %get3A_988 = arith.index_cast %select_n3A_969 : i32 to index
        %get3A_989 = arith.index_cast %scan3A_268 : i32 to index
        %get3A_990 = arith.index_cast %mul3A_987 : i32 to index
        %get3A_991 = tpu.vector_load %arg6[%get3A_988, %get3A_989, %get3A_990] {strides = array<i32>} : memref<8x32x128xi32, #tpu.memory_space<vmem>>, vector<16xi32>,
        %shift_right_arithmetic3A_992 = arith.constant 7 : i32
        %shift_right_arithmetic3A_993 = vector.broadcast %shift_right_arithmetic3A_992 : i32 to vector<16xi32>
        %shift_right_arithmetic3A_994 = arith.shrsi %get3A_991, %shift_right_arithmetic3A_993 : vector<16xi32>
        %and3A_995 = arith.constant 127 : i32
        %and3A_996 = vector.broadcast %and3A_995 : i32 to vector<16xi32>
        %and3A_997 = arith.andi %get3A_991, %and3A_996 : vector<16xi32>
        %gather3A_998 = tpu.vector_load_idx %arg5[%shift_right_arithmetic3A_994, %add3A_272, %and3A_997] : memref<8x32x128xf32, #tpu.memory_space<vmem>>[vector<16xi32>, vector<16xi32>, vector<16xi32>], vector<16xf32>,
        %add3A_999 = arith.addf %add3A_943, %gather3A_998 : vector<16xf32>
        %scan3A_1000 = arith.constant 13 : i32
        %scan3A_1001 = arith.addi %scan3A_284, %scan3A_1000 : i32
        %jit3A_1002 = arith.constant 8 : i32
        %div3A_1003 = arith.divsi %scan3A_1001, %jit3A_1002 : i32
        %sign3A_1004 = arith.constant 0 : i32
        %sign3A_1005 = arith.cmpi sgt, %scan3A_1001, %sign3A_1004 : i32
        %sign3A_1006 = arith.extui %sign3A_1005 : i1 to i32
        %sign3A_1007 = arith.constant 0 : i32
        %sign3A_1008 = arith.cmpi slt, %scan3A_1001, %sign3A_1007 : i32
        %sign3A_1009 = arith.extui %sign3A_1008 : i1 to i32
        %sign3A_1010 = arith.subi %sign3A_1006, %sign3A_1009 : i32
        %sign3A_1011 = arith.constant 0 : i32
        %sign3A_1012 = arith.cmpi sgt, %jit3A_1002, %sign3A_1011 : i32
        %sign3A_1013 = arith.extui %sign3A_1012 : i1 to i32
        %sign3A_1014 = arith.constant 0 : i32
        %sign3A_1015 = arith.cmpi slt, %jit3A_1002, %sign3A_1014 : i32
        %sign3A_1016 = arith.extui %sign3A_1015 : i1 to i32
        %sign3A_1017 = arith.subi %sign3A_1013, %sign3A_1016 : i32
        %ne3A_1018 = arith.cmpi ne, %sign3A_1010, %sign3A_1017 : i32
        %rem3A_1019 = arith.remsi %scan3A_1001, %jit3A_1002 : i32
        %ne3A_1020 = arith.constant 0 : i32
        %ne3A_1021 = arith.cmpi ne, %rem3A_1019, %ne3A_1020 : i32
        %and3A_1022 = arith.andi %ne3A_1018, %ne3A_1021 : i1
        %sub3A_1023 = arith.constant 1 : i32
        %sub3A_1024 = arith.subi %div3A_1003, %sub3A_1023 : i32
        %select_n3A_1025 = arith.select %and3A_1022, %sub3A_1024, %div3A_1003 : i32
        %jit3A_1026 = arith.constant 8 : i32
        %eq3A_1027 = arith.constant 0 : i32
        %eq3A_1028 = arith.cmpi eq, %jit3A_1026, %eq3A_1027 : i32
        %jit3A_1029 = arith.constant 1 : i32
        %select_n3A_1030 = arith.select %eq3A_1028, %jit3A_1029, %jit3A_1026 : i32
        %rem3A_1031 = arith.remsi %scan3A_1001, %select_n3A_1030 : i32
        %ne3A_1032 = arith.constant 0 : i32
        %ne3A_1033 = arith.cmpi ne, %rem3A_1031, %ne3A_1032 : i32
        %lt3A_1034 = arith.constant 0 : i32
        %lt3A_1035 = arith.cmpi slt, %rem3A_1031, %lt3A_1034 : i32
        %lt3A_1036 = arith.constant 0 : i32
        %lt3A_1037 = arith.cmpi slt, %select_n3A_1030, %lt3A_1036 : i32
        %ne3A_1038 = arith.xori %lt3A_1035, %lt3A_1037 : i1
        %and3A_1039 = arith.andi %ne3A_1038, %ne3A_1033 : i1
        %add3A_1040 = arith.addi %rem3A_1031, %select_n3A_1030 : i32
        %select_n3A_1041 = arith.select %and3A_1039, %add3A_1040, %rem3A_1031 : i32
        %mul3A_1042 = arith.constant 16 : i32
        %mul3A_1043 = arith.muli %select_n3A_1041, %mul3A_1042 : i32
        %get3A_1044 = arith.index_cast %select_n3A_1025 : i32 to index
        %get3A_1045 = arith.index_cast %scan3A_268 : i32 to index
        %get3A_1046 = arith.index_cast %mul3A_1043 : i32 to index
        %get3A_1047 = tpu.vector_load %arg6[%get3A_1044, %get3A_1045, %get3A_1046] {strides = array<i32>} : memref<8x32x128xi32, #tpu.memory_space<vmem>>, vector<16xi32>,
        %shift_right_arithmetic3A_1048 = arith.constant 7 : i32
        %shift_right_arithmetic3A_1049 = vector.broadcast %shift_right_arithmetic3A_1048 : i32 to vector<16xi32>
        %shift_right_arithmetic3A_1050 = arith.shrsi %get3A_1047, %shift_right_arithmetic3A_1049 : vector<16xi32>
        %and3A_1051 = arith.constant 127 : i32
        %and3A_1052 = vector.broadcast %and3A_1051 : i32 to vector<16xi32>
        %and3A_1053 = arith.andi %get3A_1047, %and3A_1052 : vector<16xi32>
        %gather3A_1054 = tpu.vector_load_idx %arg5[%shift_right_arithmetic3A_1050, %add3A_272, %and3A_1053] : memref<8x32x128xf32, #tpu.memory_space<vmem>>[vector<16xi32>, vector<16xi32>, vector<16xi32>], vector<16xf32>,
        %add3A_1055 = arith.addf %add3A_999, %gather3A_1054 : vector<16xf32>
        %scan3A_1056 = arith.constant 14 : i32
        %scan3A_1057 = arith.addi %scan3A_284, %scan3A_1056 : i32
        %jit3A_1058 = arith.constant 8 : i32
        %div3A_1059 = arith.divsi %scan3A_1057, %jit3A_1058 : i32
        %sign3A_1060 = arith.constant 0 : i32
        %sign3A_1061 = arith.cmpi sgt, %scan3A_1057, %sign3A_1060 : i32
        %sign3A_1062 = arith.extui %sign3A_1061 : i1 to i32
        %sign3A_1063 = arith.constant 0 : i32
        %sign3A_1064 = arith.cmpi slt, %scan3A_1057, %sign3A_1063 : i32
        %sign3A_1065 = arith.extui %sign3A_1064 : i1 to i32
        %sign3A_1066 = arith.subi %sign3A_1062, %sign3A_1065 : i32
        %sign3A_1067 = arith.constant 0 : i32
        %sign3A_1068 = arith.cmpi sgt, %jit3A_1058, %sign3A_1067 : i32
        %sign3A_1069 = arith.extui %sign3A_1068 : i1 to i32
        %sign3A_1070 = arith.constant 0 : i32
        %sign3A_1071 = arith.cmpi slt, %jit3A_1058, %sign3A_1070 : i32
        %sign3A_1072 = arith.extui %sign3A_1071 : i1 to i32
        %sign3A_1073 = arith.subi %sign3A_1069, %sign3A_1072 : i32
        %ne3A_1074 = arith.cmpi ne, %sign3A_1066, %sign3A_1073 : i32
        %rem3A_1075 = arith.remsi %scan3A_1057, %jit3A_1058 : i32
        %ne3A_1076 = arith.constant 0 : i32
        %ne3A_1077 = arith.cmpi ne, %rem3A_1075, %ne3A_1076 : i32
        %and3A_1078 = arith.andi %ne3A_1074, %ne3A_1077 : i1
        %sub3A_1079 = arith.constant 1 : i32
        %sub3A_1080 = arith.subi %div3A_1059, %sub3A_1079 : i32
        %select_n3A_1081 = arith.select %and3A_1078, %sub3A_1080, %div3A_1059 : i32
        %jit3A_1082 = arith.constant 8 : i32
        %eq3A_1083 = arith.constant 0 : i32
        %eq3A_1084 = arith.cmpi eq, %jit3A_1082, %eq3A_1083 : i32
        %jit3A_1085 = arith.constant 1 : i32
        %select_n3A_1086 = arith.select %eq3A_1084, %jit3A_1085, %jit3A_1082 : i32
        %rem3A_1087 = arith.remsi %scan3A_1057, %select_n3A_1086 : i32
        %ne3A_1088 = arith.constant 0 : i32
        %ne3A_1089 = arith.cmpi ne, %rem3A_1087, %ne3A_1088 : i32
        %lt3A_1090 = arith.constant 0 : i32
        %lt3A_1091 = arith.cmpi slt, %rem3A_1087, %lt3A_1090 : i32
        %lt3A_1092 = arith.constant 0 : i32
        %lt3A_1093 = arith.cmpi slt, %select_n3A_1086, %lt3A_1092 : i32
        %ne3A_1094 = arith.xori %lt3A_1091, %lt3A_1093 : i1
        %and3A_1095 = arith.andi %ne3A_1094, %ne3A_1089 : i1
        %add3A_1096 = arith.addi %rem3A_1087, %select_n3A_1086 : i32
        %select_n3A_1097 = arith.select %and3A_1095, %add3A_1096, %rem3A_1087 : i32
        %mul3A_1098 = arith.constant 16 : i32
        %mul3A_1099 = arith.muli %select_n3A_1097, %mul3A_1098 : i32
        %get3A_1100 = arith.index_cast %select_n3A_1081 : i32 to index
        %get3A_1101 = arith.index_cast %scan3A_268 : i32 to index
        %get3A_1102 = arith.index_cast %mul3A_1099 : i32 to index
        %get3A_1103 = tpu.vector_load %arg6[%get3A_1100, %get3A_1101, %get3A_1102] {strides = array<i32>} : memref<8x32x128xi32, #tpu.memory_space<vmem>>, vector<16xi32>,
        %shift_right_arithmetic3A_1104 = arith.constant 7 : i32
        %shift_right_arithmetic3A_1105 = vector.broadcast %shift_right_arithmetic3A_1104 : i32 to vector<16xi32>
        %shift_right_arithmetic3A_1106 = arith.shrsi %get3A_1103, %shift_right_arithmetic3A_1105 : vector<16xi32>
        %and3A_1107 = arith.constant 127 : i32
        %and3A_1108 = vector.broadcast %and3A_1107 : i32 to vector<16xi32>
        %and3A_1109 = arith.andi %get3A_1103, %and3A_1108 : vector<16xi32>
        %gather3A_1110 = tpu.vector_load_idx %arg5[%shift_right_arithmetic3A_1106, %add3A_272, %and3A_1109] : memref<8x32x128xf32, #tpu.memory_space<vmem>>[vector<16xi32>, vector<16xi32>, vector<16xi32>], vector<16xf32>,
        %add3A_1111 = arith.addf %add3A_1055, %gather3A_1110 : vector<16xf32>
        %scan3A_1112 = arith.constant 15 : i32
        %scan3A_1113 = arith.addi %scan3A_284, %scan3A_1112 : i32
        %jit3A_1114 = arith.constant 8 : i32
        %div3A_1115 = arith.divsi %scan3A_1113, %jit3A_1114 : i32
        %sign3A_1116 = arith.constant 0 : i32
        %sign3A_1117 = arith.cmpi sgt, %scan3A_1113, %sign3A_1116 : i32
        %sign3A_1118 = arith.extui %sign3A_1117 : i1 to i32
        %sign3A_1119 = arith.constant 0 : i32
        %sign3A_1120 = arith.cmpi slt, %scan3A_1113, %sign3A_1119 : i32
        %sign3A_1121 = arith.extui %sign3A_1120 : i1 to i32
        %sign3A_1122 = arith.subi %sign3A_1118, %sign3A_1121 : i32
        %sign3A_1123 = arith.constant 0 : i32
        %sign3A_1124 = arith.cmpi sgt, %jit3A_1114, %sign3A_1123 : i32
        %sign3A_1125 = arith.extui %sign3A_1124 : i1 to i32
        %sign3A_1126 = arith.constant 0 : i32
        %sign3A_1127 = arith.cmpi slt, %jit3A_1114, %sign3A_1126 : i32
        %sign3A_1128 = arith.extui %sign3A_1127 : i1 to i32
        %sign3A_1129 = arith.subi %sign3A_1125, %sign3A_1128 : i32
        %ne3A_1130 = arith.cmpi ne, %sign3A_1122, %sign3A_1129 : i32
        %rem3A_1131 = arith.remsi %scan3A_1113, %jit3A_1114 : i32
        %ne3A_1132 = arith.constant 0 : i32
        %ne3A_1133 = arith.cmpi ne, %rem3A_1131, %ne3A_1132 : i32
        %and3A_1134 = arith.andi %ne3A_1130, %ne3A_1133 : i1
        %sub3A_1135 = arith.constant 1 : i32
        %sub3A_1136 = arith.subi %div3A_1115, %sub3A_1135 : i32
        %select_n3A_1137 = arith.select %and3A_1134, %sub3A_1136, %div3A_1115 : i32
        %jit3A_1138 = arith.constant 8 : i32
        %eq3A_1139 = arith.constant 0 : i32
        %eq3A_1140 = arith.cmpi eq, %jit3A_1138, %eq3A_1139 : i32
        %jit3A_1141 = arith.constant 1 : i32
        %select_n3A_1142 = arith.select %eq3A_1140, %jit3A_1141, %jit3A_1138 : i32
        %rem3A_1143 = arith.remsi %scan3A_1113, %select_n3A_1142 : i32
        %ne3A_1144 = arith.constant 0 : i32
        %ne3A_1145 = arith.cmpi ne, %rem3A_1143, %ne3A_1144 : i32
        %lt3A_1146 = arith.constant 0 : i32
        %lt3A_1147 = arith.cmpi slt, %rem3A_1143, %lt3A_1146 : i32
        %lt3A_1148 = arith.constant 0 : i32
        %lt3A_1149 = arith.cmpi slt, %select_n3A_1142, %lt3A_1148 : i32
        %ne3A_1150 = arith.xori %lt3A_1147, %lt3A_1149 : i1
        %and3A_1151 = arith.andi %ne3A_1150, %ne3A_1145 : i1
        %add3A_1152 = arith.addi %rem3A_1143, %select_n3A_1142 : i32
        %select_n3A_1153 = arith.select %and3A_1151, %add3A_1152, %rem3A_1143 : i32
        %mul3A_1154 = arith.constant 16 : i32
        %mul3A_1155 = arith.muli %select_n3A_1153, %mul3A_1154 : i32
        %get3A_1156 = arith.index_cast %select_n3A_1137 : i32 to index
        %get3A_1157 = arith.index_cast %scan3A_268 : i32 to index
        %get3A_1158 = arith.index_cast %mul3A_1155 : i32 to index
        %get3A_1159 = tpu.vector_load %arg6[%get3A_1156, %get3A_1157, %get3A_1158] {strides = array<i32>} : memref<8x32x128xi32, #tpu.memory_space<vmem>>, vector<16xi32>,
        %shift_right_arithmetic3A_1160 = arith.constant 7 : i32
        %shift_right_arithmetic3A_1161 = vector.broadcast %shift_right_arithmetic3A_1160 : i32 to vector<16xi32>
        %shift_right_arithmetic3A_1162 = arith.shrsi %get3A_1159, %shift_right_arithmetic3A_1161 : vector<16xi32>
        %and3A_1163 = arith.constant 127 : i32
        %and3A_1164 = vector.broadcast %and3A_1163 : i32 to vector<16xi32>
        %and3A_1165 = arith.andi %get3A_1159, %and3A_1164 : vector<16xi32>
        %gather3A_1166 = tpu.vector_load_idx %arg5[%shift_right_arithmetic3A_1162, %add3A_272, %and3A_1165] : memref<8x32x128xf32, #tpu.memory_space<vmem>>[vector<16xi32>, vector<16xi32>, vector<16xi32>], vector<16xf32>,
        %add3A_1167 = arith.addf %add3A_1111, %gather3A_1166 : vector<16xf32>
        scf.yield %add3A_1167 : vector<16xf32>
      }
      %scan3A_280 = arith.constant 64 : i32
      %swap3A_281 = arith.index_cast %scan3A_268 : i32 to index
      %swap3A_282 = arith.constant 0 : index
      %swap3A_283 = tpu.vector_load %arg7[%swap3A_281, %swap3A_282] {strides = array<i32>} : memref<32x16xf32, #tpu.memory_space<vmem>>, vector<16xf32>,
      tpu.vector_store %arg7[%swap3A_281, %swap3A_282], %scan3A_279 {strides = array<i32>} : memref<32x16xf32, #tpu.memory_space<vmem>>, vector<16xf32>,
    }
    %scan3A_127 = arith.constant 16 : i32
    %iota3A = tpu.iota {dimensions = array<i32: 0>} : vector<16xi32>
    %add3A_128 = arith.constant 0 : i32
    %add3A_129 = vector.broadcast %add3A_128 : i32 to vector<16xi32>
    %add3A_130 = arith.addi %iota3A, %add3A_129 : vector<16xi32>
    %broadcast_in_dim3A = arith.constant 0.000000e+00 : f32
    %broadcast_in_dim3A_131 = vector.broadcast %broadcast_in_dim3A : f32 to vector<16xf32>
    %broadcast_in_dim3A_132 = arith.constant 0 : i32
    %broadcast_in_dim3A_133 = vector.broadcast %broadcast_in_dim3A_132 : i32 to vector<16xi32>
    %gather3A = tpu.vector_load_idx %arg7[%add3A_130, %broadcast_in_dim3A_133] : memref<32x16xf32, #tpu.memory_space<vmem>>[vector<16xi32>, vector<16xi32>], vector<16xf32>,
    %add3A_134 = arith.addf %broadcast_in_dim3A_131, %gather3A : vector<16xf32>
    %broadcast_in_dim3A_135 = arith.constant 1 : i32
    %broadcast_in_dim3A_136 = vector.broadcast %broadcast_in_dim3A_135 : i32 to vector<16xi32>
    %gather3A_137 = tpu.vector_load_idx %arg7[%add3A_130, %broadcast_in_dim3A_136] : memref<32x16xf32, #tpu.memory_space<vmem>>[vector<16xi32>, vector<16xi32>], vector<16xf32>,
    %add3A_138 = arith.addf %add3A_134, %gather3A_137 : vector<16xf32>
    %broadcast_in_dim3A_139 = arith.constant 2 : i32
    %broadcast_in_dim3A_140 = vector.broadcast %broadcast_in_dim3A_139 : i32 to vector<16xi32>
    %gather3A_141 = tpu.vector_load_idx %arg7[%add3A_130, %broadcast_in_dim3A_140] : memref<32x16xf32, #tpu.memory_space<vmem>>[vector<16xi32>, vector<16xi32>], vector<16xf32>,
    %add3A_142 = arith.addf %add3A_138, %gather3A_141 : vector<16xf32>
    %broadcast_in_dim3A_143 = arith.constant 3 : i32
    %broadcast_in_dim3A_144 = vector.broadcast %broadcast_in_dim3A_143 : i32 to vector<16xi32>
    %gather3A_145 = tpu.vector_load_idx %arg7[%add3A_130, %broadcast_in_dim3A_144] : memref<32x16xf32, #tpu.memory_space<vmem>>[vector<16xi32>, vector<16xi32>], vector<16xf32>,
    %add3A_146 = arith.addf %add3A_142, %gather3A_145 : vector<16xf32>
    %broadcast_in_dim3A_147 = arith.constant 4 : i32
    %broadcast_in_dim3A_148 = vector.broadcast %broadcast_in_dim3A_147 : i32 to vector<16xi32>
    %gather3A_149 = tpu.vector_load_idx %arg7[%add3A_130, %broadcast_in_dim3A_148] : memref<32x16xf32, #tpu.memory_space<vmem>>[vector<16xi32>, vector<16xi32>], vector<16xf32>,
    %add3A_150 = arith.addf %add3A_146, %gather3A_149 : vector<16xf32>
    %broadcast_in_dim3A_151 = arith.constant 5 : i32
    %broadcast_in_dim3A_152 = vector.broadcast %broadcast_in_dim3A_151 : i32 to vector<16xi32>
    %gather3A_153 = tpu.vector_load_idx %arg7[%add3A_130, %broadcast_in_dim3A_152] : memref<32x16xf32, #tpu.memory_space<vmem>>[vector<16xi32>, vector<16xi32>], vector<16xf32>,
    %add3A_154 = arith.addf %add3A_150, %gather3A_153 : vector<16xf32>
    %broadcast_in_dim3A_155 = arith.constant 6 : i32
    %broadcast_in_dim3A_156 = vector.broadcast %broadcast_in_dim3A_155 : i32 to vector<16xi32>
    %gather3A_157 = tpu.vector_load_idx %arg7[%add3A_130, %broadcast_in_dim3A_156] : memref<32x16xf32, #tpu.memory_space<vmem>>[vector<16xi32>, vector<16xi32>], vector<16xf32>,
    %add3A_158 = arith.addf %add3A_154, %gather3A_157 : vector<16xf32>
    %broadcast_in_dim3A_159 = arith.constant 7 : i32
    %broadcast_in_dim3A_160 = vector.broadcast %broadcast_in_dim3A_159 : i32 to vector<16xi32>
    %gather3A_161 = tpu.vector_load_idx %arg7[%add3A_130, %broadcast_in_dim3A_160] : memref<32x16xf32, #tpu.memory_space<vmem>>[vector<16xi32>, vector<16xi32>], vector<16xf32>,
    %add3A_162 = arith.addf %add3A_158, %gather3A_161 : vector<16xf32>
    %broadcast_in_dim3A_163 = arith.constant 8 : i32
    %broadcast_in_dim3A_164 = vector.broadcast %broadcast_in_dim3A_163 : i32 to vector<16xi32>
    %gather3A_165 = tpu.vector_load_idx %arg7[%add3A_130, %broadcast_in_dim3A_164] : memref<32x16xf32, #tpu.memory_space<vmem>>[vector<16xi32>, vector<16xi32>], vector<16xf32>,
    %add3A_166 = arith.addf %add3A_162, %gather3A_165 : vector<16xf32>
    %broadcast_in_dim3A_167 = arith.constant 9 : i32
    %broadcast_in_dim3A_168 = vector.broadcast %broadcast_in_dim3A_167 : i32 to vector<16xi32>
    %gather3A_169 = tpu.vector_load_idx %arg7[%add3A_130, %broadcast_in_dim3A_168] : memref<32x16xf32, #tpu.memory_space<vmem>>[vector<16xi32>, vector<16xi32>], vector<16xf32>,
    %add3A_170 = arith.addf %add3A_166, %gather3A_169 : vector<16xf32>
    %broadcast_in_dim3A_171 = arith.constant 10 : i32
    %broadcast_in_dim3A_172 = vector.broadcast %broadcast_in_dim3A_171 : i32 to vector<16xi32>
    %gather3A_173 = tpu.vector_load_idx %arg7[%add3A_130, %broadcast_in_dim3A_172] : memref<32x16xf32, #tpu.memory_space<vmem>>[vector<16xi32>, vector<16xi32>], vector<16xf32>,
    %add3A_174 = arith.addf %add3A_170, %gather3A_173 : vector<16xf32>
    %broadcast_in_dim3A_175 = arith.constant 11 : i32
    %broadcast_in_dim3A_176 = vector.broadcast %broadcast_in_dim3A_175 : i32 to vector<16xi32>
    %gather3A_177 = tpu.vector_load_idx %arg7[%add3A_130, %broadcast_in_dim3A_176] : memref<32x16xf32, #tpu.memory_space<vmem>>[vector<16xi32>, vector<16xi32>], vector<16xf32>,
    %add3A_178 = arith.addf %add3A_174, %gather3A_177 : vector<16xf32>
    %broadcast_in_dim3A_179 = arith.constant 12 : i32
    %broadcast_in_dim3A_180 = vector.broadcast %broadcast_in_dim3A_179 : i32 to vector<16xi32>
    %gather3A_181 = tpu.vector_load_idx %arg7[%add3A_130, %broadcast_in_dim3A_180] : memref<32x16xf32, #tpu.memory_space<vmem>>[vector<16xi32>, vector<16xi32>], vector<16xf32>,
    %add3A_182 = arith.addf %add3A_178, %gather3A_181 : vector<16xf32>
    %broadcast_in_dim3A_183 = arith.constant 13 : i32
    %broadcast_in_dim3A_184 = vector.broadcast %broadcast_in_dim3A_183 : i32 to vector<16xi32>
    %gather3A_185 = tpu.vector_load_idx %arg7[%add3A_130, %broadcast_in_dim3A_184] : memref<32x16xf32, #tpu.memory_space<vmem>>[vector<16xi32>, vector<16xi32>], vector<16xf32>,
    %add3A_186 = arith.addf %add3A_182, %gather3A_185 : vector<16xf32>
    %broadcast_in_dim3A_187 = arith.constant 14 : i32
    %broadcast_in_dim3A_188 = vector.broadcast %broadcast_in_dim3A_187 : i32 to vector<16xi32>
    %gather3A_189 = tpu.vector_load_idx %arg7[%add3A_130, %broadcast_in_dim3A_188] : memref<32x16xf32, #tpu.memory_space<vmem>>[vector<16xi32>, vector<16xi32>], vector<16xf32>,
    %add3A_190 = arith.addf %add3A_186, %gather3A_189 : vector<16xf32>
    %broadcast_in_dim3A_191 = arith.constant 15 : i32
    %broadcast_in_dim3A_192 = vector.broadcast %broadcast_in_dim3A_191 : i32 to vector<16xi32>
    %gather3A_193 = tpu.vector_load_idx %arg7[%add3A_130, %broadcast_in_dim3A_192] : memref<32x16xf32, #tpu.memory_space<vmem>>[vector<16xi32>, vector<16xi32>], vector<16xf32>,
    %add3A_194 = arith.addf %add3A_190, %gather3A_193 : vector<16xf32>
    %swap3A = arith.constant 0 : index
    %swap3A_195 = tpu.vector_load %arg8[%swap3A] {strides = array<i32>} : memref<32xf32, #tpu.memory_space<vmem>>, vector<16xf32>,
    tpu.vector_store %arg8[%swap3A], %add3A_194 {strides = array<i32>} : memref<32xf32, #tpu.memory_space<vmem>>, vector<16xf32>,
    %iota3A_196 = tpu.iota {dimensions = array<i32: 0>} : vector<16xi32>
    %add3A_197 = arith.constant 16 : i32
    %add3A_198 = vector.broadcast %add3A_197 : i32 to vector<16xi32>
    %add3A_199 = arith.addi %iota3A_196, %add3A_198 : vector<16xi32>
    %broadcast_in_dim3A_200 = arith.constant 0.000000e+00 : f32
    %broadcast_in_dim3A_201 = vector.broadcast %broadcast_in_dim3A_200 : f32 to vector<16xf32>
    %broadcast_in_dim3A_202 = arith.constant 0 : i32
    %broadcast_in_dim3A_203 = vector.broadcast %broadcast_in_dim3A_202 : i32 to vector<16xi32>
    %gather3A_204 = tpu.vector_load_idx %arg7[%add3A_199, %broadcast_in_dim3A_203] : memref<32x16xf32, #tpu.memory_space<vmem>>[vector<16xi32>, vector<16xi32>], vector<16xf32>,
    %add3A_205 = arith.addf %broadcast_in_dim3A_201, %gather3A_204 : vector<16xf32>
    %broadcast_in_dim3A_206 = arith.constant 1 : i32
    %broadcast_in_dim3A_207 = vector.broadcast %broadcast_in_dim3A_206 : i32 to vector<16xi32>
    %gather3A_208 = tpu.vector_load_idx %arg7[%add3A_199, %broadcast_in_dim3A_207] : memref<32x16xf32, #tpu.memory_space<vmem>>[vector<16xi32>, vector<16xi32>], vector<16xf32>,
    %add3A_209 = arith.addf %add3A_205, %gather3A_208 : vector<16xf32>
    %broadcast_in_dim3A_210 = arith.constant 2 : i32
    %broadcast_in_dim3A_211 = vector.broadcast %broadcast_in_dim3A_210 : i32 to vector<16xi32>
    %gather3A_212 = tpu.vector_load_idx %arg7[%add3A_199, %broadcast_in_dim3A_211] : memref<32x16xf32, #tpu.memory_space<vmem>>[vector<16xi32>, vector<16xi32>], vector<16xf32>,
    %add3A_213 = arith.addf %add3A_209, %gather3A_212 : vector<16xf32>
    %broadcast_in_dim3A_214 = arith.constant 3 : i32
    %broadcast_in_dim3A_215 = vector.broadcast %broadcast_in_dim3A_214 : i32 to vector<16xi32>
    %gather3A_216 = tpu.vector_load_idx %arg7[%add3A_199, %broadcast_in_dim3A_215] : memref<32x16xf32, #tpu.memory_space<vmem>>[vector<16xi32>, vector<16xi32>], vector<16xf32>,
    %add3A_217 = arith.addf %add3A_213, %gather3A_216 : vector<16xf32>
    %broadcast_in_dim3A_218 = arith.constant 4 : i32
    %broadcast_in_dim3A_219 = vector.broadcast %broadcast_in_dim3A_218 : i32 to vector<16xi32>
    %gather3A_220 = tpu.vector_load_idx %arg7[%add3A_199, %broadcast_in_dim3A_219] : memref<32x16xf32, #tpu.memory_space<vmem>>[vector<16xi32>, vector<16xi32>], vector<16xf32>,
    %add3A_221 = arith.addf %add3A_217, %gather3A_220 : vector<16xf32>
    %broadcast_in_dim3A_222 = arith.constant 5 : i32
    %broadcast_in_dim3A_223 = vector.broadcast %broadcast_in_dim3A_222 : i32 to vector<16xi32>
    %gather3A_224 = tpu.vector_load_idx %arg7[%add3A_199, %broadcast_in_dim3A_223] : memref<32x16xf32, #tpu.memory_space<vmem>>[vector<16xi32>, vector<16xi32>], vector<16xf32>,
    %add3A_225 = arith.addf %add3A_221, %gather3A_224 : vector<16xf32>
    %broadcast_in_dim3A_226 = arith.constant 6 : i32
    %broadcast_in_dim3A_227 = vector.broadcast %broadcast_in_dim3A_226 : i32 to vector<16xi32>
    %gather3A_228 = tpu.vector_load_idx %arg7[%add3A_199, %broadcast_in_dim3A_227] : memref<32x16xf32, #tpu.memory_space<vmem>>[vector<16xi32>, vector<16xi32>], vector<16xf32>,
    %add3A_229 = arith.addf %add3A_225, %gather3A_228 : vector<16xf32>
    %broadcast_in_dim3A_230 = arith.constant 7 : i32
    %broadcast_in_dim3A_231 = vector.broadcast %broadcast_in_dim3A_230 : i32 to vector<16xi32>
    %gather3A_232 = tpu.vector_load_idx %arg7[%add3A_199, %broadcast_in_dim3A_231] : memref<32x16xf32, #tpu.memory_space<vmem>>[vector<16xi32>, vector<16xi32>], vector<16xf32>,
    %add3A_233 = arith.addf %add3A_229, %gather3A_232 : vector<16xf32>
    %broadcast_in_dim3A_234 = arith.constant 8 : i32
    %broadcast_in_dim3A_235 = vector.broadcast %broadcast_in_dim3A_234 : i32 to vector<16xi32>
    %gather3A_236 = tpu.vector_load_idx %arg7[%add3A_199, %broadcast_in_dim3A_235] : memref<32x16xf32, #tpu.memory_space<vmem>>[vector<16xi32>, vector<16xi32>], vector<16xf32>,
    %add3A_237 = arith.addf %add3A_233, %gather3A_236 : vector<16xf32>
    %broadcast_in_dim3A_238 = arith.constant 9 : i32
    %broadcast_in_dim3A_239 = vector.broadcast %broadcast_in_dim3A_238 : i32 to vector<16xi32>
    %gather3A_240 = tpu.vector_load_idx %arg7[%add3A_199, %broadcast_in_dim3A_239] : memref<32x16xf32, #tpu.memory_space<vmem>>[vector<16xi32>, vector<16xi32>], vector<16xf32>,
    %add3A_241 = arith.addf %add3A_237, %gather3A_240 : vector<16xf32>
    %broadcast_in_dim3A_242 = arith.constant 10 : i32
    %broadcast_in_dim3A_243 = vector.broadcast %broadcast_in_dim3A_242 : i32 to vector<16xi32>
    %gather3A_244 = tpu.vector_load_idx %arg7[%add3A_199, %broadcast_in_dim3A_243] : memref<32x16xf32, #tpu.memory_space<vmem>>[vector<16xi32>, vector<16xi32>], vector<16xf32>,
    %add3A_245 = arith.addf %add3A_241, %gather3A_244 : vector<16xf32>
    %broadcast_in_dim3A_246 = arith.constant 11 : i32
    %broadcast_in_dim3A_247 = vector.broadcast %broadcast_in_dim3A_246 : i32 to vector<16xi32>
    %gather3A_248 = tpu.vector_load_idx %arg7[%add3A_199, %broadcast_in_dim3A_247] : memref<32x16xf32, #tpu.memory_space<vmem>>[vector<16xi32>, vector<16xi32>], vector<16xf32>,
    %add3A_249 = arith.addf %add3A_245, %gather3A_248 : vector<16xf32>
    %broadcast_in_dim3A_250 = arith.constant 12 : i32
    %broadcast_in_dim3A_251 = vector.broadcast %broadcast_in_dim3A_250 : i32 to vector<16xi32>
    %gather3A_252 = tpu.vector_load_idx %arg7[%add3A_199, %broadcast_in_dim3A_251] : memref<32x16xf32, #tpu.memory_space<vmem>>[vector<16xi32>, vector<16xi32>], vector<16xf32>,
    %add3A_253 = arith.addf %add3A_249, %gather3A_252 : vector<16xf32>
    %broadcast_in_dim3A_254 = arith.constant 13 : i32
    %broadcast_in_dim3A_255 = vector.broadcast %broadcast_in_dim3A_254 : i32 to vector<16xi32>
    %gather3A_256 = tpu.vector_load_idx %arg7[%add3A_199, %broadcast_in_dim3A_255] : memref<32x16xf32, #tpu.memory_space<vmem>>[vector<16xi32>, vector<16xi32>], vector<16xf32>,
    %add3A_257 = arith.addf %add3A_253, %gather3A_256 : vector<16xf32>
    %broadcast_in_dim3A_258 = arith.constant 14 : i32
    %broadcast_in_dim3A_259 = vector.broadcast %broadcast_in_dim3A_258 : i32 to vector<16xi32>
    %gather3A_260 = tpu.vector_load_idx %arg7[%add3A_199, %broadcast_in_dim3A_259] : memref<32x16xf32, #tpu.memory_space<vmem>>[vector<16xi32>, vector<16xi32>], vector<16xf32>,
    %add3A_261 = arith.addf %add3A_257, %gather3A_260 : vector<16xf32>
    %broadcast_in_dim3A_262 = arith.constant 15 : i32
    %broadcast_in_dim3A_263 = vector.broadcast %broadcast_in_dim3A_262 : i32 to vector<16xi32>
    %gather3A_264 = tpu.vector_load_idx %arg7[%add3A_199, %broadcast_in_dim3A_263] : memref<32x16xf32, #tpu.memory_space<vmem>>[vector<16xi32>, vector<16xi32>], vector<16xf32>,
    %add3A_265 = arith.addf %add3A_261, %gather3A_264 : vector<16xf32>
    %swap3A_266 = arith.constant 16 : index
    %swap3A_267 = tpu.vector_load %arg8[%swap3A_266] {strides = array<i32>} : memref<32xf32, #tpu.memory_space<vmem>>, vector<16xf32>,
    tpu.vector_store %arg8[%swap3A_266], %add3A_265 {strides = array<i32>} : memref<32xf32, #tpu.memory_space<vmem>>, vector<16xf32>,
    "tpu.region"() ({
      %run_scoped3A = tpu.sem_alloc : memref<!tpu.dma_semaphore, #tpu.memory_space<semaphore_mem>>
      %dma_start3A_268 = tpu.memref_slice %arg4[%mul3A_2] : memref<1024xf32, #tpu.memory_space<hbm>> -> memref<32xf32, #tpu.memory_space<hbm>>
      %dma_start3A_269 = tpu.memref_slice %arg4[%mul3A_2] : memref<1024xf32, #tpu.memory_space<hbm>> -> memref<32xf32, #tpu.memory_space<hbm>>
      tpu.enqueue_dma source(%arg8 : memref<32xf32, #tpu.memory_space<vmem>>) target(%dma_start3A_269 : memref<32xf32, #tpu.memory_space<hbm>>) target_semaphore(%run_scoped3A : memref<!tpu.dma_semaphore, #tpu.memory_space<semaphore_mem>>)
      %dma_wait3A_270 = tpu.memref_slice %arg4[%mul3A_2] : memref<1024xf32, #tpu.memory_space<hbm>> -> memref<32xf32, #tpu.memory_space<hbm>>
      %dma_wait3A_271 = tpu.memref_slice %arg4[%mul3A_2] : memref<1024xf32, #tpu.memory_space<hbm>> -> memref<32xf32, #tpu.memory_space<hbm>>
      tpu.wait_dma2 semaphore(%run_scoped3A : memref<!tpu.dma_semaphore, #tpu.memory_space<semaphore_mem>>) src(%arg8 : memref<32xf32, #tpu.memory_space<vmem>>) dst(%dma_wait3A_271 : memref<32xf32, #tpu.memory_space<hbm>>)
      tpu.yield
    }) : () -> ()
    return
  }
}

module attributes {stable_mosaic.version = 14 : i64} {
  func.func @_tc_scores_body(%arg0: memref<1x1024xi32, #tpu.memory_space<vmem>>, %arg1: memref<1x1024xi32, #tpu.memory_space<vmem>>, %arg2: memref<64x1000xf32, #tpu.memory_space<vmem>>, %arg3: memref<64x1000xf32, #tpu.memory_space<vmem>>, %arg4: memref<1000x1024xi32, #tpu.memory_space<vmem>>, %arg5: memref<8x1024x128xf32, #tpu.memory_space<vmem>>, %arg6: memref<8x1024x128xi32, #tpu.memory_space<vmem>>, %arg7: memref<1x1024xf32, #tpu.memory_space<vmem>>) attributes {dimension_semantics = [], scalar_prefetch = 0 : i64, scratch_operands = 0 : i64, tpu.core_type = #tpu.core_type<tc>} {
    %iota3A = tpu.iota {dimensions = array<i32: 0>} : vector<1000x1024xi32>
    %get3A = arith.constant 0 : index
    %get3A_0 = arith.constant 0 : index
    %get3A_1 = vector.load %arg0[%get3A, %get3A_0] : memref<1x1024xi32, #tpu.memory_space<vmem>>, vector<1x1024xi32>
    %eq3A = vector.broadcast %get3A_1 : vector<1x1024xi32> to vector<1000x1024xi32>
    %eq3A_2 = arith.cmpi eq, %eq3A, %iota3A : vector<1000x1024xi32>
    %convert_element_type3A = arith.extui %eq3A_2 : vector<1000x1024xi1> to vector<1000x1024xi32>
    %convert_element_type3A_3 = arith.sitofp %convert_element_type3A : vector<1000x1024xi32> to vector<1000x1024xf32>
    %get3A_4 = arith.constant 0 : index
    %get3A_5 = arith.constant 0 : index
    %get3A_6 = vector.load %arg2[%get3A_4, %get3A_5] : memref<64x1000xf32, #tpu.memory_space<vmem>>, vector<64x1000xf32>
    %dot_general3A = arith.constant dense<0.000000e+00> : vector<64x1024xf32>
    %dot_general3A_7 = tpu.matmul %get3A_6, %convert_element_type3A_3, %dot_general3A {dimension_numbers = #tpu.dot_dimension_numbers<[1], [0], [0], [1], [0, 0, 1, 1], [], []>, transpose_lhs_hint = false} : vector<64x1000xf32>, vector<1000x1024xf32>, vector<64x1024xf32> -> vector<64x1024xf32>
    %get3A_8 = arith.constant 0 : index
    %get3A_9 = arith.constant 0 : index
    %get3A_10 = vector.load %arg3[%get3A_8, %get3A_9] : memref<64x1000xf32, #tpu.memory_space<vmem>>, vector<64x1000xf32>
    %dot_general3A_11 = arith.constant dense<0.000000e+00> : vector<1000x1024xf32>
    %dot_general3A_12 = tpu.matmul %get3A_10, %dot_general3A_7, %dot_general3A_11 {dimension_numbers = #tpu.dot_dimension_numbers<[0], [0], [1], [1], [0, 1, 1, 1], [], []>, transpose_lhs_hint = false} : vector<64x1000xf32>, vector<64x1024xf32>, vector<1000x1024xf32> -> vector<1000x1024xf32>
    %get3A_13 = arith.constant 0 : index
    %get3A_14 = arith.constant 0 : index
    %get3A_15 = vector.load %arg1[%get3A_13, %get3A_14] : memref<1x1024xi32, #tpu.memory_space<vmem>>, vector<1x1024xi32>
    %eq3A_16 = vector.broadcast %get3A_15 : vector<1x1024xi32> to vector<1000x1024xi32>
    %eq3A_17 = arith.cmpi eq, %eq3A_16, %iota3A : vector<1000x1024xi32>
    %jit3A = arith.constant 0.000000e+00 : f32
    %broadcast_in_dim3A = vector.broadcast %jit3A : f32 to vector<1000x1024xf32>
    %select_n3A = arith.select %eq3A_17, %dot_general3A_12, %broadcast_in_dim3A : vector<1000x1024xi1>, vector<1000x1024xf32>
    %reduce_sum3A = arith.constant dense<0.000000e+00> : vector<1024xf32>
    %reduce_sum3A_18 = vector.multi_reduction <add>, %select_n3A, %reduce_sum3A [0] : vector<1000x1024xf32> to vector<1024xf32>
    %broadcast_in_dim3A_19 = vector.shape_cast %reduce_sum3A_18 : vector<1024xf32> to vector<1x1024xf32>
    %swap3A = arith.constant 0 : index
    %swap3A_20 = arith.constant 0 : index
    %swap3A_21 = vector.load %arg7[%swap3A, %swap3A_20] : memref<1x1024xf32, #tpu.memory_space<vmem>>, vector<1x1024xf32>
    tpu.vector_store %arg7[%swap3A, %swap3A_20], %broadcast_in_dim3A_19 {strides = array<i32>} : memref<1x1024xf32, #tpu.memory_space<vmem>>, vector<1x1024xf32>,
    %exp3A = math.exp %dot_general3A_12 : vector<1000x1024xf32>
    %transpose3A = tpu.transpose %exp3A, [1, 0] : vector<1000x1024xf32> -> vector<1024x1000xf32>
    %get3A_22 = arith.constant 0 : index
    %get3A_23 = arith.constant 0 : index
    %get3A_24 = vector.load %arg4[%get3A_22, %get3A_23] : memref<1000x1024xi32, #tpu.memory_space<vmem>>, vector<1000x1024xi32>
    %transpose3A_25 = tpu.transpose %get3A_24, [1, 0] : vector<1000x1024xi32> -> vector<1024x1000xi32>
    %slice3A = vector.extract_strided_slice %transpose3A {offsets = [0, 0], sizes = [1024, 128], strides = [1, 1]} : vector<1024x1000xf32> to vector<1024x128xf32>
    %swap3A_26 = arith.constant 0 : index
    %swap3A_27 = arith.constant 0 : index
    %swap3A_28 = arith.constant 0 : index
    %swap3A_29 = vector.load %arg5[%swap3A_26, %swap3A_27, %swap3A_28] : memref<8x1024x128xf32, #tpu.memory_space<vmem>>, vector<1x1024x128xf32>
    %swap3A_30 = vector.shape_cast %swap3A_29 : vector<1x1024x128xf32> to vector<1024x128xf32>
    %swap3A_31 = vector.shape_cast %slice3A : vector<1024x128xf32> to vector<1x1024x128xf32>
    tpu.vector_store %arg5[%swap3A_26, %swap3A_27, %swap3A_28], %swap3A_31 {strides = array<i32>} : memref<8x1024x128xf32, #tpu.memory_space<vmem>>, vector<1x1024x128xf32>,
    %slice3A_32 = vector.extract_strided_slice %transpose3A_25 {offsets = [0, 0], sizes = [1024, 128], strides = [1, 1]} : vector<1024x1000xi32> to vector<1024x128xi32>
    %swap3A_33 = arith.constant 0 : index
    %swap3A_34 = arith.constant 0 : index
    %swap3A_35 = arith.constant 0 : index
    %swap3A_36 = vector.load %arg6[%swap3A_33, %swap3A_34, %swap3A_35] : memref<8x1024x128xi32, #tpu.memory_space<vmem>>, vector<1x1024x128xi32>
    %swap3A_37 = vector.shape_cast %swap3A_36 : vector<1x1024x128xi32> to vector<1024x128xi32>
    %swap3A_38 = vector.shape_cast %slice3A_32 : vector<1024x128xi32> to vector<1x1024x128xi32>
    tpu.vector_store %arg6[%swap3A_33, %swap3A_34, %swap3A_35], %swap3A_38 {strides = array<i32>} : memref<8x1024x128xi32, #tpu.memory_space<vmem>>, vector<1x1024x128xi32>,
    %slice3A_39 = vector.extract_strided_slice %transpose3A {offsets = [0, 128], sizes = [1024, 128], strides = [1, 1]} : vector<1024x1000xf32> to vector<1024x128xf32>
    %swap3A_40 = arith.constant 1 : index
    %swap3A_41 = arith.constant 0 : index
    %swap3A_42 = arith.constant 0 : index
    %swap3A_43 = vector.load %arg5[%swap3A_40, %swap3A_41, %swap3A_42] : memref<8x1024x128xf32, #tpu.memory_space<vmem>>, vector<1x1024x128xf32>
    %swap3A_44 = vector.shape_cast %swap3A_43 : vector<1x1024x128xf32> to vector<1024x128xf32>
    %swap3A_45 = vector.shape_cast %slice3A_39 : vector<1024x128xf32> to vector<1x1024x128xf32>
    tpu.vector_store %arg5[%swap3A_40, %swap3A_41, %swap3A_42], %swap3A_45 {strides = array<i32>} : memref<8x1024x128xf32, #tpu.memory_space<vmem>>, vector<1x1024x128xf32>,
    %slice3A_46 = vector.extract_strided_slice %transpose3A_25 {offsets = [0, 128], sizes = [1024, 128], strides = [1, 1]} : vector<1024x1000xi32> to vector<1024x128xi32>
    %swap3A_47 = arith.constant 1 : index
    %swap3A_48 = arith.constant 0 : index
    %swap3A_49 = arith.constant 0 : index
    %swap3A_50 = vector.load %arg6[%swap3A_47, %swap3A_48, %swap3A_49] : memref<8x1024x128xi32, #tpu.memory_space<vmem>>, vector<1x1024x128xi32>
    %swap3A_51 = vector.shape_cast %swap3A_50 : vector<1x1024x128xi32> to vector<1024x128xi32>
    %swap3A_52 = vector.shape_cast %slice3A_46 : vector<1024x128xi32> to vector<1x1024x128xi32>
    tpu.vector_store %arg6[%swap3A_47, %swap3A_48, %swap3A_49], %swap3A_52 {strides = array<i32>} : memref<8x1024x128xi32, #tpu.memory_space<vmem>>, vector<1x1024x128xi32>,
    %slice3A_53 = vector.extract_strided_slice %transpose3A {offsets = [0, 256], sizes = [1024, 128], strides = [1, 1]} : vector<1024x1000xf32> to vector<1024x128xf32>
    %swap3A_54 = arith.constant 2 : index
    %swap3A_55 = arith.constant 0 : index
    %swap3A_56 = arith.constant 0 : index
    %swap3A_57 = vector.load %arg5[%swap3A_54, %swap3A_55, %swap3A_56] : memref<8x1024x128xf32, #tpu.memory_space<vmem>>, vector<1x1024x128xf32>
    %swap3A_58 = vector.shape_cast %swap3A_57 : vector<1x1024x128xf32> to vector<1024x128xf32>
    %swap3A_59 = vector.shape_cast %slice3A_53 : vector<1024x128xf32> to vector<1x1024x128xf32>
    tpu.vector_store %arg5[%swap3A_54, %swap3A_55, %swap3A_56], %swap3A_59 {strides = array<i32>} : memref<8x1024x128xf32, #tpu.memory_space<vmem>>, vector<1x1024x128xf32>,
    %slice3A_60 = vector.extract_strided_slice %transpose3A_25 {offsets = [0, 256], sizes = [1024, 128], strides = [1, 1]} : vector<1024x1000xi32> to vector<1024x128xi32>
    %swap3A_61 = arith.constant 2 : index
    %swap3A_62 = arith.constant 0 : index
    %swap3A_63 = arith.constant 0 : index
    %swap3A_64 = vector.load %arg6[%swap3A_61, %swap3A_62, %swap3A_63] : memref<8x1024x128xi32, #tpu.memory_space<vmem>>, vector<1x1024x128xi32>
    %swap3A_65 = vector.shape_cast %swap3A_64 : vector<1x1024x128xi32> to vector<1024x128xi32>
    %swap3A_66 = vector.shape_cast %slice3A_60 : vector<1024x128xi32> to vector<1x1024x128xi32>
    tpu.vector_store %arg6[%swap3A_61, %swap3A_62, %swap3A_63], %swap3A_66 {strides = array<i32>} : memref<8x1024x128xi32, #tpu.memory_space<vmem>>, vector<1x1024x128xi32>,
    %slice3A_67 = vector.extract_strided_slice %transpose3A {offsets = [0, 384], sizes = [1024, 128], strides = [1, 1]} : vector<1024x1000xf32> to vector<1024x128xf32>
    %swap3A_68 = arith.constant 3 : index
    %swap3A_69 = arith.constant 0 : index
    %swap3A_70 = arith.constant 0 : index
    %swap3A_71 = vector.load %arg5[%swap3A_68, %swap3A_69, %swap3A_70] : memref<8x1024x128xf32, #tpu.memory_space<vmem>>, vector<1x1024x128xf32>
    %swap3A_72 = vector.shape_cast %swap3A_71 : vector<1x1024x128xf32> to vector<1024x128xf32>
    %swap3A_73 = vector.shape_cast %slice3A_67 : vector<1024x128xf32> to vector<1x1024x128xf32>
    tpu.vector_store %arg5[%swap3A_68, %swap3A_69, %swap3A_70], %swap3A_73 {strides = array<i32>} : memref<8x1024x128xf32, #tpu.memory_space<vmem>>, vector<1x1024x128xf32>,
    %slice3A_74 = vector.extract_strided_slice %transpose3A_25 {offsets = [0, 384], sizes = [1024, 128], strides = [1, 1]} : vector<1024x1000xi32> to vector<1024x128xi32>
    %swap3A_75 = arith.constant 3 : index
    %swap3A_76 = arith.constant 0 : index
    %swap3A_77 = arith.constant 0 : index
    %swap3A_78 = vector.load %arg6[%swap3A_75, %swap3A_76, %swap3A_77] : memref<8x1024x128xi32, #tpu.memory_space<vmem>>, vector<1x1024x128xi32>
    %swap3A_79 = vector.shape_cast %swap3A_78 : vector<1x1024x128xi32> to vector<1024x128xi32>
    %swap3A_80 = vector.shape_cast %slice3A_74 : vector<1024x128xi32> to vector<1x1024x128xi32>
    tpu.vector_store %arg6[%swap3A_75, %swap3A_76, %swap3A_77], %swap3A_80 {strides = array<i32>} : memref<8x1024x128xi32, #tpu.memory_space<vmem>>, vector<1x1024x128xi32>,
    %slice3A_81 = vector.extract_strided_slice %transpose3A {offsets = [0, 512], sizes = [1024, 128], strides = [1, 1]} : vector<1024x1000xf32> to vector<1024x128xf32>
    %swap3A_82 = arith.constant 4 : index
    %swap3A_83 = arith.constant 0 : index
    %swap3A_84 = arith.constant 0 : index
    %swap3A_85 = vector.load %arg5[%swap3A_82, %swap3A_83, %swap3A_84] : memref<8x1024x128xf32, #tpu.memory_space<vmem>>, vector<1x1024x128xf32>
    %swap3A_86 = vector.shape_cast %swap3A_85 : vector<1x1024x128xf32> to vector<1024x128xf32>
    %swap3A_87 = vector.shape_cast %slice3A_81 : vector<1024x128xf32> to vector<1x1024x128xf32>
    tpu.vector_store %arg5[%swap3A_82, %swap3A_83, %swap3A_84], %swap3A_87 {strides = array<i32>} : memref<8x1024x128xf32, #tpu.memory_space<vmem>>, vector<1x1024x128xf32>,
    %slice3A_88 = vector.extract_strided_slice %transpose3A_25 {offsets = [0, 512], sizes = [1024, 128], strides = [1, 1]} : vector<1024x1000xi32> to vector<1024x128xi32>
    %swap3A_89 = arith.constant 4 : index
    %swap3A_90 = arith.constant 0 : index
    %swap3A_91 = arith.constant 0 : index
    %swap3A_92 = vector.load %arg6[%swap3A_89, %swap3A_90, %swap3A_91] : memref<8x1024x128xi32, #tpu.memory_space<vmem>>, vector<1x1024x128xi32>
    %swap3A_93 = vector.shape_cast %swap3A_92 : vector<1x1024x128xi32> to vector<1024x128xi32>
    %swap3A_94 = vector.shape_cast %slice3A_88 : vector<1024x128xi32> to vector<1x1024x128xi32>
    tpu.vector_store %arg6[%swap3A_89, %swap3A_90, %swap3A_91], %swap3A_94 {strides = array<i32>} : memref<8x1024x128xi32, #tpu.memory_space<vmem>>, vector<1x1024x128xi32>,
    %slice3A_95 = vector.extract_strided_slice %transpose3A {offsets = [0, 640], sizes = [1024, 128], strides = [1, 1]} : vector<1024x1000xf32> to vector<1024x128xf32>
    %swap3A_96 = arith.constant 5 : index
    %swap3A_97 = arith.constant 0 : index
    %swap3A_98 = arith.constant 0 : index
    %swap3A_99 = vector.load %arg5[%swap3A_96, %swap3A_97, %swap3A_98] : memref<8x1024x128xf32, #tpu.memory_space<vmem>>, vector<1x1024x128xf32>
    %swap3A_100 = vector.shape_cast %swap3A_99 : vector<1x1024x128xf32> to vector<1024x128xf32>
    %swap3A_101 = vector.shape_cast %slice3A_95 : vector<1024x128xf32> to vector<1x1024x128xf32>
    tpu.vector_store %arg5[%swap3A_96, %swap3A_97, %swap3A_98], %swap3A_101 {strides = array<i32>} : memref<8x1024x128xf32, #tpu.memory_space<vmem>>, vector<1x1024x128xf32>,
    %slice3A_102 = vector.extract_strided_slice %transpose3A_25 {offsets = [0, 640], sizes = [1024, 128], strides = [1, 1]} : vector<1024x1000xi32> to vector<1024x128xi32>
    %swap3A_103 = arith.constant 5 : index
    %swap3A_104 = arith.constant 0 : index
    %swap3A_105 = arith.constant 0 : index
    %swap3A_106 = vector.load %arg6[%swap3A_103, %swap3A_104, %swap3A_105] : memref<8x1024x128xi32, #tpu.memory_space<vmem>>, vector<1x1024x128xi32>
    %swap3A_107 = vector.shape_cast %swap3A_106 : vector<1x1024x128xi32> to vector<1024x128xi32>
    %swap3A_108 = vector.shape_cast %slice3A_102 : vector<1024x128xi32> to vector<1x1024x128xi32>
    tpu.vector_store %arg6[%swap3A_103, %swap3A_104, %swap3A_105], %swap3A_108 {strides = array<i32>} : memref<8x1024x128xi32, #tpu.memory_space<vmem>>, vector<1x1024x128xi32>,
    %slice3A_109 = vector.extract_strided_slice %transpose3A {offsets = [0, 768], sizes = [1024, 128], strides = [1, 1]} : vector<1024x1000xf32> to vector<1024x128xf32>
    %swap3A_110 = arith.constant 6 : index
    %swap3A_111 = arith.constant 0 : index
    %swap3A_112 = arith.constant 0 : index
    %swap3A_113 = vector.load %arg5[%swap3A_110, %swap3A_111, %swap3A_112] : memref<8x1024x128xf32, #tpu.memory_space<vmem>>, vector<1x1024x128xf32>
    %swap3A_114 = vector.shape_cast %swap3A_113 : vector<1x1024x128xf32> to vector<1024x128xf32>
    %swap3A_115 = vector.shape_cast %slice3A_109 : vector<1024x128xf32> to vector<1x1024x128xf32>
    tpu.vector_store %arg5[%swap3A_110, %swap3A_111, %swap3A_112], %swap3A_115 {strides = array<i32>} : memref<8x1024x128xf32, #tpu.memory_space<vmem>>, vector<1x1024x128xf32>,
    %slice3A_116 = vector.extract_strided_slice %transpose3A_25 {offsets = [0, 768], sizes = [1024, 128], strides = [1, 1]} : vector<1024x1000xi32> to vector<1024x128xi32>
    %swap3A_117 = arith.constant 6 : index
    %swap3A_118 = arith.constant 0 : index
    %swap3A_119 = arith.constant 0 : index
    %swap3A_120 = vector.load %arg6[%swap3A_117, %swap3A_118, %swap3A_119] : memref<8x1024x128xi32, #tpu.memory_space<vmem>>, vector<1x1024x128xi32>
    %swap3A_121 = vector.shape_cast %swap3A_120 : vector<1x1024x128xi32> to vector<1024x128xi32>
    %swap3A_122 = vector.shape_cast %slice3A_116 : vector<1024x128xi32> to vector<1x1024x128xi32>
    tpu.vector_store %arg6[%swap3A_117, %swap3A_118, %swap3A_119], %swap3A_122 {strides = array<i32>} : memref<8x1024x128xi32, #tpu.memory_space<vmem>>, vector<1x1024x128xi32>,
    %slice3A_123 = vector.extract_strided_slice %transpose3A {offsets = [0, 896], sizes = [1024, 104], strides = [1, 1]} : vector<1024x1000xf32> to vector<1024x104xf32>
    %swap3A_124 = arith.constant 7 : index
    %swap3A_125 = arith.constant 0 : index
    %swap3A_126 = arith.constant 0 : index
    %swap3A_127 = vector.load %arg5[%swap3A_124, %swap3A_125, %swap3A_126] : memref<8x1024x128xf32, #tpu.memory_space<vmem>>, vector<1x1024x104xf32>
    %swap3A_128 = vector.shape_cast %swap3A_127 : vector<1x1024x104xf32> to vector<1024x104xf32>
    %swap3A_129 = vector.shape_cast %slice3A_123 : vector<1024x104xf32> to vector<1x1024x104xf32>
    tpu.vector_store %arg5[%swap3A_124, %swap3A_125, %swap3A_126], %swap3A_129 {strides = array<i32>} : memref<8x1024x128xf32, #tpu.memory_space<vmem>>, vector<1x1024x104xf32>,
    %slice3A_130 = vector.extract_strided_slice %transpose3A_25 {offsets = [0, 896], sizes = [1024, 104], strides = [1, 1]} : vector<1024x1000xi32> to vector<1024x104xi32>
    %swap3A_131 = arith.constant 7 : index
    %swap3A_132 = arith.constant 0 : index
    %swap3A_133 = arith.constant 0 : index
    %swap3A_134 = vector.load %arg6[%swap3A_131, %swap3A_132, %swap3A_133] : memref<8x1024x128xi32, #tpu.memory_space<vmem>>, vector<1x1024x104xi32>
    %swap3A_135 = vector.shape_cast %swap3A_134 : vector<1x1024x104xi32> to vector<1024x104xi32>
    %swap3A_136 = vector.shape_cast %slice3A_130 : vector<1024x104xi32> to vector<1x1024x104xi32>
    tpu.vector_store %arg6[%swap3A_131, %swap3A_132, %swap3A_133], %swap3A_136 {strides = array<i32>} : memref<8x1024x128xi32, #tpu.memory_space<vmem>>, vector<1x1024x104xi32>,
    %broadcast_in_dim3A_137 = arith.constant 0.000000e+00 : f32
    %broadcast_in_dim3A_138 = vector.broadcast %broadcast_in_dim3A_137 : f32 to vector<1024x24xf32>
    %swap3A_139 = arith.constant 7 : index
    %swap3A_140 = arith.constant 0 : index
    %swap3A_141 = arith.constant 104 : index
    %swap3A_142 = vector.load %arg5[%swap3A_139, %swap3A_140, %swap3A_141] : memref<8x1024x128xf32, #tpu.memory_space<vmem>>, vector<1x1024x24xf32>
    %swap3A_143 = vector.shape_cast %swap3A_142 : vector<1x1024x24xf32> to vector<1024x24xf32>
    %swap3A_144 = vector.shape_cast %broadcast_in_dim3A_138 : vector<1024x24xf32> to vector<1x1024x24xf32>
    tpu.vector_store %arg5[%swap3A_139, %swap3A_140, %swap3A_141], %swap3A_144 {strides = array<i32>} : memref<8x1024x128xf32, #tpu.memory_space<vmem>>, vector<1x1024x24xf32>,
    %broadcast_in_dim3A_145 = arith.constant 1000 : i32
    %broadcast_in_dim3A_146 = vector.broadcast %broadcast_in_dim3A_145 : i32 to vector<1024x24xi32>
    %swap3A_147 = arith.constant 7 : index
    %swap3A_148 = arith.constant 0 : index
    %swap3A_149 = arith.constant 104 : index
    %swap3A_150 = vector.load %arg6[%swap3A_147, %swap3A_148, %swap3A_149] : memref<8x1024x128xi32, #tpu.memory_space<vmem>>, vector<1x1024x24xi32>
    %swap3A_151 = vector.shape_cast %swap3A_150 : vector<1x1024x24xi32> to vector<1024x24xi32>
    %swap3A_152 = vector.shape_cast %broadcast_in_dim3A_146 : vector<1024x24xi32> to vector<1x1024x24xi32>
    tpu.vector_store %arg6[%swap3A_147, %swap3A_148, %swap3A_149], %swap3A_152 {strides = array<i32>} : memref<8x1024x128xi32, #tpu.memory_space<vmem>>, vector<1x1024x24xi32>,
    return
  }
}

module attributes {stable_mosaic.version = 14 : i64} {
  func.func @_tc_nll_body(%arg0: memref<1x1024xf32, #tpu.memory_space<vmem>>, %arg1: memref<1024xf32, #tpu.memory_space<vmem>>, %arg2: memref<1x1xf32, #tpu.memory_space<vmem>>) attributes {dimension_semantics = [], scalar_prefetch = 0 : i64, scratch_operands = 0 : i64, tpu.core_type = #tpu.core_type<tc>} {
    %get3A = arith.constant 0 : index
    %get3A_0 = vector.load %arg1[%get3A] : memref<1024xf32, #tpu.memory_space<vmem>>, vector<1024xf32>
    %log3A = math.log %get3A_0 : vector<1024xf32>
    %reduce_sum3A = vector.shape_cast %log3A : vector<1024xf32> to vector<1x1024xf32>
    %reduce_sum3A_1 = arith.constant dense<0.000000e+00> : vector<1xf32>
    %reduce_sum3A_2 = vector.multi_reduction <add>, %reduce_sum3A, %reduce_sum3A_1 [1] : vector<1x1024xf32> to vector<1xf32>
    %reduce_sum3A_3 = vector.shape_cast %reduce_sum3A_2 : vector<1xf32> to vector<1x1xf32>
    %reduce_sum3A_4 = vector.extract %reduce_sum3A_3[0, 0] : f32 from vector<1x1xf32>
    %div3A = arith.constant 1.024000e+03 : f32
    %div3A_5 = arith.divf %reduce_sum3A_4, %div3A : f32
    %get3A_6 = arith.constant 0 : index
    %get3A_7 = arith.constant 0 : index
    %get3A_8 = vector.load %arg0[%get3A_6, %get3A_7] : memref<1x1024xf32, #tpu.memory_space<vmem>>, vector<1x1024xf32>
    %reduce_sum3A_9 = vector.shape_cast %get3A_8 : vector<1x1024xf32> to vector<1x1x1024xf32>
    %reduce_sum3A_10 = arith.constant dense<0.000000e+00> : vector<1xf32>
    %reduce_sum3A_11 = vector.multi_reduction <add>, %reduce_sum3A_9, %reduce_sum3A_10 [1, 2] : vector<1x1x1024xf32> to vector<1xf32>
    %reduce_sum3A_12 = vector.shape_cast %reduce_sum3A_11 : vector<1xf32> to vector<1x1x1xf32>
    %reduce_sum3A_13 = vector.extract %reduce_sum3A_12[0, 0, 0] : f32 from vector<1x1x1xf32>
    %div3A_14 = arith.constant 1.024000e+03 : f32
    %div3A_15 = arith.divf %reduce_sum3A_13, %div3A_14 : f32
    %sub3A = arith.subf %div3A_5, %div3A_15 : f32
    %broadcast_in_dim3A = vector.broadcast %sub3A : f32 to vector<1x1xf32>
    %swap3A = arith.constant 0 : index
    %swap3A_16 = arith.constant 0 : index
    %swap3A_17 = vector.load %arg2[%swap3A, %swap3A_16] : memref<1x1xf32, #tpu.memory_space<vmem>>, vector<1x1xf32>
    tpu.vector_store %arg2[%swap3A, %swap3A_16], %broadcast_in_dim3A {strides = array<i32>} : memref<1x1xf32, #tpu.memory_space<vmem>>, vector<1x1xf32>,
    return
  }
}

</mosaic_0001>

<sc_bundles>
// kernel: kernel.5.cloned.1.call-start
scs
__scs_entry_jumppad:
0x0: {  	(pc) =	sbr.rel $0x88, $3  }
0x1: {  	(tag) =	ssettag $0x0;
	lr =	simm.s32 $0x1  }
0x2: {  	[smem:$0x3F9C] =	sst lr;
	_ =	strace $0xD0000000  }
0x3: {  	_ = 	snop  }
0x4: {  	_ = 	snop  }
0x5: {  	_ = 	snop  }
0x6: {  	_ = 	snop  }
0x7: {  	_ = 	snop  }
__scs_overlays_trampoline_lowered:
0x8: {  	[smem:$0x3FAB] =	sst s0  }
0x9: {  	[smem:$0x3FAC] =	sst s1  }
0xa: {  	[smem:$0x3FAD] =	sst s2  }
0xb: {  	[smem:$0x3FAE] =	sst s3  }
0xc: {  	[smem:$0x3FAF] =	sst s4  }
0xd: {  	[smem:$0x3FB0] =	sst s5  }
0xe: {  	[smem:$0x3FB1] =	sst s6  }
0xf: {  	[smem:$0x3FB2] =	sst s7  }
0x10: {  	[smem:$0x3FB3] =	sst s8  }
0x11: {  	[smem:$0x3FB4] =	sst s9;
	s0 =	simm.s32 @!p0 $0x0  }
0x12: {  	s1 =	sld [smem:$0x3F9A];
	s0 =	simm.s32 @p0 $0x1  }
0x13: {  	[smem:$0x3FB5] =	sst s0;
	s0 =	simm.s32 @!p1 $0x0  }
0x14: {  	s2 =	sld [smem:$0x3F99];
	s0 =	simm.s32 @p1 $0x1  }
0x15: {  	[smem:$0x3FB6] =	sst s0;
	s0 =	simm.s32 @!p2 $0x0  }
0x16: {  	s3 =	sld [smem:$0x3FDB];
	s0 =	simm.s32 @p2 $0x1  }
0x17: {  	s4 =	simm.s32 $0x1BF5;
	[smem:$0x3FB8] =	sst s0  }
0x18: {  	s0 =	sld [smem:$0x3F9B];
	_ =	swait.ge [sflag:s4], $0x0  }
0x19: {  	s7 =	sld [smem:$0x3F9C]  }
0x1a: {  	s8 =	sadd.s32 $0xFFFFE003, lr  }
0x1b: {  	s9 =	sadd.s32 $0xFFFFFEF7, lr;
	s5 =	simm.s32 $0xFFFFFFFF;
	p2 =	slt.u32 s8, $0xFFFFF086  }
0x1c: {  	p1 =	slt.u32 s9, $0xF7A;
	s5 =	simm.s32 @!p2 $0x0  }
0x1d: {  	s5 =	simm.s32 @p1 $0x1;
	p0 =	seq.s32 s7, s2  }
0x1e: {  	s7 =	smul.u32 @!p0 $0xF7A, s2;
	p2 =	seq.s32 @!p0 s5, $0x0  }
0x1f: {  	s9 =	smul.u32 $0xF7A, s1;
	s8 =	simm.s32 @!p0 $0x1BF5;
	p2 =	por !p2, p0  }
0x20: {  	[sflag:s8] =	ssyncset.s32 @!p0 $0xFFFFF086;
	s6 =	sadd.s32 @!p0 s3, s7;
	s7 =	simm.s32 @!p0 $0x108  }
0x21: {  	s3 =	sadd.s32 s3, s9;
	s6 =	sadd.s32 @!p0 $0x88, s6;
	s7 =	simm.s32 @p2 $0x1082  }
0x22: {  	[simem:s7], [sflag:s8] =	dma.local @!p0 [hbm:s6], $0xF7A  }
0x23: {  	s9 =	sor.u32 $0xD0000000, s2;
	s6 =	simm.s32 $0x108;
	_ =	swait.ge @!p0 [sflag:s8], $0x0  }
0x24: {  	s3 =	sadd.s32 $0x88, s3;
	s6 =	simm.s32 @!p1 $0x1082;
	[sflag:s4] =	ssyncset.s32 $0xFFFFF086  }
0x25: {  	[simem:s6], [sflag:s4] =	dma.local [hbm:s3], $0xF7A  }
0x26: {  	[smem:$0x3F9C] =	sst s1;
	(tag) =	ssettag s2;
	_ =	strace s9  }
0x27: {  	s1 =	sld [smem:$0x3FAC]  }
0x28: {  	s2 =	sld [smem:$0x3FAD]  }
0x29: {  	s4 =	sld [smem:$0x3FAF]  }
0x2a: {  	p0 =	seq.s32 s5, $0x0;
	s5 =	sld [smem:$0x3FB0]  }
0x2b: {  	s6 =	sld [smem:$0x3FB1]  }
0x2c: {  	s7 =	sld [smem:$0x3FB2]  }
0x2d: {  	s3 =	simm.s32 $0x108;
	s8 =	sld [smem:$0x3FB3]  }
0x2e: {  	s3 =	simm.s32 @!p0 $0x1082;
	s9 =	sld [smem:$0x3FB4]  }
0x2f: {  	lr =	sadd.s32 s0, s3;
	s0 =	sld [smem:$0x3FAB]  }
0x30: {  	s3 =	sld [smem:$0x3FAE]  }
0x31: {  	[smem:$0x3FB7] =	sst s10  }
0x32: {  	s10 =	sld [smem:$0x3FB5];
	_ =	sdelay $0x3  }
0x33: {  	p0 =	seq.s32 s10, $0x1;
	s10 =	sld [smem:$0x3FB7];
	_ =	sdelay $0x3  }
0x34: {  	[smem:$0x3FB7] =	sst s10  }
0x35: {  	s10 =	sld [smem:$0x3FB6];
	_ =	sdelay $0x3  }
0x36: {  	p1 =	seq.s32 s10, $0x1;
	s10 =	sld [smem:$0x3FB7];
	_ =	sdelay $0x3  }
0x37: {  	[smem:$0x3FB7] =	sst s10  }
0x38: {  	s10 =	sld [smem:$0x3FB8]  }
0x39: {  	_ = 	snop;
	(pc) =	sbr.ind lr, $3  }
0x3a: {  	_ = 	snop  }
0x3b: {  	_ = 	snop  }
0x3c: {  	p2 =	seq.s32 s10, $0x1;
	s10 =	sld [smem:$0x3FB7]  }
0x3d: {  	_ =	shalt  }
0x3e: {  	_ =	shalt  }
0x3f: {  	_ =	shalt  }
0x40: {  	_ =	shalt  }
0x41: {  	_ =	shalt  }
0x42: {  	_ =	shalt  }
0x43: {  	_ =	shalt  }
0x44: {  	_ =	shalt  }
0x45: {  	_ =	shalt  }
0x46: {  	_ =	shalt  }
0x47: {  	_ =	shalt  }
0x48: {  	_ =	shalt  }
0x49: {  	_ =	shalt  }
0x4a: {  	_ =	shalt  }
0x4b: {  	_ =	shalt  }
0x4c: {  	_ =	shalt  }
0x4d: {  	_ =	shalt  }
0x4e: {  	_ =	shalt  }
0x4f: {  	_ =	shalt  }
0x50: {  	_ =	shalt  }
0x51: {  	_ =	shalt  }
0x52: {  	_ =	shalt  }
0x53: {  	_ =	shalt  }
0x54: {  	_ =	shalt  }
0x55: {  	_ =	shalt  }
0x56: {  	_ =	shalt  }
0x57: {  	_ =	shalt  }
0x58: {  	_ =	shalt  }
0x59: {  	_ =	shalt  }
0x5a: {  	_ =	shalt  }
0x5b: {  	_ =	shalt  }
0x5c: {  	_ =	shalt  }
0x5d: {  	_ =	shalt  }
0x5e: {  	_ =	shalt  }
0x5f: {  	_ =	shalt  }
0x60: {  	_ =	shalt  }
0x61: {  	_ =	shalt  }
0x62: {  	_ =	shalt  }
0x63: {  	_ =	shalt  }
0x64: {  	_ =	shalt  }
0x65: {  	_ =	shalt  }
0x66: {  	_ =	shalt  }
0x67: {  	_ =	shalt  }
0x68: {  	_ =	shalt  }
0x69: {  	_ =	shalt  }
0x6a: {  	_ =	shalt  }
0x6b: {  	_ =	shalt  }
0x6c: {  	_ =	shalt  }
0x6d: {  	_ =	shalt  }
0x6e: {  	_ =	shalt  }
0x6f: {  	_ =	shalt  }
0x70: {  	_ =	shalt  }
0x71: {  	_ =	shalt  }
0x72: {  	_ =	shalt  }
0x73: {  	_ =	shalt  }
0x74: {  	_ =	shalt  }
0x75: {  	_ =	shalt  }
0x76: {  	_ =	shalt  }
0x77: {  	_ =	shalt  }
0x78: {  	_ =	shalt  }
0x79: {  	_ =	shalt  }
0x7a: {  	_ =	shalt  }
0x7b: {  	_ =	shalt  }
0x7c: {  	_ =	shalt  }
0x7d: {  	_ =	shalt  }
0x7e: {  	_ =	shalt  }
0x7f: {  	_ =	shalt  }
0x80: {  	_ =	shalt  }
0x81: {  	_ =	shalt  }
0x82: {  	_ =	shalt  }
0x83: {  	_ =	shalt  }
0x84: {  	_ =	shalt  }
0x85: {  	_ =	shalt  }
0x86: {  	_ =	shalt  }
0x87: {  	_ =	shalt  }
.Lfunc_end0:
.L_simem_size_0:
called_computation_lowered:
.L_overlay_start_0:
0x88: {  	s2 =	sld [smem:$0x3FD9]  }
0x89: {  	s3 =	sld [smem:$0x3FFE];
	_ =	sdelay $0x1  }
0x8a: {  	s1 =	srdreg.scid  }
0x8b: {  	s0 =	sand.u32 $0x1, s1  }
0x8c: {  	s16 =	sshll.u32 s0, $0xA;
	s2 =	sadd.s32 s3, s2  }
0x8d: {  	s2 =	sadd.s32 s2, s16  }
0x8e: {  	[smem:$0x3FC3] =	sst s2  }
0x8f: {  	_ = 	snop  }
0x90: {  	(tm) =	ssettm $0x1  }
0x91: {  	s17 =	sld [smem:$0x3FFB];
	_ =	sdelay $0x3  }
0x92: {  	_ =	strace s17  }
0x93: {  	s2 =	sld [smem:$0x3FFC];
	_ =	sdelay $0x3  }
0x94: {  	_ =	strace s2  }
0x95: {  	s2 =	sld [smem:$0x3FFD];
	_ =	sdelay $0x3  }
0x96: {  	_ =	strace s2  }
0x97: {  	_ =	strace $0x8FFFFFFF  }
0x98: {  	s18 =	sld [smem:$0x3FDB];
	_ =	sdelay $0x1  }
0x99: {  	s19 =	simm.s32 $_scs_section_size  }
0x9a: {  	s4 =	simm.s32 $_size__tile_overlayer_lowered;
	s5 =	simm.s32 $_tile_overlayer_lowered  }
0x9b: {  	s22 =	simm.s32 $0x1BFF;
	s21 =	sshll.u32 s5, $0x1;
	s2 =	sadd.s32 s19, s18  }
0x9c: {  	s6 =	simm.s32 $0x0;
	s20 =	sshll.u32 s4, $0x1;
	s4 =	sadd.s32 s21, s2  }
0x9d: {  	[timem:s6], [sflag:s22] =	dma.local [hbm:s4], s20  }
0x9e: {  	_ =	swait.ge [sflag:s22], s20  }
0x9f: {  	s3 =	ssub.s32 $0x0, s20;
	[sflag:s22] =	ssyncset.done $0x0  }
0xa0: {  	[sflag:s22] =	ssyncadd.s32 s3;
	_ =	sdelay $0x1  }
0xa1: {  	s23 =	simm.s32 $0x1B8B  }
0xa2: {  	_ =	swait.ge [sflag:s23], $0x1  }
0xa3: {  	[sflag:s23] =	ssyncset.done $0x0  }
0xa4: {  	s25 =	simm.s32 $0x1B8E;
	s24 =	sld [smem:$0x3FFE];
	[sflag:s23] =	ssyncadd.s32 $0xFFFFFFFF  }
0xa5: {  	s26 =	simm.s32 $execute0_lowered;
	[smem:$0x3FD2] =	sst s25  }
0xa6: {  	s4 =	sshll.u32 s26, $0x1;
	_ =	strace $0x80000046;
	[dreg:$0x1] =	wrdreg $0xFFFFFFFF  }
0xa7: {  	s28 =	simm.s32 $_size_execute0_lowered;
	s2 =	sadd.s32 s2, s4;
	[dreg:$0x0] =	wrdreg $0x0  }
0xa8: {  	s4 =	sshll.u32 s28, $0x1;
	[dreg:$0x2] =	wrdreg s2  }
0xa9: {  	[dreg:$0x3] =	wrdreg s4  }
0xaa: {  	[dreg:$0x4] =	wrdreg $0xC0  }
0xab: {  	_ =	task [dreg:s6], $0x5FFFF  }
0xac: {  	[dreg:$0x1] =	wrdreg $0xFFFFFFFF  }
0xad: {  	[dreg:$0x0] =	wrdreg $0x60  }
0xae: {  	[dreg:$0x2] =	wrdreg s24  }
0xaf: {  	[dreg:$0x3] =	wrdreg $0x9  }
0xb0: {  	_ =	task.clear_ibuf [dreg:s6], $0x4FFFF;
	_ =	strace $0x90000046  }
0xb1: {  	s29 =	simm.s32 $0x9;
	_ =	strace $0x80000048  }
0xb2: {  	_ =	swait.ge [sflag:s29], $0x1  }
0xb3: {  	[sflag:s29] =	ssyncadd.s32 $0xFFFFFFFF  }
0xb4: {  	_ =	strace $0x90000048  }
0xb5: {  	_ =	sfence  }
0xb6: {  	s30 =	sld [smem:$0x0];
	_ =	sdelay $0x2  }
0xb7: {  	s31 =	sshll.u32 s1, $0xD;
	s1 =	sshrl.u32 s1, $0x2  }
0xb8: {  	s3 =	sand.u32 $0x4000, s31;
	s1 =	sadd.s32 s1, s30  }
0xb9: {  	s0 =	sor.u32 s3, s0;
	s1 =	sshll.u32 s1, $0x11  }
0xba: {  	s0 =	sor.u32 s1, s0  }
0xbb: {  	s0 =	sadd.s32 $0x8F2B, s0  }
0xbc: {  	[sflag:s0] =	ssyncadd.remote.s32 $0x1  }
0xbd: {  	_ =	sfence.sel $0xFFFF  }
0xbe: {  	[dreg:$0x0] =	wrdreg $0xFFFFFFFF;
	(pc) =	sbr.abs _section_cstart, $3  }
0xbf: {  	[dreg:$0x1] =	wrdreg $0xFFFFFFFF  }
0xc0: {  	_ =	task.clear_ibuf [dreg:s6], $0x2FFFF;
	_ =	strace $0x9FFFFFFF  }
0xc1: {  	(tm) =	ssettm $0x7FFFFFFF  }
tec
execute0_lowered:
.L_overlay_start_1:
0x0: {  	(tag) =	ssettag $0x1  }
0x1: {  	s0 =	rddreg [dreg:$0x0]  }
0x2: {  	s1 =	srdreg.scid;
	s2 =	simm.s32 $0x0;
	s3 =	stileid.u32  }
0x3: {  	s1 =	sand.u32 $0x1, s1;
	[smem:$0x7FF] =	sst s2;
	s3 =	sshll.u32 s3, $0x6  }
0x4: {  	s5 =	sadd.s32 $0x1600, s0;
	s4 =	sshll.u32 s1, $0x5;
	s1 =	ssub.s32 $0x2, s1  }
0x5: {  	s6 =	sadd.s32 $0x21600, s0;
	s3 =	sor.u32 s4, s3;
	s14 =	sshrl.u32 s1, $0x1  }
0x6: {  	_ =	strace $0x80000047;
	s4 =	sshrl.u32 s3, $0x3;
	s1 =	ssub.s32 s1, s14  }
0x7: {  	s7 =	sshll.u32 s3, $0x4;
	s0 =	sadd.s32 s4, s0;
	s15 =	smax.u32 s1, $0x1  }
0x8: {  	s3 =	sadd.s32 s5, s7;
	s0 =	sadd.s32 $0x41600, s0;
	[dreg:$0x3] =	wrdreg s15  }
0x9: {  	s16 =	sadd.s32 $0x4000, s3;
	[dreg:$0x2] =	wrdreg s0  }
0xa: {  	s17 =	sadd.s32 $0x8000, s3;
	[dreg:$0x4] =	wrdreg s16  }
0xb: {  	s11 =	simm.s32 $0x1;
	s18 =	sadd.s32 $0xC000, s3;
	[dreg:$0x5] =	wrdreg s17  }
0xc: {  	s12 =	simm.s32 $0x2;
	s19 =	sadd.s32 $0x10000, s3;
	[dreg:$0x6] =	wrdreg s18  }
0xd: {  	s13 =	simm.s32 $0x10000;
	s20 =	sadd.s32 $0x14000, s3;
	[dreg:$0x7] =	wrdreg s19  }
0xe: {  	v0 =	vlaneseq.u32;
	s14 =	simm.s32 $0x3;
	s21 =	sadd.s32 $0x18000, s3;
	[dreg:$0x8] =	wrdreg s20  }
0xf: {  	v0 =	vmul.u32 $0x10, v0;
	s4 =	sadd.s32 s6, s7;
	s22 =	sadd.s32 $0x1C000, s3;
	[dreg:$0x9] =	wrdreg s21  }
0x10: {  	s8 =	sor.u32 $0x100, s7;
	s23 =	sadd.s32 $0x4000, s4;
	[dreg:$0xa] =	wrdreg s22  }
0x11: {  	v1 =	vor.u32 $0x1, v0;
	s5 =	sadd.s32 s5, s8;
	s24 =	sadd.s32 $0x8000, s4;
	[dreg:$0xb] =	wrdreg s23  }
0x12: {  	v2 =	vor.u32 $0x2, v0;
	v3 =	vor.u32 $0x3, v0;
	v4 =	vor.u32 $0x4, v0;
	s6 =	sadd.s32 s6, s8;
	s25 =	sadd.s32 $0xC000, s4;
	[dreg:$0xc] =	wrdreg s24  }
0x13: {  	v5 =	vor.u32 $0x5, v0;
	v6 =	vor.u32 $0x6, v0;
	v7 =	vor.u32 $0x7, v0;
	s26 =	sadd.s32 $0x10000, s4;
	s15 =	simm.s32 $0x0;
	[dreg:$0xd] =	wrdreg s25  }
0x14: {  	v8 =	vor.u32 $0x8, v0;
	v9 =	vor.u32 $0x9, v0;
	v10 =	vor.u32 $0xA, v0;
	[dreg:$0xe] =	wrdreg s26;
	s20 =	sadd.s32 $0x14000, s4;
	s21 =	sadd.s32 $0x18000, s4  }
0x15: {  	v11 =	vor.u32 $0xB, v0;
	v12 =	vor.u32 $0xC, v0;
	v13 =	vor.u32 $0xD, v0;
	s22 =	sadd.s32 $0x1C000, s4;
	s23 =	sadd.s32 $0x4000, s5;
	s24 =	sadd.s32 $0x8000, s5  }
0x16: {  	v14 =	vor.u32 $0xE, v0;
	v15 =	vor.u32 $0xF, v0;
	v16 =	vor.u32 $0x100, v0;
	s25 =	sadd.s32 $0xC000, s5;
	s26 =	sadd.s32 $0x10000, s5;
	s28 =	sadd.s32 $0x14000, s5  }
0x17: {  	v17 =	vor.u32 $0x101, v0;
	v18 =	vor.u32 $0x102, v0;
	v19 =	vor.u32 $0x103, v0;
	s29 =	sadd.s32 $0x18000, s5;
	s30 =	sadd.s32 $0x1C000, s5;
	s31 =	sadd.s32 $0x4000, s6  }
0x18: {  	v20 =	vor.u32 $0x104, v0;
	v21 =	vor.u32 $0x105, v0;
	v22 =	vor.u32 $0x106, v0;
	s0 =	sadd.s32 $0x8000, s6;
	s1 =	sadd.s32 $0xC000, s6;
	s7 =	sadd.s32 $0x10000, s6  }
0x19: {  	v23 =	vor.u32 $0x107, v0;
	v24 =	vor.u32 $0x108, v0;
	v25 =	vor.u32 $0x109, v0;
	s8 =	sadd.s32 $0x14000, s6;
	s9 =	sadd.s32 $0x18000, s6;
	s10 =	sadd.s32 $0x1C000, s6  }
.LBB2_1:
0x1a: {  	[tilespmem:s2], [sflag:$0x1] =	stream.linear.gather [hbm4b:s3+s2], $0x800, $0x38;
	[tilespmem:$0x10220] =	vst v63  }
0x1b: {  	s16 =	rddreg [dreg:$0x4];
	s17 =	simm.s32 $0x1000  }
0x1c: {  	[tilespmem:s17], [sflag:$0x1] =	stream.linear.gather [hbm4b:s16+s2], $0x800, $0x38;
	[tilespmem:$0x10220] =	vst v63  }
0x1d: {  	s18 =	rddreg [dreg:$0x5];
	s19 =	simm.s32 $0x2000  }
0x1e: {  	[tilespmem:s19], [sflag:$0x1] =	stream.linear.gather [hbm4b:s18+s2], $0x800, $0x38;
	[tilespmem:$0x10220] =	vst v63  }
0x1f: {  	s18 =	rddreg [dreg:$0x6];
	s19 =	simm.s32 $0x3000  }
0x20: {  	[tilespmem:s19], [sflag:$0x1] =	stream.linear.gather [hbm4b:s18+s2], $0x800, $0x38;
	[tilespmem:$0x10220] =	vst v63  }
0x21: {  	s18 =	rddreg [dreg:$0x7];
	s19 =	simm.s32 $0x4000  }
0x22: {  	[tilespmem:s19], [sflag:$0x1] =	stream.linear.gather [hbm4b:s18+s2], $0x800, $0x38;
	[tilespmem:$0x10220] =	vst v63  }
0x23: {  	s18 =	rddreg [dreg:$0x8];
	s19 =	simm.s32 $0x5000  }
0x24: {  	[tilespmem:s19], [sflag:$0x1] =	stream.linear.gather [hbm4b:s18+s2], $0x800, $0x38;
	[tilespmem:$0x10220] =	vst v63  }
0x25: {  	s18 =	rddreg [dreg:$0x9];
	s19 =	simm.s32 $0x6000  }
0x26: {  	[tilespmem:s19], [sflag:$0x1] =	stream.linear.gather [hbm4b:s18+s2], $0x800, $0x38;
	[tilespmem:$0x10220] =	vst v63  }
0x27: {  	s18 =	rddreg [dreg:$0xa];
	s19 =	simm.s32 $0x7000  }
0x28: {  	[tilespmem:s19], [sflag:$0x1] =	stream.linear.gather [hbm4b:s18+s2], $0x800, $0x38;
	[tilespmem:$0x10220] =	vst v63  }
0x29: {  	s17 =	simm.s32 $0x8000  }
0x2a: {  	[tilespmem:s17], [sflag:$0x2] =	stream.linear.gather [hbm4b:s4+s2], $0x800, $0x38;
	[tilespmem:$0x10220] =	vst v63  }
0x2b: {  	s16 =	simm.s32 $0x9000;
	s18 =	rddreg [dreg:$0xb]  }
0x2c: {  	[tilespmem:s16], [sflag:$0x2] =	stream.linear.gather [hbm4b:s18+s2], $0x800, $0x38;
	[tilespmem:$0x10220] =	vst v63  }
0x2d: {  	s19 =	rddreg [dreg:$0xc];
	s18 =	simm.s32 $0xA000  }
0x2e: {  	[tilespmem:s18], [sflag:$0x2] =	stream.linear.gather [hbm4b:s19+s2], $0x800, $0x38;
	[tilespmem:$0x10220] =	vst v63  }
0x2f: {  	s18 =	rddreg [dreg:$0xd];
	s19 =	simm.s32 $0xB000  }
0x30: {  	[tilespmem:s19], [sflag:$0x2] =	stream.linear.gather [hbm4b:s18+s2], $0x800, $0x38;
	[tilespmem:$0x10220] =	vst v63  }
0x31: {  	s18 =	rddreg [dreg:$0xe];
	s19 =	simm.s32 $0xC000  }
0x32: {  	[tilespmem:s19], [sflag:$0x2] =	stream.linear.gather [hbm4b:s18+s2], $0x800, $0x38;
	[tilespmem:$0x10220] =	vst v63  }
0x33: {  	s19 =	simm.s32 $0xD000  }
0x34: {  	[tilespmem:s19], [sflag:$0x2] =	stream.linear.gather [hbm4b:s20+s2], $0x800, $0x38;
	[tilespmem:$0x10220] =	vst v63  }
0x35: {  	s18 =	simm.s32 $0xE000  }
0x36: {  	[tilespmem:s18], [sflag:$0x2] =	stream.linear.gather [hbm4b:s21+s2], $0x800, $0x38;
	[tilespmem:$0x10220] =	vst v63  }
0x37: {  	s19 =	simm.s32 $0xF000  }
0x38: {  	[tilespmem:s19], [sflag:$0x2] =	stream.linear.gather [hbm4b:s22+s2], $0x800, $0x38;
	[tilespmem:$0x10220] =	vst v63  }
0x39: {  	s18 =	simm.s32 $0x800  }
0x3a: {  	[tilespmem:s18], [sflag:$0x1] =	stream.linear.gather [hbm4b:s5+s2], $0x800, $0x38;
	[tilespmem:$0x10220] =	vst v63  }
0x3b: {  	s19 =	simm.s32 $0x1800  }
0x3c: {  	[tilespmem:s19], [sflag:$0x1] =	stream.linear.gather [hbm4b:s23+s2], $0x800, $0x38;
	[tilespmem:$0x10220] =	vst v63  }
0x3d: {  	s18 =	simm.s32 $0x2800  }
0x3e: {  	[tilespmem:s18], [sflag:$0x1] =	stream.linear.gather [hbm4b:s24+s2], $0x800, $0x38;
	[tilespmem:$0x10220] =	vst v63  }
0x3f: {  	s19 =	simm.s32 $0x3800  }
0x40: {  	[tilespmem:s19], [sflag:$0x1] =	stream.linear.gather [hbm4b:s25+s2], $0x800, $0x38;
	[tilespmem:$0x10220] =	vst v63  }
0x41: {  	s18 =	simm.s32 $0x4800  }
0x42: {  	[tilespmem:s18], [sflag:$0x1] =	stream.linear.gather [hbm4b:s26+s2], $0x800, $0x38;
	[tilespmem:$0x10220] =	vst v63  }
0x43: {  	s19 =	simm.s32 $0x5800  }
0x44: {  	[tilespmem:s19], [sflag:$0x1] =	stream.linear.gather [hbm4b:s28+s2], $0x800, $0x38;
	[tilespmem:$0x10220] =	vst v63  }
0x45: {  	s18 =	simm.s32 $0x6800  }
0x46: {  	[tilespmem:s18], [sflag:$0x1] =	stream.linear.gather [hbm4b:s29+s2], $0x800, $0x38;
	[tilespmem:$0x10220] =	vst v63  }
0x47: {  	s19 =	simm.s32 $0x7800  }
0x48: {  	[tilespmem:s19], [sflag:$0x1] =	stream.linear.gather [hbm4b:s30+s2], $0x800, $0x38;
	[tilespmem:$0x10220] =	vst v63  }
0x49: {  	s18 =	simm.s32 $0x8800  }
0x4a: {  	[tilespmem:s18], [sflag:$0x2] =	stream.linear.gather [hbm4b:s6+s2], $0x800, $0x38;
	[tilespmem:$0x10220] =	vst v63  }
0x4b: {  	s19 =	simm.s32 $0x9800  }
0x4c: {  	[tilespmem:s19], [sflag:$0x2] =	stream.linear.gather [hbm4b:s31+s2], $0x800, $0x38;
	[tilespmem:$0x10220] =	vst v63  }
0x4d: {  	s18 =	simm.s32 $0xA800  }
0x4e: {  	[tilespmem:s18], [sflag:$0x2] =	stream.linear.gather [hbm4b:s0+s2], $0x800, $0x38;
	[tilespmem:$0x10220] =	vst v63  }
0x4f: {  	s19 =	simm.s32 $0xB800  }
0x50: {  	[tilespmem:s19], [sflag:$0x2] =	stream.linear.gather [hbm4b:s1+s2], $0x800, $0x38;
	[tilespmem:$0x10220] =	vst v63  }
0x51: {  	s18 =	simm.s32 $0xC800  }
0x52: {  	[tilespmem:s18], [sflag:$0x2] =	stream.linear.gather [hbm4b:s7+s2], $0x800, $0x38;
	[tilespmem:$0x10220] =	vst v63  }
0x53: {  	s19 =	simm.s32 $0xD800  }
0x54: {  	[tilespmem:s19], [sflag:$0x2] =	stream.linear.gather [hbm4b:s8+s2], $0x800, $0x38;
	[tilespmem:$0x10220] =	vst v63  }
0x55: {  	s18 =	simm.s32 $0xE800  }
0x56: {  	[tilespmem:s18], [sflag:$0x2] =	stream.linear.gather [hbm4b:s9+s2], $0x800, $0x38;
	[tilespmem:$0x10220] =	vst v63  }
0x57: {  	s19 =	simm.s32 $0xF800  }
0x58: {  	[tilespmem:s19], [sflag:$0x2] =	stream.linear.gather [hbm4b:s10+s2], $0x800, $0x38;
	[tilespmem:$0x10220] =	vst v63  }
0x59: {  	_ =	swait.ge [sflag:s11], $0x4000  }
0x5a: {  	[sflag:s11] =	ssyncset.done $0x0  }
0x5b: {  	[sflag:s11] =	ssyncadd.s32 $0xFFFFC000  }
0x5c: {  	_ =	swait.ge [sflag:s12], $0x4000  }
0x5d: {  	[sflag:s12] =	ssyncset.done $0x0  }
0x5e: {  	s17 =	simm.s32 $0x0;
	[sflag:s12] =	ssyncadd.s32 $0xFFFFC000  }
.LBB2_2:
0x5f: {  	v26 =	vld [tilespmem:s16+$0xFFFFF000];
	_ =	sdelay $0x1  }
0x60: {  	v27 =	vld [tilespmem:s16+$0xFFFFF010];
	_ =	sdelay $0x1  }
0x61: {  	v28 =	vld [tilespmem:s16+$0xFFFFF020]  }
0x62: {  	v29 =	vshll.u32 v26, $0x5  }
0x63: {  	v31 =	vld [tilespmem:s16+$0xFFFFF030];
	v30 =	vand.u32 $0x7F, v26;
	v29 =	vand.u32 $0xFFFFF000, v29  }
0x64: {  	s18 =	sshll.u32 s17, $0x7;
	v29 =	vor.u32 v29, v30;
	v30 =	vshll.u32 v27, $0x5  }
0x65: {  	v32 =	vld [tilespmem:s16+$0xFFFFF040];
	v26 =	vmov s18;
	v27 =	vand.u32 $0x7F, v27;
	v30 =	vand.u32 $0xFFFFF000, v30  }
0x66: {  	v29 =	vor.u32 v26, v29;
	v27 =	vor.u32 v30, v27;
	v30 =	vshll.u32 v28, $0x5  }
0x67: {  	v28 =	vand.u32 $0x7F, v28;
	v30 =	vand.u32 $0xFFFFF000, v30  }
0x68: {  	v33 =	vld [tilespmem:s16+$0xFFFFF050];
	v27 =	vor.u32 v26, v27;
	v28 =	vor.u32 v30, v28;
	v30 =	vshll.u32 v31, $0x5  }
0x69: {  	v34 =	vld [tilespmem:s16+$0xFFFFF060];
	v31 =	vand.u32 $0x7F, v31;
	v30 =	vand.u32 $0xFFFFF000, v30  }
0x6a: {  	v35 =	vld [tilespmem:s16+$0xFFFFF070];
	v28 =	vor.u32 v26, v28;
	v30 =	vor.u32 v30, v31;
	v31 =	vshll.u32 v32, $0x5  }
0x6b: {  	v29 =	vld.idx.msk [tilespmem:v29+s2+$0x0], $0xffff;
	v32 =	vand.u32 $0x7F, v32;
	v31 =	vand.u32 $0xFFFFF000, v31  }
0x6c: {  	v36 =	vld [tilespmem:s16+$0x0];
	v37 =	vimm.f32 $0.0e+00;
	v30 =	vor.u32 v26, v30;
	v31 =	vor.u32 v31, v32  }
0x6d: {  	v48 =	vshll.u32 v33, $0x5;
	v33 =	vand.u32 $0x7F, v33;
	v27 =	vld.idx.msk [tilespmem:v27+s2+$0x0], $0xffff;
	v31 =	vor.u32 v26, v31  }
0x6e: {  	v38 =	vld [tilespmem:s16+$0x10];
	v49 =	vshll.u32 v34, $0x5;
	v34 =	vand.u32 $0x7F, v34;
	v32 =	vand.u32 $0xFFFFF000, v48  }
0x6f: {  	v50 =	vshll.u32 v35, $0x5;
	v32 =	vor.u32 v32, v33;
	v33 =	vand.u32 $0xFFFFF000, v49;
	v28 =	vld.idx.msk [tilespmem:v28+s2+$0x0], $0xffff  }
0x70: {  	v51 =	vld [tilespmem:s16+$0x20];
	v32 =	vor.u32 v26, v32;
	v33 =	vor.u32 v33, v34;
	v29 =	vadd.f32 v29, v37  }
0x71: {  	v35 =	vand.u32 $0x7F, v35;
	v34 =	vand.u32 $0xFFFFF000, v50;
	v33 =	vor.u32 v26, v33;
	v30 =	vld.idx.msk [tilespmem:v30+s2+$0x0], $0xffff  }
0x72: {  	v52 =	vshll.u32 v36, $0x5;
	v27 =	vadd.f32 v27, v29;
	v29 =	vld.idx.msk [tilespmem:v31+s2+$0x0], $0xffff;
	v31 =	vor.u32 v34, v35  }
0x73: {  	v54 =	vld [tilespmem:s16+$0x30];
	v53 =	vand.u32 $0x7F, v36;
	v34 =	vand.u32 $0xFFFFF000, v52;
	v31 =	vor.u32 v26, v31  }
0x74: {  	v57 =	vld [tilespmem:s16+$0x40];
	v55 =	vshll.u32 v38, $0x5;
	v27 =	vadd.f32 v28, v27;
	v28 =	vor.u32 v34, v53  }
0x75: {  	v56 =	vand.u32 $0x7F, v38;
	v32 =	vld.idx.msk [tilespmem:v32+s2+$0x0], $0xffff;
	v35 =	vor.u32 v26, v28;
	v28 =	vand.u32 $0xFFFFF000, v55  }
0x76: {  	v39 =	vld.idx.msk [tilespmem:v33+s2+$0x0], $0xffff;
	v30 =	vadd.f32 v30, v27;
	v27 =	vor.u32 v28, v56;
	v28 =	vshll.u32 v51, $0x5  }
0x77: {  	v59 =	vand.u32 $0x7F, v51;
	v40 =	vor.u32 v26, v27;
	v58 =	vand.u32 $0xFFFFF000, v28;
	v27 =	vld [tilespmem:s16+$0x50]  }
0x78: {  	v30 =	vadd.f32 v29, v30;
	v29 =	vor.u32 v58, v59;
	v28 =	vld.idx.msk [tilespmem:v31+s2+$0x0], $0xffff;
	v31 =	vshll.u32 v54, $0x5  }
0x79: {  	v36 =	vand.u32 $0x7F, v54;
	v33 =	vor.u32 v26, v29;
	v29 =	vld [tilespmem:s16+$0x60];
	v60 =	vand.u32 $0xFFFFF000, v31  }
0x7a: {  	v61 =	vshll.u32 v57, $0x5;
	v32 =	vadd.f32 v32, v30;
	v31 =	vld.idx.msk [tilespmem:v35+s2+$0x0], $0xffff;
	v30 =	vor.u32 v60, v36  }
0x7b: {  	v63 =	vand.u32 $0x7F, v57;
	v62 =	vand.u32 $0xFFFFF000, v61;
	v34 =	vor.u32 v26, v30;
	v30 =	vld [tilespmem:s16+$0x70]  }
0x7c: {  	s19 =	sadd.s32 $0x2000, s16;
	s18 =	simm.s32 $0x0;
	v36 =	vor.u32 v62, v63;
	v35 =	vadd.f32 v39, v32;
	v32 =	vld.idx.msk [tilespmem:v40+s2+$0x0], $0xffff;
	v37 =	vshll.u32 v27, $0x5  }
.LBB2_3:
0x7d: {  	v38 =	vld [tilespmem:s19+$0xFFFFF000];
	s18 =	sadd.s32 $0x10, s18;
	v36 =	vor.u32 v26, v36;
	v37 =	vand.u32 $0xFFFFF000, v37;
	v27 =	vand.u32 $0x7F, v27  }
0x7e: {  	p0 =	slt.u32 s18, $0x30;
	v28 =	vadd.f32 v28, v35;
	v33 =	vld.idx.msk [tilespmem:v33+s2+$0x0], $0xffff;
	v27 =	vor.u32 v37, v27;
	v35 =	vshll.u32 v29, $0x5  }
0x7f: {  	v29 =	vand.u32 $0x7F, v29;
	v37 =	vld [tilespmem:s19+$0xFFFFF010];
	v27 =	vor.u32 v26, v27;
	v35 =	vand.u32 $0xFFFFF000, v35  }
0x80: {  	v28 =	vadd.f32 v31, v28;
	v31 =	vld.idx.msk [tilespmem:v34+s2+$0x0], $0xffff;
	v29 =	vor.u32 v35, v29;
	v34 =	vshll.u32 v30, $0x5  }
0x81: {  	v30 =	vand.u32 $0x7F, v30;
	v35 =	vld [tilespmem:s19+$0xFFFFF020];
	v29 =	vor.u32 v26, v29;
	v34 =	vand.u32 $0xFFFFF000, v34  }
0x82: {  	v39 =	vshll.u32 v38, $0x5;
	v28 =	vadd.f32 v32, v28;
	v32 =	vld.idx.msk [tilespmem:v36+s2+$0x0], $0xffff;
	v30 =	vor.u32 v34, v30  }
0x83: {  	v36 =	vand.u32 $0x7F, v38;
	v34 =	vand.u32 $0xFFFFF000, v39;
	v38 =	vld [tilespmem:s19+$0xFFFFF030];
	v30 =	vor.u32 v26, v30  }
0x84: {  	v34 =	vor.u32 v34, v36;
	v36 =	vshll.u32 v37, $0x5;
	v28 =	vadd.f32 v33, v28;
	v27 =	vld.idx.msk [tilespmem:v27+s2+$0x0], $0xffff  }
0x85: {  	v33 =	vor.u32 v26, v34;
	v34 =	vand.u32 $0xFFFFF000, v36;
	v36 =	vand.u32 $0x7F, v37;
	v37 =	vld [tilespmem:s19+$0xFFFFF040]  }
0x86: {  	v34 =	vor.u32 v34, v36;
	v36 =	vshll.u32 v35, $0x5;
	v28 =	vadd.f32 v31, v28;
	v29 =	vld.idx.msk [tilespmem:v29+s2+$0x0], $0xffff  }
0x87: {  	v35 =	vand.u32 $0x7F, v35;
	v31 =	vor.u32 v26, v34;
	v34 =	vand.u32 $0xFFFFF000, v36;
	v36 =	vld [tilespmem:s19+$0xFFFFF050]  }
0x88: {  	v34 =	vor.u32 v34, v35;
	v35 =	vshll.u32 v38, $0x5;
	v28 =	vadd.f32 v32, v28;
	v30 =	vld.idx.msk [tilespmem:v30+s2+$0x0], $0xffff  }
0x89: {  	v32 =	vor.u32 v26, v34;
	v34 =	vand.u32 $0xFFFFF000, v35;
	v35 =	vand.u32 $0x7F, v38;
	v38 =	vld [tilespmem:s19+$0xFFFFF060]  }
0x8a: {  	v33 =	vld.idx.msk [tilespmem:v33+s2+$0x0], $0xffff;
	v34 =	vor.u32 v34, v35;
	v35 =	vshll.u32 v37, $0x5;
	v27 =	vadd.f32 v27, v28  }
0x8b: {  	v28 =	vor.u32 v26, v34;
	v34 =	vand.u32 $0xFFFFF000, v35;
	v35 =	vand.u32 $0x7F, v37;
	v37 =	vld [tilespmem:s19+$0xFFFFF070]  }
0x8c: {  	v31 =	vld.idx.msk [tilespmem:v31+s2+$0x0], $0xffff;
	v34 =	vor.u32 v34, v35;
	v35 =	vshll.u32 v36, $0x5;
	v27 =	vadd.f32 v29, v27  }
0x8d: {  	v29 =	vor.u32 v26, v34;
	v34 =	vand.u32 $0xFFFFF000, v35;
	v35 =	vand.u32 $0x7F, v36;
	v36 =	vld [tilespmem:s19+$0x0]  }
0x8e: {  	v32 =	vld.idx.msk [tilespmem:v32+s2+$0x0], $0xffff;
	v34 =	vor.u32 v34, v35;
	v35 =	vshll.u32 v38, $0x5;
	v27 =	vadd.f32 v30, v27  }
0x8f: {  	v30 =	vor.u32 v26, v34;
	v34 =	vand.u32 $0xFFFFF000, v35;
	v35 =	vand.u32 $0x7F, v38;
	v38 =	vld [tilespmem:s19+$0x10]  }
0x90: {  	v27 =	vadd.f32 v33, v27;
	v28 =	vld.idx.msk [tilespmem:v28+s2+$0x0], $0xffff;
	v33 =	vor.u32 v34, v35;
	v34 =	vshll.u32 v37, $0x5  }
0x91: {  	v35 =	vand.u32 $0x7F, v37;
	v33 =	vor.u32 v26, v33;
	v34 =	vand.u32 $0xFFFFF000, v34;
	v37 =	vld [tilespmem:s19+$0x20]  }
0x92: {  	v27 =	vadd.f32 v31, v27;
	v29 =	vld.idx.msk [tilespmem:v29+s2+$0x0], $0xffff;
	v31 =	vor.u32 v34, v35;
	v34 =	vshll.u32 v36, $0x5  }
0x93: {  	v35 =	vand.u32 $0x7F, v36;
	v31 =	vor.u32 v26, v31;
	v34 =	vand.u32 $0xFFFFF000, v34;
	v36 =	vld [tilespmem:s19+$0x30]  }
0x94: {  	v27 =	vadd.f32 v32, v27;
	v30 =	vld.idx.msk [tilespmem:v30+s2+$0x0], $0xffff;
	v32 =	vor.u32 v34, v35;
	v34 =	vshll.u32 v38, $0x5  }
0x95: {  	v35 =	vand.u32 $0x7F, v38;
	v32 =	vor.u32 v26, v32;
	v34 =	vand.u32 $0xFFFFF000, v34;
	v38 =	vld [tilespmem:s19+$0x40]  }
0x96: {  	v28 =	vadd.f32 v28, v27;
	v39 =	vld.idx.msk [tilespmem:v33+s2+$0x0], $0xffff;
	v27 =	vor.u32 v34, v35;
	v33 =	vshll.u32 v37, $0x5  }
0x97: {  	v34 =	vand.u32 $0x7F, v37;
	v40 =	vor.u32 v26, v27;
	v33 =	vand.u32 $0xFFFFF000, v33;
	v27 =	vld [tilespmem:s19+$0x50]  }
.Ltmp0:
0x98: {  	v35 =	vadd.f32 v29, v28;
	v28 =	vld.idx.msk [tilespmem:v31+s2+$0x0], $0xffff;
	v29 =	vor.u32 v33, v34;
	v31 =	vshll.u32 v36, $0x5;
	(pc) =	sbr.rel @p0 .LBB2_3-.Ltmp0, $4  }
0x99: {  	v36 =	vand.u32 $0x7F, v36;
	v33 =	vor.u32 v26, v29;
	v34 =	vand.u32 $0xFFFFF000, v31;
	v29 =	vld [tilespmem:s19+$0x60]  }
0x9a: {  	v35 =	vadd.f32 v30, v35;
	v31 =	vld.idx.msk [tilespmem:v32+s2+$0x0], $0xffff;
	v30 =	vor.u32 v34, v36;
	v32 =	vshll.u32 v38, $0x5  }
0x9b: {  	v37 =	vand.u32 $0x7F, v38;
	v34 =	vor.u32 v26, v30;
	v36 =	vand.u32 $0xFFFFF000, v32;
	v30 =	vld [tilespmem:s19+$0x70]  }
0x9c: {  	s19 =	sadd.s32 $0x2000, s19;
	v35 =	vadd.f32 v39, v35;
	v32 =	vld.idx.msk [tilespmem:v40+s2+$0x0], $0xffff;
	v36 =	vor.u32 v36, v37;
	v37 =	vshll.u32 v27, $0x5  }
0x9d: {  	_ =	sdelay $0x1  }
0x9e: {  	v36 =	vor.u32 v26, v36  }
0x9f: {  	v37 =	vand.u32 $0xFFFFF000, v37;
	v27 =	vand.u32 $0x7F, v27;
	v28 =	vadd.f32 v28, v35  }
0xa0: {  	v33 =	vld.idx.msk [tilespmem:v33+s2+$0x0], $0xffff;
	v58 =	vshll.u32 v29, $0x5;
	v27 =	vor.u32 v37, v27;
	v59 =	vand.u32 $0x7F, v29  }
0xa1: {  	v35 =	vand.u32 $0xFFFFF000, v58;
	v27 =	vor.u32 v26, v27;
	v28 =	vadd.f32 v31, v28  }
0xa2: {  	v60 =	vld.idx.msk [tilespmem:v34+s2+$0x0], $0xffff;
	v29 =	vor.u32 v35, v59;
	v61 =	vshll.u32 v30, $0x5;
	v62 =	vand.u32 $0x7F, v30  }
0xa3: {  	v29 =	vor.u32 v26, v29;
	v34 =	vand.u32 $0xFFFFF000, v61;
	v28 =	vadd.f32 v32, v28  }
0xa4: {  	v63 =	vld.idx.msk [tilespmem:v36+s2+$0x0], $0xffff;
	v30 =	vor.u32 v34, v62  }
0xa5: {  	v26 =	vor.u32 v26, v30;
	v28 =	vadd.f32 v33, v28  }
0xa6: {  	v27 =	vld.idx.msk [tilespmem:v27+s2+$0x0], $0xffff  }
0xa7: {  	v28 =	vadd.f32 v60, v28  }
0xa8: {  	v29 =	vld.idx.msk [tilespmem:v29+s2+$0x0], $0xffff  }
0xa9: {  	v28 =	vadd.f32 v63, v28  }
0xaa: {  	v26 =	vld.idx.msk [tilespmem:v26+s2+$0x0], $0xffff  }
0xab: {  	s18 =	sshll.u32 s17, $0x4;
	s17 =	sadd.s32 $0x1, s17;
	v27 =	vadd.f32 v27, v28  }
0xac: {  	p0 =	sne.s32 s17, $0x10  }
.Ltmp1:
0xad: {  	v27 =	vadd.f32 v29, v27;
	(pc) =	sbr.rel @p0 .LBB2_2-.Ltmp1, $4  }
0xae: {  	_ = 	snop  }
0xaf: {  	v26 =	vadd.f32 v26, v27  }
0xb0: {  	s18 =	sand.u32 $0x3FFFFFF0, s18  }
0xb1: {  	s16 =	sadd.s32 $0x80, s16;
	[tilespmem:s18+$0x10000] =	vst v26  }
0xb2: {  	_ =	swait.ge [sflag:s11], $0x4000  }
0xb3: {  	[sflag:s11] =	ssyncset.done $0x0  }
0xb4: {  	[sflag:s11] =	ssyncadd.s32 $0xFFFFC000  }
0xb5: {  	_ =	swait.ge [sflag:s12], $0x4000  }
0xb6: {  	[sflag:s12] =	ssyncset.done $0x0  }
0xb7: {  	s16 =	simm.s32 $0x10;
	s17 =	simm.s32 $0x9800;
	[sflag:s12] =	ssyncadd.s32 $0xFFFFC000  }
.LBB2_6:
0xb8: {  	v26 =	vld [tilespmem:s17+$0xFFFFF000];
	_ =	sdelay $0x1  }
0xb9: {  	v27 =	vld [tilespmem:s17+$0xFFFFF010];
	_ =	sdelay $0x1  }
0xba: {  	v28 =	vld [tilespmem:s17+$0xFFFFF020]  }
0xbb: {  	v29 =	vshll.u32 v26, $0x5  }
0xbc: {  	v31 =	vld [tilespmem:s17+$0xFFFFF030];
	v30 =	vand.u32 $0x7F, v26;
	v29 =	vand.u32 $0xFFFFF000, v29  }
0xbd: {  	s18 =	sshll.u32 s16, $0x7;
	v29 =	vor.u32 v29, v30;
	v30 =	vshll.u32 v27, $0x5  }
0xbe: {  	v32 =	vld [tilespmem:s17+$0xFFFFF040];
	v26 =	vmov s18;
	v27 =	vand.u32 $0x7F, v27;
	v30 =	vand.u32 $0xFFFFF000, v30  }
0xbf: {  	v29 =	vor.u32 v26, v29;
	v27 =	vor.u32 v30, v27;
	v30 =	vshll.u32 v28, $0x5  }
0xc0: {  	v28 =	vand.u32 $0x7F, v28;
	v30 =	vand.u32 $0xFFFFF000, v30  }
0xc1: {  	v33 =	vld [tilespmem:s17+$0xFFFFF050];
	v27 =	vor.u32 v26, v27;
	v28 =	vor.u32 v30, v28;
	v30 =	vshll.u32 v31, $0x5  }
0xc2: {  	v34 =	vld [tilespmem:s17+$0xFFFFF060];
	v31 =	vand.u32 $0x7F, v31;
	v30 =	vand.u32 $0xFFFFF000, v30  }
0xc3: {  	v35 =	vld [tilespmem:s17+$0xFFFFF070];
	v28 =	vor.u32 v26, v28;
	v30 =	vor.u32 v30, v31;
	v31 =	vshll.u32 v32, $0x5  }
0xc4: {  	v29 =	vld.idx.msk [tilespmem:v29+s2+$0x0], $0xffff;
	v32 =	vand.u32 $0x7F, v32;
	v31 =	vand.u32 $0xFFFFF000, v31  }
0xc5: {  	v36 =	vld [tilespmem:s17+$0x0];
	v37 =	vimm.f32 $0.0e+00;
	v30 =	vor.u32 v26, v30;
	v31 =	vor.u32 v31, v32  }
0xc6: {  	v48 =	vshll.u32 v33, $0x5;
	v33 =	vand.u32 $0x7F, v33;
	v27 =	vld.idx.msk [tilespmem:v27+s2+$0x0], $0xffff;
	v31 =	vor.u32 v26, v31  }
0xc7: {  	v38 =	vld [tilespmem:s17+$0x10];
	v49 =	vshll.u32 v34, $0x5;
	v34 =	vand.u32 $0x7F, v34;
	v32 =	vand.u32 $0xFFFFF000, v48  }
0xc8: {  	v50 =	vshll.u32 v35, $0x5;
	v32 =	vor.u32 v32, v33;
	v33 =	vand.u32 $0xFFFFF000, v49;
	v28 =	vld.idx.msk [tilespmem:v28+s2+$0x0], $0xffff  }
0xc9: {  	v51 =	vld [tilespmem:s17+$0x20];
	v32 =	vor.u32 v26, v32;
	v33 =	vor.u32 v33, v34;
	v29 =	vadd.f32 v29, v37  }
0xca: {  	v35 =	vand.u32 $0x7F, v35;
	v34 =	vand.u32 $0xFFFFF000, v50;
	v33 =	vor.u32 v26, v33;
	v30 =	vld.idx.msk [tilespmem:v30+s2+$0x0], $0xffff  }
0xcb: {  	v52 =	vshll.u32 v36, $0x5;
	v27 =	vadd.f32 v27, v29;
	v29 =	vld.idx.msk [tilespmem:v31+s2+$0x0], $0xffff;
	v31 =	vor.u32 v34, v35  }
0xcc: {  	v54 =	vld [tilespmem:s17+$0x30];
	v53 =	vand.u32 $0x7F, v36;
	v34 =	vand.u32 $0xFFFFF000, v52;
	v31 =	vor.u32 v26, v31  }
0xcd: {  	v57 =	vld [tilespmem:s17+$0x40];
	v55 =	vshll.u32 v38, $0x5;
	v27 =	vadd.f32 v28, v27;
	v28 =	vor.u32 v34, v53  }
0xce: {  	v56 =	vand.u32 $0x7F, v38;
	v32 =	vld.idx.msk [tilespmem:v32+s2+$0x0], $0xffff;
	v35 =	vor.u32 v26, v28;
	v28 =	vand.u32 $0xFFFFF000, v55  }
0xcf: {  	v39 =	vld.idx.msk [tilespmem:v33+s2+$0x0], $0xffff;
	v30 =	vadd.f32 v30, v27;
	v27 =	vor.u32 v28, v56;
	v28 =	vshll.u32 v51, $0x5  }
0xd0: {  	v59 =	vand.u32 $0x7F, v51;
	v40 =	vor.u32 v26, v27;
	v58 =	vand.u32 $0xFFFFF000, v28;
	v27 =	vld [tilespmem:s17+$0x50]  }
0xd1: {  	v30 =	vadd.f32 v29, v30;
	v29 =	vor.u32 v58, v59;
	v28 =	vld.idx.msk [tilespmem:v31+s2+$0x0], $0xffff;
	v31 =	vshll.u32 v54, $0x5  }
0xd2: {  	v36 =	vand.u32 $0x7F, v54;
	v33 =	vor.u32 v26, v29;
	v29 =	vld [tilespmem:s17+$0x60];
	v60 =	vand.u32 $0xFFFFF000, v31  }
0xd3: {  	v61 =	vshll.u32 v57, $0x5;
	v32 =	vadd.f32 v32, v30;
	v31 =	vld.idx.msk [tilespmem:v35+s2+$0x0], $0xffff;
	v30 =	vor.u32 v60, v36  }
0xd4: {  	v63 =	vand.u32 $0x7F, v57;
	v62 =	vand.u32 $0xFFFFF000, v61;
	v34 =	vor.u32 v26, v30;
	v30 =	vld [tilespmem:s17+$0x70]  }
0xd5: {  	s19 =	sadd.s32 $0x2000, s17;
	s18 =	simm.s32 $0x0;
	v36 =	vor.u32 v62, v63;
	v35 =	vadd.f32 v39, v32;
	v32 =	vld.idx.msk [tilespmem:v40+s2+$0x0], $0xffff;
	v37 =	vshll.u32 v27, $0x5  }
.LBB2_7:
0xd6: {  	v38 =	vld [tilespmem:s19+$0xFFFFF000];
	s18 =	sadd.s32 $0x10, s18;
	v36 =	vor.u32 v26, v36;
	v37 =	vand.u32 $0xFFFFF000, v37;
	v27 =	vand.u32 $0x7F, v27  }
0xd7: {  	p0 =	slt.u32 s18, $0x30;
	v28 =	vadd.f32 v28, v35;
	v33 =	vld.idx.msk [tilespmem:v33+s2+$0x0], $0xffff;
	v27 =	vor.u32 v37, v27;
	v35 =	vshll.u32 v29, $0x5  }
0xd8: {  	v29 =	vand.u32 $0x7F, v29;
	v37 =	vld [tilespmem:s19+$0xFFFFF010];
	v27 =	vor.u32 v26, v27;
	v35 =	vand.u32 $0xFFFFF000, v35  }
0xd9: {  	v28 =	vadd.f32 v31, v28;
	v31 =	vld.idx.msk [tilespmem:v34+s2+$0x0], $0xffff;
	v29 =	vor.u32 v35, v29;
	v34 =	vshll.u32 v30, $0x5  }
0xda: {  	v30 =	vand.u32 $0x7F, v30;
	v35 =	vld [tilespmem:s19+$0xFFFFF020];
	v29 =	vor.u32 v26, v29;
	v34 =	vand.u32 $0xFFFFF000, v34  }
0xdb: {  	v39 =	vshll.u32 v38, $0x5;
	v28 =	vadd.f32 v32, v28;
	v32 =	vld.idx.msk [tilespmem:v36+s2+$0x0], $0xffff;
	v30 =	vor.u32 v34, v30  }
0xdc: {  	v36 =	vand.u32 $0x7F, v38;
	v34 =	vand.u32 $0xFFFFF000, v39;
	v38 =	vld [tilespmem:s19+$0xFFFFF030];
	v30 =	vor.u32 v26, v30  }
0xdd: {  	v34 =	vor.u32 v34, v36;
	v36 =	vshll.u32 v37, $0x5;
	v28 =	vadd.f32 v33, v28;
	v27 =	vld.idx.msk [tilespmem:v27+s2+$0x0], $0xffff  }
0xde: {  	v33 =	vor.u32 v26, v34;
	v34 =	vand.u32 $0xFFFFF000, v36;
	v36 =	vand.u32 $0x7F, v37;
	v37 =	vld [tilespmem:s19+$0xFFFFF040]  }
0xdf: {  	v34 =	vor.u32 v34, v36;
	v36 =	vshll.u32 v35, $0x5;
	v28 =	vadd.f32 v31, v28;
	v29 =	vld.idx.msk [tilespmem:v29+s2+$0x0], $0xffff  }
0xe0: {  	v35 =	vand.u32 $0x7F, v35;
	v31 =	vor.u32 v26, v34;
	v34 =	vand.u32 $0xFFFFF000, v36;
	v36 =	vld [tilespmem:s19+$0xFFFFF050]  }
0xe1: {  	v34 =	vor.u32 v34, v35;
	v35 =	vshll.u32 v38, $0x5;
	v28 =	vadd.f32 v32, v28;
	v30 =	vld.idx.msk [tilespmem:v30+s2+$0x0], $0xffff  }
0xe2: {  	v32 =	vor.u32 v26, v34;
	v34 =	vand.u32 $0xFFFFF000, v35;
	v35 =	vand.u32 $0x7F, v38;
	v38 =	vld [tilespmem:s19+$0xFFFFF060]  }
0xe3: {  	v33 =	vld.idx.msk [tilespmem:v33+s2+$0x0], $0xffff;
	v34 =	vor.u32 v34, v35;
	v35 =	vshll.u32 v37, $0x5;
	v27 =	vadd.f32 v27, v28  }
0xe4: {  	v28 =	vor.u32 v26, v34;
	v34 =	vand.u32 $0xFFFFF000, v35;
	v35 =	vand.u32 $0x7F, v37;
	v37 =	vld [tilespmem:s19+$0xFFFFF070]  }
0xe5: {  	v31 =	vld.idx.msk [tilespmem:v31+s2+$0x0], $0xffff;
	v34 =	vor.u32 v34, v35;
	v35 =	vshll.u32 v36, $0x5;
	v27 =	vadd.f32 v29, v27  }
0xe6: {  	v29 =	vor.u32 v26, v34;
	v34 =	vand.u32 $0xFFFFF000, v35;
	v35 =	vand.u32 $0x7F, v36;
	v36 =	vld [tilespmem:s19+$0x0]  }
0xe7: {  	v32 =	vld.idx.msk [tilespmem:v32+s2+$0x0], $0xffff;
	v34 =	vor.u32 v34, v35;
	v35 =	vshll.u32 v38, $0x5;
	v27 =	vadd.f32 v30, v27  }
0xe8: {  	v30 =	vor.u32 v26, v34;
	v34 =	vand.u32 $0xFFFFF000, v35;
	v35 =	vand.u32 $0x7F, v38;
	v38 =	vld [tilespmem:s19+$0x10]  }
0xe9: {  	v27 =	vadd.f32 v33, v27;
	v28 =	vld.idx.msk [tilespmem:v28+s2+$0x0], $0xffff;
	v33 =	vor.u32 v34, v35;
	v34 =	vshll.u32 v37, $0x5  }
0xea: {  	v35 =	vand.u32 $0x7F, v37;
	v33 =	vor.u32 v26, v33;
	v34 =	vand.u32 $0xFFFFF000, v34;
	v37 =	vld [tilespmem:s19+$0x20]  }
0xeb: {  	v27 =	vadd.f32 v31, v27;
	v29 =	vld.idx.msk [tilespmem:v29+s2+$0x0], $0xffff;
	v31 =	vor.u32 v34, v35;
	v34 =	vshll.u32 v36, $0x5  }
0xec: {  	v35 =	vand.u32 $0x7F, v36;
	v31 =	vor.u32 v26, v31;
	v34 =	vand.u32 $0xFFFFF000, v34;
	v36 =	vld [tilespmem:s19+$0x30]  }
0xed: {  	v27 =	vadd.f32 v32, v27;
	v30 =	vld.idx.msk [tilespmem:v30+s2+$0x0], $0xffff;
	v32 =	vor.u32 v34, v35;
	v34 =	vshll.u32 v38, $0x5  }
0xee: {  	v35 =	vand.u32 $0x7F, v38;
	v32 =	vor.u32 v26, v32;
	v34 =	vand.u32 $0xFFFFF000, v34;
	v38 =	vld [tilespmem:s19+$0x40]  }
0xef: {  	v28 =	vadd.f32 v28, v27;
	v39 =	vld.idx.msk [tilespmem:v33+s2+$0x0], $0xffff;
	v27 =	vor.u32 v34, v35;
	v33 =	vshll.u32 v37, $0x5  }
0xf0: {  	v34 =	vand.u32 $0x7F, v37;
	v40 =	vor.u32 v26, v27;
	v33 =	vand.u32 $0xFFFFF000, v33;
	v27 =	vld [tilespmem:s19+$0x50]  }
.Ltmp2:
0xf1: {  	v35 =	vadd.f32 v29, v28;
	v28 =	vld.idx.msk [tilespmem:v31+s2+$0x0], $0xffff;
	v29 =	vor.u32 v33, v34;
	v31 =	vshll.u32 v36, $0x5;
	(pc) =	sbr.rel @p0 .LBB2_7-.Ltmp2, $4  }
0xf2: {  	v36 =	vand.u32 $0x7F, v36;
	v33 =	vor.u32 v26, v29;
	v34 =	vand.u32 $0xFFFFF000, v31;
	v29 =	vld [tilespmem:s19+$0x60]  }
0xf3: {  	v35 =	vadd.f32 v30, v35;
	v31 =	vld.idx.msk [tilespmem:v32+s2+$0x0], $0xffff;
	v30 =	vor.u32 v34, v36;
	v32 =	vshll.u32 v38, $0x5  }
0xf4: {  	v37 =	vand.u32 $0x7F, v38;
	v34 =	vor.u32 v26, v30;
	v36 =	vand.u32 $0xFFFFF000, v32;
	v30 =	vld [tilespmem:s19+$0x70]  }
0xf5: {  	s19 =	sadd.s32 $0x2000, s19;
	v35 =	vadd.f32 v39, v35;
	v32 =	vld.idx.msk [tilespmem:v40+s2+$0x0], $0xffff;
	v36 =	vor.u32 v36, v37;
	v37 =	vshll.u32 v27, $0x5  }
0xf6: {  	_ =	sdelay $0x1  }
0xf7: {  	v36 =	vor.u32 v26, v36  }
0xf8: {  	v37 =	vand.u32 $0xFFFFF000, v37;
	v27 =	vand.u32 $0x7F, v27;
	v28 =	vadd.f32 v28, v35  }
0xf9: {  	v33 =	vld.idx.msk [tilespmem:v33+s2+$0x0], $0xffff;
	v58 =	vshll.u32 v29, $0x5;
	v27 =	vor.u32 v37, v27;
	v59 =	vand.u32 $0x7F, v29  }
0xfa: {  	v35 =	vand.u32 $0xFFFFF000, v58;
	v27 =	vor.u32 v26, v27;
	v28 =	vadd.f32 v31, v28  }
0xfb: {  	v60 =	vld.idx.msk [tilespmem:v34+s2+$0x0], $0xffff;
	v29 =	vor.u32 v35, v59;
	v61 =	vshll.u32 v30, $0x5;
	v62 =	vand.u32 $0x7F, v30  }
0xfc: {  	v29 =	vor.u32 v26, v29;
	v34 =	vand.u32 $0xFFFFF000, v61;
	v28 =	vadd.f32 v32, v28  }
0xfd: {  	v63 =	vld.idx.msk [tilespmem:v36+s2+$0x0], $0xffff;
	v30 =	vor.u32 v34, v62  }
0xfe: {  	v26 =	vor.u32 v26, v30;
	v28 =	vadd.f32 v33, v28  }
0xff: {  	v27 =	vld.idx.msk [tilespmem:v27+s2+$0x0], $0xffff  }
0x100: {  	v28 =	vadd.f32 v60, v28  }
0x101: {  	v29 =	vld.idx.msk [tilespmem:v29+s2+$0x0], $0xffff  }
0x102: {  	v28 =	vadd.f32 v63, v28  }
0x103: {  	v26 =	vld.idx.msk [tilespmem:v26+s2+$0x0], $0xffff  }
0x104: {  	s18 =	sshll.u32 s16, $0x4;
	s16 =	sadd.s32 $0x1, s16;
	v27 =	vadd.f32 v27, v28  }
0x105: {  	p0 =	sne.s32 s16, $0x20  }
.Ltmp3:
0x106: {  	v27 =	vadd.f32 v29, v27;
	(pc) =	sbr.rel @p0 .LBB2_6-.Ltmp3, $4  }
0x107: {  	_ = 	snop  }
0x108: {  	v26 =	vadd.f32 v26, v27  }
0x109: {  	s18 =	sand.u32 $0x3FFFFFF0, s18  }
0x10a: {  	s17 =	sadd.s32 $0x80, s17;
	[tilespmem:s18+$0x10000] =	vst v26  }
0x10b: {  	_ =	sdelay $0x3  }
0x10c: {  	v26 =	vld.idx.msk [tilespmem:v0+s13+$0x0], $0xffff;
	_ =	sdelay $0x1  }
0x10d: {  	v27 =	vld.idx.msk [tilespmem:v1+s13+$0x0], $0xffff;
	_ =	sdelay $0x1  }
0x10e: {  	v28 =	vld.idx.msk [tilespmem:v2+s13+$0x0], $0xffff  }
0x10f: {  	v26 =	vadd.f32 $0.0e+00, v26  }
0x110: {  	v29 =	vld.idx.msk [tilespmem:v3+s13+$0x0], $0xffff  }
0x111: {  	v26 =	vadd.f32 v27, v26  }
0x112: {  	v27 =	vld.idx.msk [tilespmem:v4+s13+$0x0], $0xffff  }
0x113: {  	v26 =	vadd.f32 v28, v26  }
0x114: {  	v46 =	vld.idx.msk [tilespmem:v5+s13+$0x0], $0xffff  }
0x115: {  	v26 =	vadd.f32 v29, v26  }
0x116: {  	v47 =	vld.idx.msk [tilespmem:v6+s13+$0x0], $0xffff  }
0x117: {  	v26 =	vadd.f32 v27, v26  }
0x118: {  	v27 =	vld.idx.msk [tilespmem:v7+s13+$0x0], $0xffff  }
0x119: {  	v26 =	vadd.f32 v46, v26  }
0x11a: {  	v48 =	vld.idx.msk [tilespmem:v8+s13+$0x0], $0xffff  }
0x11b: {  	v26 =	vadd.f32 v47, v26  }
0x11c: {  	v49 =	vld.idx.msk [tilespmem:v9+s13+$0x0], $0xffff  }
0x11d: {  	v26 =	vadd.f32 v27, v26  }
0x11e: {  	v27 =	vld.idx.msk [tilespmem:v10+s13+$0x0], $0xffff  }
0x11f: {  	v26 =	vadd.f32 v48, v26  }
0x120: {  	v50 =	vld.idx.msk [tilespmem:v11+s13+$0x0], $0xffff  }
0x121: {  	v26 =	vadd.f32 v49, v26  }
0x122: {  	v51 =	vld.idx.msk [tilespmem:v12+s13+$0x0], $0xffff  }
0x123: {  	v26 =	vadd.f32 v27, v26  }
0x124: {  	v27 =	vld.idx.msk [tilespmem:v13+s13+$0x0], $0xffff  }
0x125: {  	v26 =	vadd.f32 v50, v26  }
0x126: {  	v52 =	vld.idx.msk [tilespmem:v14+s13+$0x0], $0xffff  }
0x127: {  	v26 =	vadd.f32 v51, v26  }
0x128: {  	v53 =	vld.idx.msk [tilespmem:v15+s13+$0x0], $0xffff  }
0x129: {  	v26 =	vadd.f32 v27, v26;
	_ =	sdelay $0x1  }
0x12a: {  	v26 =	vadd.f32 v52, v26;
	_ =	sdelay $0x1  }
0x12b: {  	v26 =	vadd.f32 v53, v26;
	_ =	sdelay $0x1  }
0x12c: {  	[tilespmem:$0x10200] =	vst v26  }
0x12d: {  	v26 =	vld.idx.msk [tilespmem:v16+s13+$0x0], $0xffff;
	_ =	sdelay $0x1  }
0x12e: {  	v27 =	vld.idx.msk [tilespmem:v17+s13+$0x0], $0xffff;
	_ =	sdelay $0x1  }
0x12f: {  	v54 =	vld.idx.msk [tilespmem:v18+s13+$0x0], $0xffff  }
0x130: {  	v26 =	vadd.f32 $0.0e+00, v26  }
0x131: {  	v55 =	vld.idx.msk [tilespmem:v19+s13+$0x0], $0xffff  }
0x132: {  	v26 =	vadd.f32 v27, v26  }
0x133: {  	v27 =	vld.idx.msk [tilespmem:v20+s13+$0x0], $0xffff  }
0x134: {  	v26 =	vadd.f32 v54, v26  }
0x135: {  	v56 =	vld.idx.msk [tilespmem:v21+s13+$0x0], $0xffff  }
0x136: {  	v26 =	vadd.f32 v55, v26  }
0x137: {  	v57 =	vld.idx.msk [tilespmem:v22+s13+$0x0], $0xffff  }
0x138: {  	v26 =	vadd.f32 v27, v26  }
0x139: {  	v27 =	vld.idx.msk [tilespmem:v23+s13+$0x0], $0xffff  }
0x13a: {  	v58 =	vor.u32 $0x10A, v0;
	v26 =	vadd.f32 v56, v26  }
0x13b: {  	v30 =	vld.idx.msk [tilespmem:v24+s13+$0x0], $0xffff  }
0x13c: {  	v59 =	vor.u32 $0x10B, v0;
	v26 =	vadd.f32 v57, v26  }
0x13d: {  	v31 =	vld.idx.msk [tilespmem:v25+s13+$0x0], $0xffff  }
0x13e: {  	v26 =	vadd.f32 v27, v26;
	v27 =	vor.u32 $0x10C, v0  }
0x13f: {  	v28 =	vld.idx.msk [tilespmem:v58+s13+$0x0], $0xffff  }
0x140: {  	v60 =	vor.u32 $0x10D, v0;
	v26 =	vadd.f32 v30, v26  }
0x141: {  	v29 =	vld.idx.msk [tilespmem:v59+s13+$0x0], $0xffff  }
0x142: {  	v61 =	vor.u32 $0x10E, v0;
	v26 =	vadd.f32 v31, v26  }
0x143: {  	v27 =	vld.idx.msk [tilespmem:v27+s13+$0x0], $0xffff  }
0x144: {  	v62 =	vor.u32 $0x10F, v0;
	v26 =	vadd.f32 v28, v26  }
0x145: {  	v30 =	vld.idx.msk [tilespmem:v60+s13+$0x0], $0xffff  }
0x146: {  	v26 =	vadd.f32 v29, v26  }
0x147: {  	v63 =	vld.idx.msk [tilespmem:v61+s13+$0x0], $0xffff  }
0x148: {  	v26 =	vadd.f32 v27, v26  }
0x149: {  	v27 =	vld.idx.msk [tilespmem:v62+s13+$0x0], $0xffff  }
0x14a: {  	v26 =	vadd.f32 v30, v26;
	_ =	sdelay $0x1  }
0x14b: {  	v26 =	vadd.f32 v63, v26;
	_ =	sdelay $0x1  }
0x14c: {  	v26 =	vadd.f32 v27, v26;
	_ =	sdelay $0x1  }
0x14d: {  	s16 =	rddreg [dreg:$0x2];
	s17 =	simm.s32 $0x10200;
	[tilespmem:$0x10210] =	vst v26  }
0x14e: {  	[hbm4b:s16+s2] =	stream.linear.scatter [tilespmem:s17], [sflag:$0x3], $0x20, $0x38;
	[tilespmem:$0x10220] =	vst v63  }
0x14f: {  	_ =	swait.ge [sflag:s14], $0x20  }
0x150: {  	s15 =	sadd.s32 $0x1, s15;
	s19 =	rddreg [dreg:$0x3]  }
0x151: {  	p0 =	sne.s32 s15, s19  }
.Ltmp4:
0x152: {  	_ = 	snop;
	(pc) =	sbr.rel @p0 .LBB2_1-.Ltmp4, $3  }
0x153: {  	_ =	sdelay $0x1  }
0x154: {  	[sflag:s14] =	ssyncset.done $0x0  }
0x155: {  	[sflag:s14] =	ssyncadd.s32 $0xFFFFFFE0  }
0x156: {  	_ =	sfence.sel $0x180000  }
0x157: {  	[bflag:$0x0] =	sbarrier.arrive $0xFFFF  }
0x158: {  	_ =	strace $0x90000047  }
0x159: {  	s0 =	stileid.u32;
	[bflag:$0x2] =	sbarrier.arrive $0xFFFF  }
0x15a: {  	p0 =	sne.s32 s0, $0x0;
	s0 =	rddreg [dreg:$0x1]  }
0x15b: {  	s0 =	sadd.s32 @!p0 $0x100000, s0  }
0x15c: {  	[sflag:s0] =	ssyncadd.tile.s32 @!p0 $0x1;
	_ =	shalt  }
.Lfunc_end2:
_tile_overlayer_lowered:
.L_overlay_start_2:
0x15d: {  	(tag) =	ssettag $0x2  }
0x15e: {  	s0 =	rddreg [dreg:$0x0];
	s2 =	stileid.u32  }
0x15f: {  	s1 =	rddreg [dreg:$0x1];
	p0 =	sne.s32 s2, $0x0  }
0x160: {  	s3 =	rddreg [dreg:$0x2];
	[bflag:$0x3] =	sbarrier.arrive $0xFFFF;
	s2 =	simm.s32 @!p0 $0x1C03  }
0x161: {  	[timem:s3], [sflag:s2] =	dma.local @!p0 [hbm:s0], s1  }
0x162: {  	s0 =	simm.s32 @!p0 $0x3  }
0x163: {  	_ =	swait.ge @!p0 [sflag:s0], s1  }
0x164: {  	s1 =	ssub.s32 @!p0 $0x0, s1;
	[sflag:s0] =	ssyncset.done @!p0 $0x0  }
0x165: {  	[sflag:s0] =	ssyncadd.s32 @!p0 s1  }
0x166: {  	[bflag:$0x3] =	sbarrier.arrive $0xFFFF  }
0x167: {  	_ =	shalt  }

</sc_bundles>
